<compile_context>
chip_gen: v7x
topology: tpu7x:2x2x1
jax: 0.10.2.dev20260603
libtpu: 0.0.44.dev20260713+nightly
codegen_flags: <defaults>
</compile_context>

<pallas_src>
import functools

import jax
import jax.numpy as jnp
from jax import lax
from jax.experimental import pallas as pl
from jax.experimental.pallas import tpu as pltpu
from jax.experimental.pallas import tpu_sc as plsc

WIDTH = 768
HEADS = 12
HD = WIDTH // HEADS
EMB_DIM = 256
N_CODES = 8192
VOCAB = 1024
SPATIAL_DIM = 256
B = 32
T = 2
N_FRAME_TOKENS = 128
N_DYN = 8
ENC_CTX = T * (N_FRAME_TOKENS + 1)
DEC_CTX = N_FRAME_TOKENS + 1 + N_DYN + 1
S_DEC = 144
N_TOK = B * T * N_FRAME_TOKENS


def _sc_gather(table, idx):
    info = plsc.get_sparse_core_info()
    nw = info.num_cores * info.num_subcores
    b_per_w = N_TOK // nw
    mesh = plsc.VectorSubcoreMesh(core_axis_name="c", subcore_axis_name="s")

    @functools.partial(
        pl.kernel,
        mesh=mesh,
        out_type=jax.ShapeDtypeStruct((N_TOK, SPATIAL_DIM), jnp.float32),
        scratch_types=[
            pltpu.VMEM((b_per_w,), jnp.int32),
            pltpu.VMEM((b_per_w, SPATIAL_DIM), jnp.float32),
            pltpu.SemaphoreType.DMA,
        ],
    )
    def k(table_hbm, idx_hbm, out_hbm, idx_v, rows_v, sem):
        wid = lax.axis_index("s") * info.num_cores + lax.axis_index("c")
        base = wid * b_per_w
        pltpu.sync_copy(idx_hbm.at[pl.ds(base, b_per_w)], idx_v)
        pltpu.async_copy(table_hbm.at[idx_v], rows_v, sem).wait()
        pltpu.sync_copy(rows_v, out_hbm.at[pl.ds(base, b_per_w)])

    return k(table, idx)


def _xla_ln(x, g, b):
    m = jnp.mean(x, -1, keepdims=True)
    v = jnp.var(x, -1, keepdims=True)
    return (x - m) / jnp.sqrt(v + 1e-5) * g + b


def _xla_mha(x, p):
    Bx, S, D = x.shape
    H = HEADS
    qkv = x @ p['Wqkv'].T + p['bqkv']
    q, k, v = jnp.split(qkv, 3, axis=-1)

    def sp(t):
        return t.reshape(Bx, S, H, D // H).transpose(0, 2, 1, 3)

    q, k, v = sp(q), sp(k), sp(v)
    att = jax.nn.softmax(q @ k.transpose(0, 1, 3, 2) / ((D // H) ** 0.5), axis=-1)
    o = (att @ v).transpose(0, 2, 1, 3).reshape(Bx, S, D)
    return o @ p['Wo'].T + p['bo']


def _xla_block(x, p):
    x = x + _xla_mha(_xla_ln(x, p['ln1_g'], p['ln1_b']), p)
    h = _xla_ln(x, p['ln2_g'], p['ln2_b'])
    h = jax.nn.gelu(h @ p['Wfc'].T + p['bfc'])
    return x + h @ p['Wproj'].T + p['bproj']


def _ln(x, g, b):
    m = jnp.mean(x, -1, keepdims=True)
    v = jnp.mean((x - m) ** 2, -1, keepdims=True)
    return (x - m) / jnp.sqrt(v + 1e-5) * g + b


def _dot_t(a, b):
    return lax.dot_general(a, b, (((1,), (1,)), ((), ())),
                           preferred_element_type=jnp.float32)


def _make_block(S, real_len, mode, bb):

    def body(x_ref, ln1g, ln1b, wqkv, bqkv, wo, bo, ln2g, ln2b,
             wfc, bfc, wproj, bproj, *rest):
        if mode == "plain":
            (o_ref,) = rest
        else:
            wextra, o_ref = rest
        xf = x_ref[...].reshape(bb * S, WIDTH)
        h1 = _ln(xf, ln1g[...], ln1b[...])
        qkv = _dot_t(h1, wqkv[...]) + bqkv[...]
        qs = qkv[:, :WIDTH] * (HD ** -0.5)
        mask_bias = jnp.where(
            lax.broadcasted_iota(jnp.int32, (1, S), 1) < real_len, 0.0, -1e30)
        rows = []
        for bi in range(bb):
            outs = []
            for hh in range(HEADS):
                q = qs[bi * S:(bi + 1) * S, hh * HD:(hh + 1) * HD]
                k = qkv[bi * S:(bi + 1) * S, WIDTH + hh * HD:WIDTH + (hh + 1) * HD]
                v = qkv[bi * S:(bi + 1) * S, 2 * WIDTH + hh * HD:2 * WIDTH + (hh + 1) * HD]
                s = _dot_t(q, k) + mask_bias
                s = s - jnp.max(s, -1, keepdims=True)
                e = jnp.exp(s)
                att = e / jnp.sum(e, -1, keepdims=True)
                outs.append(lax.dot_general(att, v, (((1,), (0,)), ((), ())),
                                            preferred_element_type=jnp.float32))
            rows.append(jnp.concatenate(outs, axis=1))
        o = jnp.concatenate(rows, axis=0)
        xf = xf + _dot_t(o, wo[...]) + bo[...]
        h2 = _ln(xf, ln2g[...], ln2b[...])
        h2 = jax.nn.gelu(_dot_t(h2, wfc[...]) + bfc[...])
        out = xf + _dot_t(h2, wproj[...]) + bproj[...]
        if mode == "plain":
            o_ref[...] = out.reshape(bb, S, WIDTH)
        else:
            o_ref[...] = _dot_t(out, wextra[...]).reshape(bb, S, VOCAB)

    return body


def _block_call(xb, lp, S, real_len, extra=None, mode="plain", bb=4):
    v = lambda a: a.reshape(1, -1)
    inputs = [xb, v(lp["ln1_g"]), v(lp["ln1_b"]), lp["Wqkv"], v(lp["bqkv"]),
              lp["Wo"], v(lp["bo"]), v(lp["ln2_g"]), v(lp["ln2_b"]),
              lp["Wfc"], v(lp["bfc"]), lp["Wproj"], v(lp["bproj"])]
    if extra is not None:
        inputs.append(extra)

    def full_spec(shape):
        return pl.BlockSpec(shape, lambda b: (0,) * len(shape))

    in_specs = [pl.BlockSpec((bb, S, WIDTH), lambda b: (b, 0, 0))]
    in_specs += [full_spec(a.shape) for a in inputs[1:]]
    if mode == "plain":
        out_sh, blk = (B, S, WIDTH), (bb, S, WIDTH)
    else:
        out_sh, blk = (B, S, VOCAB), (bb, S, VOCAB)
    return pl.pallas_call(
        _make_block(S, real_len, mode, bb),
        grid=(B // bb,),
        in_specs=in_specs,
        out_specs=pl.BlockSpec(blk, lambda b: (b, 0, 0)),
        out_shape=jax.ShapeDtypeStruct(out_sh, jnp.float32),
    )(*inputs)


def _vq_body(f_ref, cb_ref, f2_ref, c2_ref, w_ref, fq_ref, loss_ref, perp_ref):
    f = f_ref[...]
    cb = cb_ref[...]
    mm = _dot_t(f, cb)
    d = (f2_ref[...] + c2_ref[...]) - 2.0 * mm
    dmin = jnp.min(d, axis=1, keepdims=True)
    j = lax.broadcasted_iota(jnp.int32, (B * N_DYN, N_CODES), 1)
    idx = jnp.min(jnp.where(d == dmin, j, N_CODES), axis=1, keepdims=True)
    onehot = (j == idx).astype(jnp.float32)
    q = lax.dot_general(onehot, cb, (((1,), (0,)), ((), ())),
                        preferred_element_type=jnp.float32)
    diff = q - f
    one = jnp.ones((1, 1), jnp.float32)
    loss_ref[...] = ((1.0 + 0.25) * jnp.mean(diff * diff)) * one
    avg = jnp.sum(onehot, axis=0, keepdims=True) * (1.0 / (B * N_DYN))
    perp_ref[...] = jnp.exp(-jnp.sum(avg * jnp.log(avg + 1e-10))) * one
    fq_ref[...] = _dot_t(q, w_ref[...])


def _vq(flat, codebook, f2, c2, diff_proj_w):
    return pl.pallas_call(
        _vq_body,
        out_shape=[
            jax.ShapeDtypeStruct((B * N_DYN, WIDTH), jnp.float32),
            jax.ShapeDtypeStruct((1, 1), jnp.float32),
            jax.ShapeDtypeStruct((1, 1), jnp.float32),
        ],
    )(flat, codebook, f2, c2, diff_proj_w)


def kernel(x, params):
    p = params
    xi = x.reshape(-1).astype(jnp.int32)
    gathered = _sc_gather(p["spatial_embeddings"], xi)
    gathered = gathered.reshape(B, T, N_FRAME_TOKENS, SPATIAL_DIM)
    embs = gathered @ p["frame_proj_W"].T

    delim_e = jnp.broadcast_to(p["enc_delim"], (B, T, 1, WIDTH))
    e = jnp.concatenate([embs, delim_e], axis=-2).reshape(B, ENC_CTX, WIDTH)
    e = e + p["enc_pos"][None]
    h = e
    for lp in p["enc_layers"]:
        h = _xla_block(h, lp)
    h = h @ p["enc_proj_W"].T
    flat = h[:, :N_DYN].reshape(-1, EMB_DIM)
    cb = p["codebook"]
    f2 = jnp.sum(flat ** 2, 1, keepdims=True)
    c2 = jnp.sum(cb ** 2, 1).reshape(1, N_CODES)

    fq_flat, latent, perp = _vq(flat, cb, f2, c2, p["diff_proj_W"])
    fq = fq_flat.reshape(B, N_DYN, WIDTH)

    x0 = embs[:, 0]
    delim_d = jnp.broadcast_to(p["dec_delim"], (B, 1, WIDTH))
    fx = jnp.concatenate([x0, delim_d, fq, delim_d], axis=1)
    fx = fx + p["dec_pos"][None]
    fx = jnp.pad(fx, ((0, 0), (0, S_DEC - DEC_CTX), (0, 0)))

    y = fx
    for i, lp in enumerate(p["dec_layers"]):
        if i == len(p["dec_layers"]) - 1:
            y = _block_call(y, lp, S_DEC, DEC_CTX,
                            extra=p["pred_head_W"], mode="head")
        else:
            y = _block_call(y, lp, S_DEC, DEC_CTX)
    logits = y[:, :DEC_CTX]
    return logits, latent.reshape(()), perp.reshape(())

# --- scband reference (transcript-rebuilt; emitter-appended) ---
"""Pipeline reference for scband-vqvideo-197568496139 (READ-ONLY COPY).

The authoritative reference and input builder live on the scoring server;
editing this copy changes nothing except your own understanding.
"""

import jax, jax.numpy as jnp
import numpy as np

WIDTH = 768
HEADS = 12
ENC_LAYERS = 4
DEC_LAYERS = 4
N_FRAME_TOKENS = 128
N_DYN = 8
EMB_DIM = 256
N_CODES = 8192
VOCAB = 1024
SPATIAL_DIM = 256
B = 32
T = 2
ENC_CTX = T * (N_FRAME_TOKENS + 1)
DEC_CTX = N_FRAME_TOKENS + 1 + N_DYN + 1
COMMIT = 0.25


def _layer_params(key, d):
    ks = jax.random.split(key, 6)
    attn_std = d ** -0.5
    proj_std = d ** -0.5 * (2 * ENC_LAYERS) ** -0.5
    fc_std = (2 * d) ** -0.5
    return {
        'ln1_g': jnp.ones((d,), jnp.float32), 'ln1_b': jnp.zeros((d,), jnp.float32),
        'Wqkv': jax.random.normal(ks[0], (3 * d, d), jnp.float32) * attn_std,
        'bqkv': jnp.zeros((3 * d,), jnp.float32),
        'Wo': jax.random.normal(ks[1], (d, d), jnp.float32) * proj_std,
        'bo': jnp.zeros((d,), jnp.float32),
        'ln2_g': jnp.ones((d,), jnp.float32), 'ln2_b': jnp.zeros((d,), jnp.float32),
        'Wfc': jax.random.normal(ks[2], (4 * d, d), jnp.float32) * fc_std,
        'bfc': jnp.zeros((4 * d,), jnp.float32),
        'Wproj': jax.random.normal(ks[3], (d, 4 * d), jnp.float32) * proj_std,
        'bproj': jnp.zeros((d,), jnp.float32),
    }


def setup_inputs(seed: int = 0):
    key = jax.random.key(seed)
    ks = jax.random.split(key, 16)
    x = jax.random.randint(ks[0], (B, T, N_FRAME_TOKENS), 0, VOCAB)
    params = {
        'spatial_embeddings': jax.random.normal(ks[1], (VOCAB, SPATIAL_DIM), jnp.float32) * 0.02,
        'frame_proj_W': jax.random.normal(ks[2], (WIDTH, SPATIAL_DIM), jnp.float32) * SPATIAL_DIM ** -0.5,
        'diff_proj_W': jax.random.normal(ks[3], (WIDTH, EMB_DIM), jnp.float32) * EMB_DIM ** -0.5,
        'codebook': jax.random.uniform(ks[4], (N_CODES, EMB_DIM), jnp.float32, -1.0 / N_CODES, 1.0 / N_CODES),
        'enc_layers': [_layer_params(jax.random.fold_in(ks[5], i), WIDTH) for i in range(ENC_LAYERS)],
        'dec_layers': [_layer_params(jax.random.fold_in(ks[6], i), WIDTH) for i in range(DEC_LAYERS)],
        'enc_pos': jax.random.normal(ks[7], (ENC_CTX, WIDTH), jnp.float32) * 0.01,
        'dec_pos': jax.random.normal(ks[8], (DEC_CTX, WIDTH), jnp.float32) * 0.01,
        'enc_delim': jax.random.normal(ks[9], (WIDTH,), jnp.float32) * WIDTH ** -0.5,
        'dec_delim': jax.random.normal(ks[10], (WIDTH,), jnp.float32) * WIDTH ** -0.5,
        'enc_proj_W': jax.random.normal(ks[11], (EMB_DIM, WIDTH), jnp.float32) * WIDTH ** -0.5,
        'pred_head_W': jax.random.normal(ks[12], (VOCAB, WIDTH), jnp.float32) * 0.02,
    }
    return {'x': x, 'params': params}


def _ln(x, g, b):
    m = jnp.mean(x, -1, keepdims=True)
    v = jnp.var(x, -1, keepdims=True)
    return (x - m) / jnp.sqrt(v + 1e-5) * g + b


def _mha(x, p):
    Bx, S, D = x.shape
    H = HEADS
    qkv = x @ p['Wqkv'].T + p['bqkv']
    q, k, v = jnp.split(qkv, 3, axis=-1)
    def sp(t):
        return t.reshape(Bx, S, H, D // H).transpose(0, 2, 1, 3)
    q, k, v = sp(q), sp(k), sp(v)
    att = jax.nn.softmax(q @ k.transpose(0, 1, 3, 2) / ((D // H) ** 0.5), axis=-1)
    o = (att @ v).transpose(0, 2, 1, 3).reshape(Bx, S, D)
    return o @ p['Wo'].T + p['bo']


def _block(x, p):
    x = x + _mha(_ln(x, p['ln1_g'], p['ln1_b']), p)
    h = _ln(x, p['ln2_g'], p['ln2_b'])
    h = jax.nn.gelu(h @ p['Wfc'].T + p['bfc'])
    return x + h @ p['Wproj'].T + p['bproj']


def _transformer(x, layers):
    for p in layers:
        x = _block(x, p)
    return x


def _forward(x, params):
    embs = params['spatial_embeddings'][x]
    embs = embs @ params['frame_proj_W'].T
    delim_e = jnp.broadcast_to(params['enc_delim'], (B, T, 1, WIDTH))
    e = jnp.concatenate([embs, delim_e], axis=-2).reshape(B, ENC_CTX, WIDTH)
    e = e + params['enc_pos'][None]
    h = _transformer(e, params['enc_layers'])
    h = h @ params['enc_proj_W'].T
    f_emb = h[:, :N_DYN]
    flat = f_emb.reshape(-1, EMB_DIM)
    cb = params['codebook']
    d = jnp.sum(flat ** 2, 1, keepdims=True) + jnp.sum(cb ** 2, 1) - 2.0 * flat @ cb.T
    idx = jnp.argmin(d, axis=1)
    enc_onehot = jax.nn.one_hot(idx, N_CODES, dtype=flat.dtype)
    quantized = (enc_onehot @ cb).reshape(f_emb.shape)
    e_loss = jnp.mean((jax.lax.stop_gradient(quantized) - f_emb) ** 2)
    q_loss = jnp.mean((quantized - jax.lax.stop_gradient(f_emb)) ** 2)
    latent_loss = q_loss + COMMIT * e_loss
    quantized_st = f_emb + jax.lax.stop_gradient(quantized - f_emb)
    avg_probs = jnp.mean(enc_onehot, axis=0)
    perplexity = jnp.exp(-jnp.sum(avg_probs * jnp.log(avg_probs + 1e-10)))
    fq = quantized_st @ params['diff_proj_W'].T
    x0 = embs[:, 0]
    delim_d = jnp.broadcast_to(params['dec_delim'], (B, 1, WIDTH))
    fx = jnp.concatenate([x0, delim_d, fq, delim_d], axis=1)
    fx = fx + params['dec_pos'][None]
    y = _transformer(fx, params['dec_layers'])
    logits = y @ params['pred_head_W'].T
    return logits, latent_loss, perplexity


def reference(x, params):
    return _forward(x, params)

if __name__ == "__main__":
    import jax
    _d = setup_inputs()
    print(jax.jit(kernel)(*tuple(_d.values())))

</pallas_src>

<mosaic_0001>
#map = affine_map<(d0, d1) -> (0, 0)>
#map1 = affine_map<(d0, d1) -> (0)>
module attributes {stable_mosaic.version = 14 : i64} {
  func.func @k(%arg0: i32, %arg1: i32, %arg2: memref<1024x256xf32, #tpu.memory_space<hbm>>, %arg3: memref<8192xi32, #tpu.memory_space<hbm>>, %arg4: memref<8192x256xf32, #tpu.memory_space<hbm>>, %arg5: memref<256xi32, #tpu.memory_space<vmem>>, %arg6: memref<256x256xf32, #tpu.memory_space<vmem>>, %arg7: memref<!tpu.dma_semaphore, #tpu.memory_space<semaphore_mem>>) attributes {dimension_semantics = [#tpu.dimension_semantics<core_parallel>, #tpu.dimension_semantics<subcore_parallel>], iteration_bounds = array<i64: 2, 16>, scalar_prefetch = 0 : i64, scratch_operands = 3 : i64, tpu.core_type = #tpu.core_type<sc_vector_subcore>, window_params = [{transform_indices = #map}, {transform_indices = #map1}, {transform_indices = #map}]} {
    %mul3A = arith.constant 2 : i32
    %mul3A_0 = arith.muli %arg1, %mul3A : i32
    %add3A = arith.addi %mul3A_0, %arg0 : i32
    %mul3A_1 = arith.constant 256 : i32
    %mul3A_2 = arith.muli %add3A, %mul3A_1 : i32
    "tpu.region"() ({
      %run_scoped3A = tpu.sem_alloc : memref<!tpu.dma_semaphore, #tpu.memory_space<semaphore_mem>>
      %dma_start3A_7 = tpu.memref_slice %arg3[%mul3A_2] : memref<8192xi32, #tpu.memory_space<hbm>> -> memref<256xi32, #tpu.memory_space<hbm>>
      %dma_start3A_8 = tpu.memref_slice %arg3[%mul3A_2] : memref<8192xi32, #tpu.memory_space<hbm>> -> memref<256xi32, #tpu.memory_space<hbm>>
      tpu.enqueue_dma source(%dma_start3A_8 : memref<256xi32, #tpu.memory_space<hbm>>) target(%arg5 : memref<256xi32, #tpu.memory_space<vmem>>) target_semaphore(%run_scoped3A : memref<!tpu.dma_semaphore, #tpu.memory_space<semaphore_mem>>)
      %dma_wait3A_9 = tpu.memref_slice %arg3[%mul3A_2] : memref<8192xi32, #tpu.memory_space<hbm>> -> memref<256xi32, #tpu.memory_space<hbm>>
      %dma_wait3A_10 = tpu.memref_slice %arg3[%mul3A_2] : memref<8192xi32, #tpu.memory_space<hbm>> -> memref<256xi32, #tpu.memory_space<hbm>>
      tpu.wait_dma2 semaphore(%run_scoped3A : memref<!tpu.dma_semaphore, #tpu.memory_space<semaphore_mem>>) src(%dma_wait3A_10 : memref<256xi32, #tpu.memory_space<hbm>>) dst(%arg5 : memref<256xi32, #tpu.memory_space<vmem>>)
      tpu.yield
    }) : () -> ()
    %dma_start3A = arith.constant 0 : i32
    %dma_start3A_3 = arith.constant 0 : i32
    %dma_start3A_4 = tpu.memref_slice %arg2[%dma_start3A, %dma_start3A_3] : memref<1024x256xf32, #tpu.memory_space<hbm>> -> memref<1024x256xf32, #tpu.memory_space<hbm>>
    tpu.enqueue_indirect_dma source(%dma_start3A_4 : memref<1024x256xf32, #tpu.memory_space<hbm>>) target(%arg6 : memref<256x256xf32, #tpu.memory_space<vmem>>) offsets(%arg5 : memref<256xi32, #tpu.memory_space<vmem>>) semaphore(%arg7 : memref<!tpu.dma_semaphore, #tpu.memory_space<semaphore_mem>>)
    %dma_wait3A = arith.constant 0 : i32
    %dma_wait3A_5 = arith.constant 0 : i32
    %dma_wait3A_6 = tpu.memref_slice %arg2[%dma_wait3A, %dma_wait3A_5] : memref<1024x256xf32, #tpu.memory_space<hbm>> -> memref<1024x256xf32, #tpu.memory_space<hbm>>
    tpu.wait_indirect_dma semaphore(%arg7 : memref<!tpu.dma_semaphore, #tpu.memory_space<semaphore_mem>>) src(%dma_wait3A_6 : memref<1024x256xf32, #tpu.memory_space<hbm>>) dst(%arg6 : memref<256x256xf32, #tpu.memory_space<vmem>>)
    "tpu.region"() ({
      %run_scoped3A = tpu.sem_alloc : memref<!tpu.dma_semaphore, #tpu.memory_space<semaphore_mem>>
      %dma_start3A_7 = arith.constant 0 : i32
      %dma_start3A_8 = tpu.memref_slice %arg4[%mul3A_2, %dma_start3A_7] : memref<8192x256xf32, #tpu.memory_space<hbm>> -> memref<256x256xf32, #tpu.memory_space<hbm>>
      %dma_start3A_9 = arith.constant 0 : i32
      %dma_start3A_10 = tpu.memref_slice %arg4[%mul3A_2, %dma_start3A_9] : memref<8192x256xf32, #tpu.memory_space<hbm>> -> memref<256x256xf32, #tpu.memory_space<hbm>>
      tpu.enqueue_dma source(%arg6 : memref<256x256xf32, #tpu.memory_space<vmem>>) target(%dma_start3A_10 : memref<256x256xf32, #tpu.memory_space<hbm>>) target_semaphore(%run_scoped3A : memref<!tpu.dma_semaphore, #tpu.memory_space<semaphore_mem>>)
      %dma_wait3A_11 = arith.constant 0 : i32
      %dma_wait3A_12 = tpu.memref_slice %arg4[%mul3A_2, %dma_wait3A_11] : memref<8192x256xf32, #tpu.memory_space<hbm>> -> memref<256x256xf32, #tpu.memory_space<hbm>>
      %dma_wait3A_13 = arith.constant 0 : i32
      %dma_wait3A_14 = tpu.memref_slice %arg4[%mul3A_2, %dma_wait3A_13] : memref<8192x256xf32, #tpu.memory_space<hbm>> -> memref<256x256xf32, #tpu.memory_space<hbm>>
      tpu.wait_dma2 semaphore(%run_scoped3A : memref<!tpu.dma_semaphore, #tpu.memory_space<semaphore_mem>>) src(%arg6 : memref<256x256xf32, #tpu.memory_space<vmem>>) dst(%dma_wait3A_14 : memref<256x256xf32, #tpu.memory_space<hbm>>)
      tpu.yield
    }) : () -> ()
    return
  }
}

module attributes {stable_mosaic.version = 14 : i64} {
  func.func @_vq_body(%arg0: memref<256x256xf32, #tpu.memory_space<vmem>>, %arg1: memref<8192x256xf32, #tpu.memory_space<vmem>>, %arg2: memref<256x1xf32, #tpu.memory_space<vmem>>, %arg3: memref<1x8192xf32, #tpu.memory_space<vmem>>, %arg4: memref<768x256xf32, #tpu.memory_space<vmem>>, %arg5: memref<256x768xf32, #tpu.memory_space<vmem>>, %arg6: memref<1x1xf32, #tpu.memory_space<vmem>>, %arg7: memref<1x1xf32, #tpu.memory_space<vmem>>) attributes {dimension_semantics = [], scalar_prefetch = 0 : i64, scratch_operands = 0 : i64, tpu.core_type = #tpu.core_type<tc>} {
    %get3A = arith.constant 0 : index
    %get3A_0 = arith.constant 0 : index
    %get3A_1 = vector.load %arg0[%get3A, %get3A_0] : memref<256x256xf32, #tpu.memory_space<vmem>>, vector<256x256xf32>
    %get3A_2 = arith.constant 0 : index
    %get3A_3 = arith.constant 0 : index
    %get3A_4 = vector.load %arg1[%get3A_2, %get3A_3] : memref<8192x256xf32, #tpu.memory_space<vmem>>, vector<8192x256xf32>
    %dot_general3A = arith.constant dense<0.000000e+00> : vector<256x8192xf32>
    %dot_general3A_5 = tpu.matmul %get3A_1, %get3A_4, %dot_general3A {dimension_numbers = #tpu.dot_dimension_numbers<[1], [1], [0], [0], [0, 0, 1, 0], [], []>, transpose_lhs_hint = false} : vector<256x256xf32>, vector<8192x256xf32>, vector<256x8192xf32> -> vector<256x8192xf32>
    %get3A_6 = arith.constant 0 : index
    %get3A_7 = arith.constant 0 : index
    %get3A_8 = vector.load %arg2[%get3A_6, %get3A_7] : memref<256x1xf32, #tpu.memory_space<vmem>>, vector<256x1xf32>
    %get3A_9 = arith.constant 0 : index
    %get3A_10 = arith.constant 0 : index
    %get3A_11 = vector.load %arg3[%get3A_9, %get3A_10] : memref<1x8192xf32, #tpu.memory_space<vmem>>, vector<1x8192xf32>
    %add3A = vector.broadcast %get3A_8 : vector<256x1xf32> to vector<256x8192xf32>
    %add3A_12 = vector.broadcast %get3A_11 : vector<1x8192xf32> to vector<256x8192xf32>
    %add3A_13 = arith.addf %add3A, %add3A_12 : vector<256x8192xf32>
    %mul3A = arith.constant 2.000000e+00 : f32
    %mul3A_14 = vector.broadcast %mul3A : f32 to vector<256x8192xf32>
    %mul3A_15 = arith.mulf %mul3A_14, %dot_general3A_5 : vector<256x8192xf32>
    %sub3A = arith.subf %add3A_13, %mul3A_15 : vector<256x8192xf32>
    %reduce_min3A = arith.constant dense<0x7F800000> : vector<256xf32>
    %reduce_min3A_16 = vector.multi_reduction <minimumf>, %sub3A, %reduce_min3A [1] : vector<256x8192xf32> to vector<256xf32>
    %broadcast_in_dim3A = vector.shape_cast %reduce_min3A_16 : vector<256xf32> to vector<256x1xf32>
    %iota3A = tpu.iota {dimensions = array<i32: 1>} : vector<256x8192xi32>
    %eq3A = vector.broadcast %broadcast_in_dim3A : vector<256x1xf32> to vector<256x8192xf32>
    %eq3A_17 = arith.cmpf oeq, %sub3A, %eq3A : vector<256x8192xf32>
    %jit3A = arith.constant 8192 : i32
    %broadcast_in_dim3A_18 = vector.broadcast %jit3A : i32 to vector<256x8192xi32>
    %select_n3A = arith.select %eq3A_17, %iota3A, %broadcast_in_dim3A_18 : vector<256x8192xi1>, vector<256x8192xi32>
    %reduce_min3A_19 = arith.constant dense<2147483647> : vector<256xi32>
    %reduce_min3A_20 = vector.multi_reduction <minsi>, %select_n3A, %reduce_min3A_19 [1] : vector<256x8192xi32> to vector<256xi32>
    %broadcast_in_dim3A_21 = vector.shape_cast %reduce_min3A_20 : vector<256xi32> to vector<256x1xi32>
    %eq3A_22 = vector.broadcast %broadcast_in_dim3A_21 : vector<256x1xi32> to vector<256x8192xi32>
    %eq3A_23 = arith.cmpi eq, %iota3A, %eq3A_22 : vector<256x8192xi32>
    %convert_element_type3A = arith.extui %eq3A_23 : vector<256x8192xi1> to vector<256x8192xi32>
    %convert_element_type3A_24 = arith.sitofp %convert_element_type3A : vector<256x8192xi32> to vector<256x8192xf32>
    %dot_general3A_25 = arith.constant dense<0.000000e+00> : vector<256x256xf32>
    %dot_general3A_26 = tpu.matmul %convert_element_type3A_24, %get3A_4, %dot_general3A_25 {dimension_numbers = #tpu.dot_dimension_numbers<[1], [0], [0], [1], [0, 0, 1, 1], [], []>, transpose_lhs_hint = false} : vector<256x8192xf32>, vector<8192x256xf32>, vector<256x256xf32> -> vector<256x256xf32>
    %sub3A_27 = arith.subf %dot_general3A_26, %get3A_1 : vector<256x256xf32>
    %broadcast_in_dim3A_28 = arith.constant 1.000000e+00 : f32
    %broadcast_in_dim3A_29 = vector.broadcast %broadcast_in_dim3A_28 : f32 to vector<1x1xf32>
    %mul3A_30 = arith.mulf %sub3A_27, %sub3A_27 : vector<256x256xf32>
    %reduce_sum3A = vector.shape_cast %mul3A_30 : vector<256x256xf32> to vector<1x256x256xf32>
    %reduce_sum3A_31 = arith.constant dense<0.000000e+00> : vector<1xf32>
    %reduce_sum3A_32 = vector.multi_reduction <add>, %reduce_sum3A, %reduce_sum3A_31 [1, 2] : vector<1x256x256xf32> to vector<1xf32>
    %reduce_sum3A_33 = vector.shape_cast %reduce_sum3A_32 : vector<1xf32> to vector<1x1x1xf32>
    %reduce_sum3A_34 = vector.extract %reduce_sum3A_33[0, 0, 0] : f32 from vector<1x1x1xf32>
    %div3A = arith.constant 6.553600e+04 : f32
    %div3A_35 = arith.divf %reduce_sum3A_34, %div3A : f32
    %mul3A_36 = arith.constant 1.250000e+00 : f32
    %mul3A_37 = arith.mulf %mul3A_36, %div3A_35 : f32
    %mul3A_38 = vector.broadcast %mul3A_37 : f32 to vector<1x1xf32>
    %mul3A_39 = arith.mulf %mul3A_38, %broadcast_in_dim3A_29 : vector<1x1xf32>
    %swap3A = arith.constant 0 : index
    %swap3A_40 = arith.constant 0 : index
    %swap3A_41 = vector.load %arg6[%swap3A, %swap3A_40] : memref<1x1xf32, #tpu.memory_space<vmem>>, vector<1x1xf32>
    tpu.vector_store %arg6[%swap3A, %swap3A_40], %mul3A_39 {strides = array<i32>} : memref<1x1xf32, #tpu.memory_space<vmem>>, vector<1x1xf32>,
    %reduce_sum3A_42 = arith.constant dense<0.000000e+00> : vector<8192xf32>
    %reduce_sum3A_43 = vector.multi_reduction <add>, %convert_element_type3A_24, %reduce_sum3A_42 [0] : vector<256x8192xf32> to vector<8192xf32>
    %broadcast_in_dim3A_44 = vector.shape_cast %reduce_sum3A_43 : vector<8192xf32> to vector<1x8192xf32>
    %mul3A_45 = arith.constant 3.906250e-03 : f32
    %mul3A_46 = vector.broadcast %mul3A_45 : f32 to vector<1x8192xf32>
    %mul3A_47 = arith.mulf %broadcast_in_dim3A_44, %mul3A_46 : vector<1x8192xf32>
    %add3A_48 = arith.constant 1.000000e-10 : f32
    %add3A_49 = vector.broadcast %add3A_48 : f32 to vector<1x8192xf32>
    %add3A_50 = arith.addf %mul3A_47, %add3A_49 : vector<1x8192xf32>
    %log3A = math.log %add3A_50 : vector<1x8192xf32>
    %mul3A_51 = arith.mulf %mul3A_47, %log3A : vector<1x8192xf32>
    %reduce_sum3A_52 = vector.shape_cast %mul3A_51 : vector<1x8192xf32> to vector<1x1x8192xf32>
    %reduce_sum3A_53 = arith.constant dense<0.000000e+00> : vector<1xf32>
    %reduce_sum3A_54 = vector.multi_reduction <add>, %reduce_sum3A_52, %reduce_sum3A_53 [1, 2] : vector<1x1x8192xf32> to vector<1xf32>
    %reduce_sum3A_55 = vector.shape_cast %reduce_sum3A_54 : vector<1xf32> to vector<1x1x1xf32>
    %reduce_sum3A_56 = vector.extract %reduce_sum3A_55[0, 0, 0] : f32 from vector<1x1x1xf32>
    %neg3A = arith.constant 0.000000e+00 : f32
    %neg3A_57 = arith.subf %neg3A, %reduce_sum3A_56 : f32
    %exp3A = math.exp %neg3A_57 : f32
    %mul3A_58 = vector.broadcast %exp3A : f32 to vector<1x1xf32>
    %mul3A_59 = arith.mulf %mul3A_58, %broadcast_in_dim3A_29 : vector<1x1xf32>
    %swap3A_60 = arith.constant 0 : index
    %swap3A_61 = arith.constant 0 : index
    %swap3A_62 = vector.load %arg7[%swap3A_60, %swap3A_61] : memref<1x1xf32, #tpu.memory_space<vmem>>, vector<1x1xf32>
    tpu.vector_store %arg7[%swap3A_60, %swap3A_61], %mul3A_59 {strides = array<i32>} : memref<1x1xf32, #tpu.memory_space<vmem>>, vector<1x1xf32>,
    %get3A_63 = arith.constant 0 : index
    %get3A_64 = arith.constant 0 : index
    %get3A_65 = vector.load %arg4[%get3A_63, %get3A_64] : memref<768x256xf32, #tpu.memory_space<vmem>>, vector<768x256xf32>
    %dot_general3A_66 = arith.constant dense<0.000000e+00> : vector<256x768xf32>
    %dot_general3A_67 = tpu.matmul %dot_general3A_26, %get3A_65, %dot_general3A_66 {dimension_numbers = #tpu.dot_dimension_numbers<[1], [1], [0], [0], [0, 0, 1, 0], [], []>, transpose_lhs_hint = false} : vector<256x256xf32>, vector<768x256xf32>, vector<256x768xf32> -> vector<256x768xf32>
    %swap3A_68 = arith.constant 0 : index
    %swap3A_69 = arith.constant 0 : index
    %swap3A_70 = vector.load %arg5[%swap3A_68, %swap3A_69] : memref<256x768xf32, #tpu.memory_space<vmem>>, vector<256x768xf32>
    tpu.vector_store %arg5[%swap3A_68, %swap3A_69], %dot_general3A_67 {strides = array<i32>} : memref<256x768xf32, #tpu.memory_space<vmem>>, vector<256x768xf32>,
    return
  }
}

module attributes {stable_mosaic.version = 14 : i64} {
  func.func @body(%arg0: i32, %arg1: memref<4x144x768xf32, #tpu.memory_space<vmem>>, %arg2: memref<1x768xf32, #tpu.memory_space<vmem>>, %arg3: memref<1x768xf32, #tpu.memory_space<vmem>>, %arg4: memref<2304x768xf32, #tpu.memory_space<vmem>>, %arg5: memref<1x2304xf32, #tpu.memory_space<vmem>>, %arg6: memref<768x768xf32, #tpu.memory_space<vmem>>, %arg7: memref<1x768xf32, #tpu.memory_space<vmem>>, %arg8: memref<1x768xf32, #tpu.memory_space<vmem>>, %arg9: memref<1x768xf32, #tpu.memory_space<vmem>>, %arg10: memref<3072x768xf32, #tpu.memory_space<vmem>>, %arg11: memref<1x3072xf32, #tpu.memory_space<vmem>>, %arg12: memref<768x3072xf32, #tpu.memory_space<vmem>>, %arg13: memref<1x768xf32, #tpu.memory_space<vmem>>, %arg14: memref<4x144x768xf32, #tpu.memory_space<vmem>>) attributes {dimension_semantics = [#tpu.dimension_semantics<arbitrary>], iteration_bounds = array<i64: 8>, scalar_prefetch = 0 : i64, scratch_operands = 0 : i64, tpu.core_type = #tpu.core_type<tc>, window_params = [{transform_indices = @transform_0, window_bounds = array<i64: 4, 144, 768>}, {pipeline_mode = #tpu.pipeline_mode<synchronous>, transform_indices = @transform_1, window_bounds = array<i64: 1, 768>}, {pipeline_mode = #tpu.pipeline_mode<synchronous>, transform_indices = @transform_2, window_bounds = array<i64: 1, 768>}, {pipeline_mode = #tpu.pipeline_mode<synchronous>, transform_indices = @transform_3, window_bounds = array<i64: 2304, 768>}, {pipeline_mode = #tpu.pipeline_mode<synchronous>, transform_indices = @transform_4, window_bounds = array<i64: 1, 2304>}, {pipeline_mode = #tpu.pipeline_mode<synchronous>, transform_indices = @transform_5, window_bounds = array<i64: 768, 768>}, {pipeline_mode = #tpu.pipeline_mode<synchronous>, transform_indices = @transform_6, window_bounds = array<i64: 1, 768>}, {pipeline_mode = #tpu.pipeline_mode<synchronous>, transform_indices = @transform_7, window_bounds = array<i64: 1, 768>}, {pipeline_mode = #tpu.pipeline_mode<synchronous>, transform_indices = @transform_8, window_bounds = array<i64: 1, 768>}, {pipeline_mode = #tpu.pipeline_mode<synchronous>, transform_indices = @transform_9, window_bounds = array<i64: 3072, 768>}, {pipeline_mode = #tpu.pipeline_mode<synchronous>, transform_indices = @transform_10, window_bounds = array<i64: 1, 3072>}, {pipeline_mode = #tpu.pipeline_mode<synchronous>, transform_indices = @transform_11, window_bounds = array<i64: 768, 3072>}, {pipeline_mode = #tpu.pipeline_mode<synchronous>, transform_indices = @transform_12, window_bounds = array<i64: 1, 768>}, {transform_indices = @transform_13, window_bounds = array<i64: 4, 144, 768>}]} {
    %get3A = arith.constant 0 : index
    %get3A_0 = arith.constant 0 : index
    %get3A_1 = arith.constant 0 : index
    %get3A_2 = vector.load %arg1[%get3A, %get3A_0, %get3A_1] : memref<4x144x768xf32, #tpu.memory_space<vmem>>, vector<4x144x768xf32>
    %reshape3A = vector.shape_cast %get3A_2 : vector<4x144x768xf32> to vector<576x768xf32>
    %get3A_3 = arith.constant 0 : index
    %get3A_4 = arith.constant 0 : index
    %get3A_5 = vector.load %arg2[%get3A_3, %get3A_4] : memref<1x768xf32, #tpu.memory_space<vmem>>, vector<1x768xf32>
    %get3A_6 = arith.constant 0 : index
    %get3A_7 = arith.constant 0 : index
    %get3A_8 = vector.load %arg3[%get3A_6, %get3A_7] : memref<1x768xf32, #tpu.memory_space<vmem>>, vector<1x768xf32>
    %reduce_sum3A = arith.constant dense<0.000000e+00> : vector<576xf32>
    %reduce_sum3A_9 = vector.multi_reduction <add>, %reshape3A, %reduce_sum3A [1] : vector<576x768xf32> to vector<576xf32>
    %broadcast_in_dim3A = vector.shape_cast %reduce_sum3A_9 : vector<576xf32> to vector<576x1xf32>
    %div3A = arith.constant 7.680000e+02 : f32
    %div3A_10 = vector.broadcast %div3A : f32 to vector<576x1xf32>
    %div3A_11 = arith.divf %broadcast_in_dim3A, %div3A_10 : vector<576x1xf32>
    %jit3A = arith.constant 0 : i32
    %reduce_sum3A_12 = arith.constant dense<0.000000e+00> : vector<576xf32>
    %reduce_sum3A_13 = vector.multi_reduction <add>, %reshape3A, %reduce_sum3A_12 [1] : vector<576x768xf32> to vector<576xf32>
    %broadcast_in_dim3A_14 = vector.shape_cast %reduce_sum3A_13 : vector<576xf32> to vector<576x1xf32>
    %div3A_15 = arith.constant 7.680000e+02 : f32
    %div3A_16 = vector.broadcast %div3A_15 : f32 to vector<576x1xf32>
    %div3A_17 = arith.divf %broadcast_in_dim3A_14, %div3A_16 : vector<576x1xf32>
    %sub3A = vector.broadcast %div3A_17 : vector<576x1xf32> to vector<576x768xf32>
    %sub3A_18 = arith.subf %reshape3A, %sub3A : vector<576x768xf32>
    %square3A = arith.mulf %sub3A_18, %sub3A_18 : vector<576x768xf32>
    %convert_element_type3A = arith.sitofp %jit3A : i32 to f32
    %sub3A_19 = arith.constant 7.680000e+02 : f32
    %sub3A_20 = arith.subf %sub3A_19, %convert_element_type3A : f32
    %reduce_sum3A_21 = arith.constant dense<0.000000e+00> : vector<576xf32>
    %reduce_sum3A_22 = vector.multi_reduction <add>, %square3A, %reduce_sum3A_21 [1] : vector<576x768xf32> to vector<576xf32>
    %broadcast_in_dim3A_23 = vector.shape_cast %reduce_sum3A_22 : vector<576xf32> to vector<576x1xf32>
    %div3A_24 = vector.broadcast %sub3A_20 : f32 to vector<576x1xf32>
    %div3A_25 = arith.divf %broadcast_in_dim3A_23, %div3A_24 : vector<576x1xf32>
    %gt3A = arith.constant 0.000000e+00 : f32
    %gt3A_26 = arith.cmpf ogt, %sub3A_20, %gt3A : f32
    %jit3A_27 = arith.constant 0x7FC00000 : f32
    %broadcast_in_dim3A_28 = vector.broadcast %jit3A_27 : f32 to vector<576x1xf32>
    %select_n3A = arith.select %gt3A_26, %div3A_25, %broadcast_in_dim3A_28 : vector<576x1xf32>
    %sub3A_29 = vector.broadcast %div3A_11 : vector<576x1xf32> to vector<576x768xf32>
    %sub3A_30 = arith.subf %reshape3A, %sub3A_29 : vector<576x768xf32>
    %add3A = arith.constant 9.99999974E-6 : f32
    %add3A_31 = vector.broadcast %add3A : f32 to vector<576x1xf32>
    %add3A_32 = arith.addf %select_n3A, %add3A_31 : vector<576x1xf32>
    %sqrt3A = math.sqrt %add3A_32 : vector<576x1xf32>
    %div3A_33 = vector.broadcast %sqrt3A : vector<576x1xf32> to vector<576x768xf32>
    %div3A_34 = arith.divf %sub3A_30, %div3A_33 : vector<576x768xf32>
    %mul3A = vector.broadcast %get3A_5 : vector<1x768xf32> to vector<576x768xf32>
    %mul3A_35 = arith.mulf %div3A_34, %mul3A : vector<576x768xf32>
    %add3A_36 = vector.broadcast %get3A_8 : vector<1x768xf32> to vector<576x768xf32>
    %add3A_37 = arith.addf %mul3A_35, %add3A_36 : vector<576x768xf32>
    %get3A_38 = arith.constant 0 : index
    %get3A_39 = arith.constant 0 : index
    %get3A_40 = vector.load %arg4[%get3A_38, %get3A_39] : memref<2304x768xf32, #tpu.memory_space<vmem>>, vector<2304x768xf32>
    %dot_general3A = arith.constant dense<0.000000e+00> : vector<576x2304xf32>
    %dot_general3A_41 = tpu.matmul %add3A_37, %get3A_40, %dot_general3A {dimension_numbers = #tpu.dot_dimension_numbers<[1], [1], [0], [0], [0, 0, 1, 0], [], []>, transpose_lhs_hint = false} : vector<576x768xf32>, vector<2304x768xf32>, vector<576x2304xf32> -> vector<576x2304xf32>
    %get3A_42 = arith.constant 0 : index
    %get3A_43 = arith.constant 0 : index
    %get3A_44 = vector.load %arg5[%get3A_42, %get3A_43] : memref<1x2304xf32, #tpu.memory_space<vmem>>, vector<1x2304xf32>
    %add3A_45 = vector.broadcast %get3A_44 : vector<1x2304xf32> to vector<576x2304xf32>
    %add3A_46 = arith.addf %dot_general3A_41, %add3A_45 : vector<576x2304xf32>
    %slice3A = vector.extract_strided_slice %add3A_46 {offsets = [0, 0], sizes = [576, 768], strides = [1, 1]} : vector<576x2304xf32> to vector<576x768xf32>
    %mul3A_47 = arith.constant 1.250000e-01 : f32
    %mul3A_48 = vector.broadcast %mul3A_47 : f32 to vector<576x768xf32>
    %mul3A_49 = arith.mulf %slice3A, %mul3A_48 : vector<576x768xf32>
    %iota3A = tpu.iota {dimensions = array<i32: 1>} : vector<1x144xi32>
    %lt3A = arith.constant 138 : i32
    %lt3A_50 = vector.broadcast %lt3A : i32 to vector<1x144xi32>
    %lt3A_51 = arith.cmpi slt, %iota3A, %lt3A_50 : vector<1x144xi32>
    %jit3A_52 = arith.constant 0.000000e+00 : f32
    %jit3A_53 = arith.constant -1.000000e+30 : f32
    %broadcast_in_dim3A_54 = vector.broadcast %jit3A_52 : f32 to vector<1x144xf32>
    %broadcast_in_dim3A_55 = vector.broadcast %jit3A_53 : f32 to vector<1x144xf32>
    %select_n3A_56 = arith.select %lt3A_51, %broadcast_in_dim3A_54, %broadcast_in_dim3A_55 : vector<1x144xi1>, vector<1x144xf32>
    %slice3A_57 = vector.extract_strided_slice %mul3A_49 {offsets = [0, 0], sizes = [144, 64], strides = [1, 1]} : vector<576x768xf32> to vector<144x64xf32>
    %slice3A_58 = vector.extract_strided_slice %add3A_46 {offsets = [0, 768], sizes = [144, 64], strides = [1, 1]} : vector<576x2304xf32> to vector<144x64xf32>
    %slice3A_59 = vector.extract_strided_slice %add3A_46 {offsets = [0, 1536], sizes = [144, 64], strides = [1, 1]} : vector<576x2304xf32> to vector<144x64xf32>
    %dot_general3A_60 = arith.constant dense<0.000000e+00> : vector<144x144xf32>
    %dot_general3A_61 = tpu.matmul %slice3A_57, %slice3A_58, %dot_general3A_60 {dimension_numbers = #tpu.dot_dimension_numbers<[1], [1], [0], [0], [0, 0, 1, 0], [], []>, transpose_lhs_hint = false} : vector<144x64xf32>, vector<144x64xf32>, vector<144x144xf32> -> vector<144x144xf32>
    %add3A_62 = vector.broadcast %select_n3A_56 : vector<1x144xf32> to vector<144x144xf32>
    %add3A_63 = arith.addf %dot_general3A_61, %add3A_62 : vector<144x144xf32>
    %reduce_max3A = arith.constant dense<0xFF800000> : vector<144xf32>
    %reduce_max3A_64 = vector.multi_reduction <maximumf>, %add3A_63, %reduce_max3A [1] : vector<144x144xf32> to vector<144xf32>
    %broadcast_in_dim3A_65 = vector.shape_cast %reduce_max3A_64 : vector<144xf32> to vector<144x1xf32>
    %sub3A_66 = vector.broadcast %broadcast_in_dim3A_65 : vector<144x1xf32> to vector<144x144xf32>
    %sub3A_67 = arith.subf %add3A_63, %sub3A_66 : vector<144x144xf32>
    %exp3A = math.exp %sub3A_67 : vector<144x144xf32>
    %reduce_sum3A_68 = arith.constant dense<0.000000e+00> : vector<144xf32>
    %reduce_sum3A_69 = vector.multi_reduction <add>, %exp3A, %reduce_sum3A_68 [1] : vector<144x144xf32> to vector<144xf32>
    %broadcast_in_dim3A_70 = vector.shape_cast %reduce_sum3A_69 : vector<144xf32> to vector<144x1xf32>
    %div3A_71 = vector.broadcast %broadcast_in_dim3A_70 : vector<144x1xf32> to vector<144x144xf32>
    %div3A_72 = arith.divf %exp3A, %div3A_71 : vector<144x144xf32>
    %dot_general3A_73 = arith.constant dense<0.000000e+00> : vector<144x64xf32>
    %dot_general3A_74 = tpu.matmul %div3A_72, %slice3A_59, %dot_general3A_73 {dimension_numbers = #tpu.dot_dimension_numbers<[1], [0], [0], [1], [0, 0, 1, 1], [], []>, transpose_lhs_hint = false} : vector<144x144xf32>, vector<144x64xf32>, vector<144x64xf32> -> vector<144x64xf32>
    %slice3A_75 = vector.extract_strided_slice %mul3A_49 {offsets = [0, 64], sizes = [144, 64], strides = [1, 1]} : vector<576x768xf32> to vector<144x64xf32>
    %slice3A_76 = vector.extract_strided_slice %add3A_46 {offsets = [0, 832], sizes = [144, 64], strides = [1, 1]} : vector<576x2304xf32> to vector<144x64xf32>
    %slice3A_77 = vector.extract_strided_slice %add3A_46 {offsets = [0, 1600], sizes = [144, 64], strides = [1, 1]} : vector<576x2304xf32> to vector<144x64xf32>
    %dot_general3A_78 = arith.constant dense<0.000000e+00> : vector<144x144xf32>
    %dot_general3A_79 = tpu.matmul %slice3A_75, %slice3A_76, %dot_general3A_78 {dimension_numbers = #tpu.dot_dimension_numbers<[1], [1], [0], [0], [0, 0, 1, 0], [], []>, transpose_lhs_hint = false} : vector<144x64xf32>, vector<144x64xf32>, vector<144x144xf32> -> vector<144x144xf32>
    %add3A_80 = vector.broadcast %select_n3A_56 : vector<1x144xf32> to vector<144x144xf32>
    %add3A_81 = arith.addf %dot_general3A_79, %add3A_80 : vector<144x144xf32>
    %reduce_max3A_82 = arith.constant dense<0xFF800000> : vector<144xf32>
    %reduce_max3A_83 = vector.multi_reduction <maximumf>, %add3A_81, %reduce_max3A_82 [1] : vector<144x144xf32> to vector<144xf32>
    %broadcast_in_dim3A_84 = vector.shape_cast %reduce_max3A_83 : vector<144xf32> to vector<144x1xf32>
    %sub3A_85 = vector.broadcast %broadcast_in_dim3A_84 : vector<144x1xf32> to vector<144x144xf32>
    %sub3A_86 = arith.subf %add3A_81, %sub3A_85 : vector<144x144xf32>
    %exp3A_87 = math.exp %sub3A_86 : vector<144x144xf32>
    %reduce_sum3A_88 = arith.constant dense<0.000000e+00> : vector<144xf32>
    %reduce_sum3A_89 = vector.multi_reduction <add>, %exp3A_87, %reduce_sum3A_88 [1] : vector<144x144xf32> to vector<144xf32>
    %broadcast_in_dim3A_90 = vector.shape_cast %reduce_sum3A_89 : vector<144xf32> to vector<144x1xf32>
    %div3A_91 = vector.broadcast %broadcast_in_dim3A_90 : vector<144x1xf32> to vector<144x144xf32>
    %div3A_92 = arith.divf %exp3A_87, %div3A_91 : vector<144x144xf32>
    %dot_general3A_93 = arith.constant dense<0.000000e+00> : vector<144x64xf32>
    %dot_general3A_94 = tpu.matmul %div3A_92, %slice3A_77, %dot_general3A_93 {dimension_numbers = #tpu.dot_dimension_numbers<[1], [0], [0], [1], [0, 0, 1, 1], [], []>, transpose_lhs_hint = false} : vector<144x144xf32>, vector<144x64xf32>, vector<144x64xf32> -> vector<144x64xf32>
    %slice3A_95 = vector.extract_strided_slice %mul3A_49 {offsets = [0, 128], sizes = [144, 64], strides = [1, 1]} : vector<576x768xf32> to vector<144x64xf32>
    %slice3A_96 = vector.extract_strided_slice %add3A_46 {offsets = [0, 896], sizes = [144, 64], strides = [1, 1]} : vector<576x2304xf32> to vector<144x64xf32>
    %slice3A_97 = vector.extract_strided_slice %add3A_46 {offsets = [0, 1664], sizes = [144, 64], strides = [1, 1]} : vector<576x2304xf32> to vector<144x64xf32>
    %dot_general3A_98 = arith.constant dense<0.000000e+00> : vector<144x144xf32>
    %dot_general3A_99 = tpu.matmul %slice3A_95, %slice3A_96, %dot_general3A_98 {dimension_numbers = #tpu.dot_dimension_numbers<[1], [1], [0], [0], [0, 0, 1, 0], [], []>, transpose_lhs_hint = false} : vector<144x64xf32>, vector<144x64xf32>, vector<144x144xf32> -> vector<144x144xf32>
    %add3A_100 = vector.broadcast %select_n3A_56 : vector<1x144xf32> to vector<144x144xf32>
    %add3A_101 = arith.addf %dot_general3A_99, %add3A_100 : vector<144x144xf32>
    %reduce_max3A_102 = arith.constant dense<0xFF800000> : vector<144xf32>
    %reduce_max3A_103 = vector.multi_reduction <maximumf>, %add3A_101, %reduce_max3A_102 [1] : vector<144x144xf32> to vector<144xf32>
    %broadcast_in_dim3A_104 = vector.shape_cast %reduce_max3A_103 : vector<144xf32> to vector<144x1xf32>
    %sub3A_105 = vector.broadcast %broadcast_in_dim3A_104 : vector<144x1xf32> to vector<144x144xf32>
    %sub3A_106 = arith.subf %add3A_101, %sub3A_105 : vector<144x144xf32>
    %exp3A_107 = math.exp %sub3A_106 : vector<144x144xf32>
    %reduce_sum3A_108 = arith.constant dense<0.000000e+00> : vector<144xf32>
    %reduce_sum3A_109 = vector.multi_reduction <add>, %exp3A_107, %reduce_sum3A_108 [1] : vector<144x144xf32> to vector<144xf32>
    %broadcast_in_dim3A_110 = vector.shape_cast %reduce_sum3A_109 : vector<144xf32> to vector<144x1xf32>
    %div3A_111 = vector.broadcast %broadcast_in_dim3A_110 : vector<144x1xf32> to vector<144x144xf32>
    %div3A_112 = arith.divf %exp3A_107, %div3A_111 : vector<144x144xf32>
    %dot_general3A_113 = arith.constant dense<0.000000e+00> : vector<144x64xf32>
    %dot_general3A_114 = tpu.matmul %div3A_112, %slice3A_97, %dot_general3A_113 {dimension_numbers = #tpu.dot_dimension_numbers<[1], [0], [0], [1], [0, 0, 1, 1], [], []>, transpose_lhs_hint = false} : vector<144x144xf32>, vector<144x64xf32>, vector<144x64xf32> -> vector<144x64xf32>
    %slice3A_115 = vector.extract_strided_slice %mul3A_49 {offsets = [0, 192], sizes = [144, 64], strides = [1, 1]} : vector<576x768xf32> to vector<144x64xf32>
    %slice3A_116 = vector.extract_strided_slice %add3A_46 {offsets = [0, 960], sizes = [144, 64], strides = [1, 1]} : vector<576x2304xf32> to vector<144x64xf32>
    %slice3A_117 = vector.extract_strided_slice %add3A_46 {offsets = [0, 1728], sizes = [144, 64], strides = [1, 1]} : vector<576x2304xf32> to vector<144x64xf32>
    %dot_general3A_118 = arith.constant dense<0.000000e+00> : vector<144x144xf32>
    %dot_general3A_119 = tpu.matmul %slice3A_115, %slice3A_116, %dot_general3A_118 {dimension_numbers = #tpu.dot_dimension_numbers<[1], [1], [0], [0], [0, 0, 1, 0], [], []>, transpose_lhs_hint = false} : vector<144x64xf32>, vector<144x64xf32>, vector<144x144xf32> -> vector<144x144xf32>
    %add3A_120 = vector.broadcast %select_n3A_56 : vector<1x144xf32> to vector<144x144xf32>
    %add3A_121 = arith.addf %dot_general3A_119, %add3A_120 : vector<144x144xf32>
    %reduce_max3A_122 = arith.constant dense<0xFF800000> : vector<144xf32>
    %reduce_max3A_123 = vector.multi_reduction <maximumf>, %add3A_121, %reduce_max3A_122 [1] : vector<144x144xf32> to vector<144xf32>
    %broadcast_in_dim3A_124 = vector.shape_cast %reduce_max3A_123 : vector<144xf32> to vector<144x1xf32>
    %sub3A_125 = vector.broadcast %broadcast_in_dim3A_124 : vector<144x1xf32> to vector<144x144xf32>
    %sub3A_126 = arith.subf %add3A_121, %sub3A_125 : vector<144x144xf32>
    %exp3A_127 = math.exp %sub3A_126 : vector<144x144xf32>
    %reduce_sum3A_128 = arith.constant dense<0.000000e+00> : vector<144xf32>
    %reduce_sum3A_129 = vector.multi_reduction <add>, %exp3A_127, %reduce_sum3A_128 [1] : vector<144x144xf32> to vector<144xf32>
    %broadcast_in_dim3A_130 = vector.shape_cast %reduce_sum3A_129 : vector<144xf32> to vector<144x1xf32>
    %div3A_131 = vector.broadcast %broadcast_in_dim3A_130 : vector<144x1xf32> to vector<144x144xf32>
    %div3A_132 = arith.divf %exp3A_127, %div3A_131 : vector<144x144xf32>
    %dot_general3A_133 = arith.constant dense<0.000000e+00> : vector<144x64xf32>
    %dot_general3A_134 = tpu.matmul %div3A_132, %slice3A_117, %dot_general3A_133 {dimension_numbers = #tpu.dot_dimension_numbers<[1], [0], [0], [1], [0, 0, 1, 1], [], []>, transpose_lhs_hint = false} : vector<144x144xf32>, vector<144x64xf32>, vector<144x64xf32> -> vector<144x64xf32>
    %slice3A_135 = vector.extract_strided_slice %mul3A_49 {offsets = [0, 256], sizes = [144, 64], strides = [1, 1]} : vector<576x768xf32> to vector<144x64xf32>
    %slice3A_136 = vector.extract_strided_slice %add3A_46 {offsets = [0, 1024], sizes = [144, 64], strides = [1, 1]} : vector<576x2304xf32> to vector<144x64xf32>
    %slice3A_137 = vector.extract_strided_slice %add3A_46 {offsets = [0, 1792], sizes = [144, 64], strides = [1, 1]} : vector<576x2304xf32> to vector<144x64xf32>
    %dot_general3A_138 = arith.constant dense<0.000000e+00> : vector<144x144xf32>
    %dot_general3A_139 = tpu.matmul %slice3A_135, %slice3A_136, %dot_general3A_138 {dimension_numbers = #tpu.dot_dimension_numbers<[1], [1], [0], [0], [0, 0, 1, 0], [], []>, transpose_lhs_hint = false} : vector<144x64xf32>, vector<144x64xf32>, vector<144x144xf32> -> vector<144x144xf32>
    %add3A_140 = vector.broadcast %select_n3A_56 : vector<1x144xf32> to vector<144x144xf32>
    %add3A_141 = arith.addf %dot_general3A_139, %add3A_140 : vector<144x144xf32>
    %reduce_max3A_142 = arith.constant dense<0xFF800000> : vector<144xf32>
    %reduce_max3A_143 = vector.multi_reduction <maximumf>, %add3A_141, %reduce_max3A_142 [1] : vector<144x144xf32> to vector<144xf32>
    %broadcast_in_dim3A_144 = vector.shape_cast %reduce_max3A_143 : vector<144xf32> to vector<144x1xf32>
    %sub3A_145 = vector.broadcast %broadcast_in_dim3A_144 : vector<144x1xf32> to vector<144x144xf32>
    %sub3A_146 = arith.subf %add3A_141, %sub3A_145 : vector<144x144xf32>
    %exp3A_147 = math.exp %sub3A_146 : vector<144x144xf32>
    %reduce_sum3A_148 = arith.constant dense<0.000000e+00> : vector<144xf32>
    %reduce_sum3A_149 = vector.multi_reduction <add>, %exp3A_147, %reduce_sum3A_148 [1] : vector<144x144xf32> to vector<144xf32>
    %broadcast_in_dim3A_150 = vector.shape_cast %reduce_sum3A_149 : vector<144xf32> to vector<144x1xf32>
    %div3A_151 = vector.broadcast %broadcast_in_dim3A_150 : vector<144x1xf32> to vector<144x144xf32>
    %div3A_152 = arith.divf %exp3A_147, %div3A_151 : vector<144x144xf32>
    %dot_general3A_153 = arith.constant dense<0.000000e+00> : vector<144x64xf32>
    %dot_general3A_154 = tpu.matmul %div3A_152, %slice3A_137, %dot_general3A_153 {dimension_numbers = #tpu.dot_dimension_numbers<[1], [0], [0], [1], [0, 0, 1, 1], [], []>, transpose_lhs_hint = false} : vector<144x144xf32>, vector<144x64xf32>, vector<144x64xf32> -> vector<144x64xf32>
    %slice3A_155 = vector.extract_strided_slice %mul3A_49 {offsets = [0, 320], sizes = [144, 64], strides = [1, 1]} : vector<576x768xf32> to vector<144x64xf32>
    %slice3A_156 = vector.extract_strided_slice %add3A_46 {offsets = [0, 1088], sizes = [144, 64], strides = [1, 1]} : vector<576x2304xf32> to vector<144x64xf32>
    %slice3A_157 = vector.extract_strided_slice %add3A_46 {offsets = [0, 1856], sizes = [144, 64], strides = [1, 1]} : vector<576x2304xf32> to vector<144x64xf32>
    %dot_general3A_158 = arith.constant dense<0.000000e+00> : vector<144x144xf32>
    %dot_general3A_159 = tpu.matmul %slice3A_155, %slice3A_156, %dot_general3A_158 {dimension_numbers = #tpu.dot_dimension_numbers<[1], [1], [0], [0], [0, 0, 1, 0], [], []>, transpose_lhs_hint = false} : vector<144x64xf32>, vector<144x64xf32>, vector<144x144xf32> -> vector<144x144xf32>
    %add3A_160 = vector.broadcast %select_n3A_56 : vector<1x144xf32> to vector<144x144xf32>
    %add3A_161 = arith.addf %dot_general3A_159, %add3A_160 : vector<144x144xf32>
    %reduce_max3A_162 = arith.constant dense<0xFF800000> : vector<144xf32>
    %reduce_max3A_163 = vector.multi_reduction <maximumf>, %add3A_161, %reduce_max3A_162 [1] : vector<144x144xf32> to vector<144xf32>
    %broadcast_in_dim3A_164 = vector.shape_cast %reduce_max3A_163 : vector<144xf32> to vector<144x1xf32>
    %sub3A_165 = vector.broadcast %broadcast_in_dim3A_164 : vector<144x1xf32> to vector<144x144xf32>
    %sub3A_166 = arith.subf %add3A_161, %sub3A_165 : vector<144x144xf32>
    %exp3A_167 = math.exp %sub3A_166 : vector<144x144xf32>
    %reduce_sum3A_168 = arith.constant dense<0.000000e+00> : vector<144xf32>
    %reduce_sum3A_169 = vector.multi_reduction <add>, %exp3A_167, %reduce_sum3A_168 [1] : vector<144x144xf32> to vector<144xf32>
    %broadcast_in_dim3A_170 = vector.shape_cast %reduce_sum3A_169 : vector<144xf32> to vector<144x1xf32>
    %div3A_171 = vector.broadcast %broadcast_in_dim3A_170 : vector<144x1xf32> to vector<144x144xf32>
    %div3A_172 = arith.divf %exp3A_167, %div3A_171 : vector<144x144xf32>
    %dot_general3A_173 = arith.constant dense<0.000000e+00> : vector<144x64xf32>
    %dot_general3A_174 = tpu.matmul %div3A_172, %slice3A_157, %dot_general3A_173 {dimension_numbers = #tpu.dot_dimension_numbers<[1], [0], [0], [1], [0, 0, 1, 1], [], []>, transpose_lhs_hint = false} : vector<144x144xf32>, vector<144x64xf32>, vector<144x64xf32> -> vector<144x64xf32>
    %slice3A_175 = vector.extract_strided_slice %mul3A_49 {offsets = [0, 384], sizes = [144, 64], strides = [1, 1]} : vector<576x768xf32> to vector<144x64xf32>
    %slice3A_176 = vector.extract_strided_slice %add3A_46 {offsets = [0, 1152], sizes = [144, 64], strides = [1, 1]} : vector<576x2304xf32> to vector<144x64xf32>
    %slice3A_177 = vector.extract_strided_slice %add3A_46 {offsets = [0, 1920], sizes = [144, 64], strides = [1, 1]} : vector<576x2304xf32> to vector<144x64xf32>
    %dot_general3A_178 = arith.constant dense<0.000000e+00> : vector<144x144xf32>
    %dot_general3A_179 = tpu.matmul %slice3A_175, %slice3A_176, %dot_general3A_178 {dimension_numbers = #tpu.dot_dimension_numbers<[1], [1], [0], [0], [0, 0, 1, 0], [], []>, transpose_lhs_hint = false} : vector<144x64xf32>, vector<144x64xf32>, vector<144x144xf32> -> vector<144x144xf32>
    %add3A_180 = vector.broadcast %select_n3A_56 : vector<1x144xf32> to vector<144x144xf32>
    %add3A_181 = arith.addf %dot_general3A_179, %add3A_180 : vector<144x144xf32>
    %reduce_max3A_182 = arith.constant dense<0xFF800000> : vector<144xf32>
    %reduce_max3A_183 = vector.multi_reduction <maximumf>, %add3A_181, %reduce_max3A_182 [1] : vector<144x144xf32> to vector<144xf32>
    %broadcast_in_dim3A_184 = vector.shape_cast %reduce_max3A_183 : vector<144xf32> to vector<144x1xf32>
    %sub3A_185 = vector.broadcast %broadcast_in_dim3A_184 : vector<144x1xf32> to vector<144x144xf32>
    %sub3A_186 = arith.subf %add3A_181, %sub3A_185 : vector<144x144xf32>
    %exp3A_187 = math.exp %sub3A_186 : vector<144x144xf32>
    %reduce_sum3A_188 = arith.constant dense<0.000000e+00> : vector<144xf32>
    %reduce_sum3A_189 = vector.multi_reduction <add>, %exp3A_187, %reduce_sum3A_188 [1] : vector<144x144xf32> to vector<144xf32>
    %broadcast_in_dim3A_190 = vector.shape_cast %reduce_sum3A_189 : vector<144xf32> to vector<144x1xf32>
    %div3A_191 = vector.broadcast %broadcast_in_dim3A_190 : vector<144x1xf32> to vector<144x144xf32>
    %div3A_192 = arith.divf %exp3A_187, %div3A_191 : vector<144x144xf32>
    %dot_general3A_193 = arith.constant dense<0.000000e+00> : vector<144x64xf32>
    %dot_general3A_194 = tpu.matmul %div3A_192, %slice3A_177, %dot_general3A_193 {dimension_numbers = #tpu.dot_dimension_numbers<[1], [0], [0], [1], [0, 0, 1, 1], [], []>, transpose_lhs_hint = false} : vector<144x144xf32>, vector<144x64xf32>, vector<144x64xf32> -> vector<144x64xf32>
    %slice3A_195 = vector.extract_strided_slice %mul3A_49 {offsets = [0, 448], sizes = [144, 64], strides = [1, 1]} : vector<576x768xf32> to vector<144x64xf32>
    %slice3A_196 = vector.extract_strided_slice %add3A_46 {offsets = [0, 1216], sizes = [144, 64], strides = [1, 1]} : vector<576x2304xf32> to vector<144x64xf32>
    %slice3A_197 = vector.extract_strided_slice %add3A_46 {offsets = [0, 1984], sizes = [144, 64], strides = [1, 1]} : vector<576x2304xf32> to vector<144x64xf32>
    %dot_general3A_198 = arith.constant dense<0.000000e+00> : vector<144x144xf32>
    %dot_general3A_199 = tpu.matmul %slice3A_195, %slice3A_196, %dot_general3A_198 {dimension_numbers = #tpu.dot_dimension_numbers<[1], [1], [0], [0], [0, 0, 1, 0], [], []>, transpose_lhs_hint = false} : vector<144x64xf32>, vector<144x64xf32>, vector<144x144xf32> -> vector<144x144xf32>
    %add3A_200 = vector.broadcast %select_n3A_56 : vector<1x144xf32> to vector<144x144xf32>
    %add3A_201 = arith.addf %dot_general3A_199, %add3A_200 : vector<144x144xf32>
    %reduce_max3A_202 = arith.constant dense<0xFF800000> : vector<144xf32>
    %reduce_max3A_203 = vector.multi_reduction <maximumf>, %add3A_201, %reduce_max3A_202 [1] : vector<144x144xf32> to vector<144xf32>
    %broadcast_in_dim3A_204 = vector.shape_cast %reduce_max3A_203 : vector<144xf32> to vector<144x1xf32>
    %sub3A_205 = vector.broadcast %broadcast_in_dim3A_204 : vector<144x1xf32> to vector<144x144xf32>
    %sub3A_206 = arith.subf %add3A_201, %sub3A_205 : vector<144x144xf32>
    %exp3A_207 = math.exp %sub3A_206 : vector<144x144xf32>
    %reduce_sum3A_208 = arith.constant dense<0.000000e+00> : vector<144xf32>
    %reduce_sum3A_209 = vector.multi_reduction <add>, %exp3A_207, %reduce_sum3A_208 [1] : vector<144x144xf32> to vector<144xf32>
    %broadcast_in_dim3A_210 = vector.shape_cast %reduce_sum3A_209 : vector<144xf32> to vector<144x1xf32>
    %div3A_211 = vector.broadcast %broadcast_in_dim3A_210 : vector<144x1xf32> to vector<144x144xf32>
    %div3A_212 = arith.divf %exp3A_207, %div3A_211 : vector<144x144xf32>
    %dot_general3A_213 = arith.constant dense<0.000000e+00> : vector<144x64xf32>
    %dot_general3A_214 = tpu.matmul %div3A_212, %slice3A_197, %dot_general3A_213 {dimension_numbers = #tpu.dot_dimension_numbers<[1], [0], [0], [1], [0, 0, 1, 1], [], []>, transpose_lhs_hint = false} : vector<144x144xf32>, vector<144x64xf32>, vector<144x64xf32> -> vector<144x64xf32>
    %slice3A_215 = vector.extract_strided_slice %mul3A_49 {offsets = [0, 512], sizes = [144, 64], strides = [1, 1]} : vector<576x768xf32> to vector<144x64xf32>
    %slice3A_216 = vector.extract_strided_slice %add3A_46 {offsets = [0, 1280], sizes = [144, 64], strides = [1, 1]} : vector<576x2304xf32> to vector<144x64xf32>
    %slice3A_217 = vector.extract_strided_slice %add3A_46 {offsets = [0, 2048], sizes = [144, 64], strides = [1, 1]} : vector<576x2304xf32> to vector<144x64xf32>
    %dot_general3A_218 = arith.constant dense<0.000000e+00> : vector<144x144xf32>
    %dot_general3A_219 = tpu.matmul %slice3A_215, %slice3A_216, %dot_general3A_218 {dimension_numbers = #tpu.dot_dimension_numbers<[1], [1], [0], [0], [0, 0, 1, 0], [], []>, transpose_lhs_hint = false} : vector<144x64xf32>, vector<144x64xf32>, vector<144x144xf32> -> vector<144x144xf32>
    %add3A_220 = vector.broadcast %select_n3A_56 : vector<1x144xf32> to vector<144x144xf32>
    %add3A_221 = arith.addf %dot_general3A_219, %add3A_220 : vector<144x144xf32>
    %reduce_max3A_222 = arith.constant dense<0xFF800000> : vector<144xf32>
    %reduce_max3A_223 = vector.multi_reduction <maximumf>, %add3A_221, %reduce_max3A_222 [1] : vector<144x144xf32> to vector<144xf32>
    %broadcast_in_dim3A_224 = vector.shape_cast %reduce_max3A_223 : vector<144xf32> to vector<144x1xf32>
    %sub3A_225 = vector.broadcast %broadcast_in_dim3A_224 : vector<144x1xf32> to vector<144x144xf32>
    %sub3A_226 = arith.subf %add3A_221, %sub3A_225 : vector<144x144xf32>
    %exp3A_227 = math.exp %sub3A_226 : vector<144x144xf32>
    %reduce_sum3A_228 = arith.constant dense<0.000000e+00> : vector<144xf32>
    %reduce_sum3A_229 = vector.multi_reduction <add>, %exp3A_227, %reduce_sum3A_228 [1] : vector<144x144xf32> to vector<144xf32>
    %broadcast_in_dim3A_230 = vector.shape_cast %reduce_sum3A_229 : vector<144xf32> to vector<144x1xf32>
    %div3A_231 = vector.broadcast %broadcast_in_dim3A_230 : vector<144x1xf32> to vector<144x144xf32>
    %div3A_232 = arith.divf %exp3A_227, %div3A_231 : vector<144x144xf32>
    %dot_general3A_233 = arith.constant dense<0.000000e+00> : vector<144x64xf32>
    %dot_general3A_234 = tpu.matmul %div3A_232, %slice3A_217, %dot_general3A_233 {dimension_numbers = #tpu.dot_dimension_numbers<[1], [0], [0], [1], [0, 0, 1, 1], [], []>, transpose_lhs_hint = false} : vector<144x144xf32>, vector<144x64xf32>, vector<144x64xf32> -> vector<144x64xf32>
    %slice3A_235 = vector.extract_strided_slice %mul3A_49 {offsets = [0, 576], sizes = [144, 64], strides = [1, 1]} : vector<576x768xf32> to vector<144x64xf32>
    %slice3A_236 = vector.extract_strided_slice %add3A_46 {offsets = [0, 1344], sizes = [144, 64], strides = [1, 1]} : vector<576x2304xf32> to vector<144x64xf32>
    %slice3A_237 = vector.extract_strided_slice %add3A_46 {offsets = [0, 2112], sizes = [144, 64], strides = [1, 1]} : vector<576x2304xf32> to vector<144x64xf32>
    %dot_general3A_238 = arith.constant dense<0.000000e+00> : vector<144x144xf32>
    %dot_general3A_239 = tpu.matmul %slice3A_235, %slice3A_236, %dot_general3A_238 {dimension_numbers = #tpu.dot_dimension_numbers<[1], [1], [0], [0], [0, 0, 1, 0], [], []>, transpose_lhs_hint = false} : vector<144x64xf32>, vector<144x64xf32>, vector<144x144xf32> -> vector<144x144xf32>
    %add3A_240 = vector.broadcast %select_n3A_56 : vector<1x144xf32> to vector<144x144xf32>
    %add3A_241 = arith.addf %dot_general3A_239, %add3A_240 : vector<144x144xf32>
    %reduce_max3A_242 = arith.constant dense<0xFF800000> : vector<144xf32>
    %reduce_max3A_243 = vector.multi_reduction <maximumf>, %add3A_241, %reduce_max3A_242 [1] : vector<144x144xf32> to vector<144xf32>
    %broadcast_in_dim3A_244 = vector.shape_cast %reduce_max3A_243 : vector<144xf32> to vector<144x1xf32>
    %sub3A_245 = vector.broadcast %broadcast_in_dim3A_244 : vector<144x1xf32> to vector<144x144xf32>
    %sub3A_246 = arith.subf %add3A_241, %sub3A_245 : vector<144x144xf32>
    %exp3A_247 = math.exp %sub3A_246 : vector<144x144xf32>
    %reduce_sum3A_248 = arith.constant dense<0.000000e+00> : vector<144xf32>
    %reduce_sum3A_249 = vector.multi_reduction <add>, %exp3A_247, %reduce_sum3A_248 [1] : vector<144x144xf32> to vector<144xf32>
    %broadcast_in_dim3A_250 = vector.shape_cast %reduce_sum3A_249 : vector<144xf32> to vector<144x1xf32>
    %div3A_251 = vector.broadcast %broadcast_in_dim3A_250 : vector<144x1xf32> to vector<144x144xf32>
    %div3A_252 = arith.divf %exp3A_247, %div3A_251 : vector<144x144xf32>
    %dot_general3A_253 = arith.constant dense<0.000000e+00> : vector<144x64xf32>
    %dot_general3A_254 = tpu.matmul %div3A_252, %slice3A_237, %dot_general3A_253 {dimension_numbers = #tpu.dot_dimension_numbers<[1], [0], [0], [1], [0, 0, 1, 1], [], []>, transpose_lhs_hint = false} : vector<144x144xf32>, vector<144x64xf32>, vector<144x64xf32> -> vector<144x64xf32>
    %slice3A_255 = vector.extract_strided_slice %mul3A_49 {offsets = [0, 640], sizes = [144, 64], strides = [1, 1]} : vector<576x768xf32> to vector<144x64xf32>
    %slice3A_256 = vector.extract_strided_slice %add3A_46 {offsets = [0, 1408], sizes = [144, 64], strides = [1, 1]} : vector<576x2304xf32> to vector<144x64xf32>
    %slice3A_257 = vector.extract_strided_slice %add3A_46 {offsets = [0, 2176], sizes = [144, 64], strides = [1, 1]} : vector<576x2304xf32> to vector<144x64xf32>
    %dot_general3A_258 = arith.constant dense<0.000000e+00> : vector<144x144xf32>
    %dot_general3A_259 = tpu.matmul %slice3A_255, %slice3A_256, %dot_general3A_258 {dimension_numbers = #tpu.dot_dimension_numbers<[1], [1], [0], [0], [0, 0, 1, 0], [], []>, transpose_lhs_hint = false} : vector<144x64xf32>, vector<144x64xf32>, vector<144x144xf32> -> vector<144x144xf32>
    %add3A_260 = vector.broadcast %select_n3A_56 : vector<1x144xf32> to vector<144x144xf32>
    %add3A_261 = arith.addf %dot_general3A_259, %add3A_260 : vector<144x144xf32>
    %reduce_max3A_262 = arith.constant dense<0xFF800000> : vector<144xf32>
    %reduce_max3A_263 = vector.multi_reduction <maximumf>, %add3A_261, %reduce_max3A_262 [1] : vector<144x144xf32> to vector<144xf32>
    %broadcast_in_dim3A_264 = vector.shape_cast %reduce_max3A_263 : vector<144xf32> to vector<144x1xf32>
    %sub3A_265 = vector.broadcast %broadcast_in_dim3A_264 : vector<144x1xf32> to vector<144x144xf32>
    %sub3A_266 = arith.subf %add3A_261, %sub3A_265 : vector<144x144xf32>
    %exp3A_267 = math.exp %sub3A_266 : vector<144x144xf32>
    %reduce_sum3A_268 = arith.constant dense<0.000000e+00> : vector<144xf32>
    %reduce_sum3A_269 = vector.multi_reduction <add>, %exp3A_267, %reduce_sum3A_268 [1] : vector<144x144xf32> to vector<144xf32>
    %broadcast_in_dim3A_270 = vector.shape_cast %reduce_sum3A_269 : vector<144xf32> to vector<144x1xf32>
    %div3A_271 = vector.broadcast %broadcast_in_dim3A_270 : vector<144x1xf32> to vector<144x144xf32>
    %div3A_272 = arith.divf %exp3A_267, %div3A_271 : vector<144x144xf32>
    %dot_general3A_273 = arith.constant dense<0.000000e+00> : vector<144x64xf32>
    %dot_general3A_274 = tpu.matmul %div3A_272, %slice3A_257, %dot_general3A_273 {dimension_numbers = #tpu.dot_dimension_numbers<[1], [0], [0], [1], [0, 0, 1, 1], [], []>, transpose_lhs_hint = false} : vector<144x144xf32>, vector<144x64xf32>, vector<144x64xf32> -> vector<144x64xf32>
    %slice3A_275 = vector.extract_strided_slice %mul3A_49 {offsets = [0, 704], sizes = [144, 64], strides = [1, 1]} : vector<576x768xf32> to vector<144x64xf32>
    %slice3A_276 = vector.extract_strided_slice %add3A_46 {offsets = [0, 1472], sizes = [144, 64], strides = [1, 1]} : vector<576x2304xf32> to vector<144x64xf32>
    %slice3A_277 = vector.extract_strided_slice %add3A_46 {offsets = [0, 2240], sizes = [144, 64], strides = [1, 1]} : vector<576x2304xf32> to vector<144x64xf32>
    %dot_general3A_278 = arith.constant dense<0.000000e+00> : vector<144x144xf32>
    %dot_general3A_279 = tpu.matmul %slice3A_275, %slice3A_276, %dot_general3A_278 {dimension_numbers = #tpu.dot_dimension_numbers<[1], [1], [0], [0], [0, 0, 1, 0], [], []>, transpose_lhs_hint = false} : vector<144x64xf32>, vector<144x64xf32>, vector<144x144xf32> -> vector<144x144xf32>
    %add3A_280 = vector.broadcast %select_n3A_56 : vector<1x144xf32> to vector<144x144xf32>
    %add3A_281 = arith.addf %dot_general3A_279, %add3A_280 : vector<144x144xf32>
    %reduce_max3A_282 = arith.constant dense<0xFF800000> : vector<144xf32>
    %reduce_max3A_283 = vector.multi_reduction <maximumf>, %add3A_281, %reduce_max3A_282 [1] : vector<144x144xf32> to vector<144xf32>
    %broadcast_in_dim3A_284 = vector.shape_cast %reduce_max3A_283 : vector<144xf32> to vector<144x1xf32>
    %sub3A_285 = vector.broadcast %broadcast_in_dim3A_284 : vector<144x1xf32> to vector<144x144xf32>
    %sub3A_286 = arith.subf %add3A_281, %sub3A_285 : vector<144x144xf32>
    %exp3A_287 = math.exp %sub3A_286 : vector<144x144xf32>
    %reduce_sum3A_288 = arith.constant dense<0.000000e+00> : vector<144xf32>
    %reduce_sum3A_289 = vector.multi_reduction <add>, %exp3A_287, %reduce_sum3A_288 [1] : vector<144x144xf32> to vector<144xf32>
    %broadcast_in_dim3A_290 = vector.shape_cast %reduce_sum3A_289 : vector<144xf32> to vector<144x1xf32>
    %div3A_291 = vector.broadcast %broadcast_in_dim3A_290 : vector<144x1xf32> to vector<144x144xf32>
    %div3A_292 = arith.divf %exp3A_287, %div3A_291 : vector<144x144xf32>
    %dot_general3A_293 = arith.constant dense<0.000000e+00> : vector<144x64xf32>
    %dot_general3A_294 = tpu.matmul %div3A_292, %slice3A_277, %dot_general3A_293 {dimension_numbers = #tpu.dot_dimension_numbers<[1], [0], [0], [1], [0, 0, 1, 1], [], []>, transpose_lhs_hint = false} : vector<144x144xf32>, vector<144x64xf32>, vector<144x64xf32> -> vector<144x64xf32>
    %concatenate3A = tpu.concatenate %dot_general3A_74, %dot_general3A_94, %dot_general3A_114, %dot_general3A_134, %dot_general3A_154, %dot_general3A_174, %dot_general3A_194, %dot_general3A_214, %dot_general3A_234, %dot_general3A_254, %dot_general3A_274, %dot_general3A_294 in 1 : vector<144x64xf32>, vector<144x64xf32>, vector<144x64xf32>, vector<144x64xf32>, vector<144x64xf32>, vector<144x64xf32>, vector<144x64xf32>, vector<144x64xf32>, vector<144x64xf32>, vector<144x64xf32>, vector<144x64xf32>, vector<144x64xf32> -> vector<144x768xf32>
    %slice3A_295 = vector.extract_strided_slice %mul3A_49 {offsets = [144, 0], sizes = [144, 64], strides = [1, 1]} : vector<576x768xf32> to vector<144x64xf32>
    %slice3A_296 = vector.extract_strided_slice %add3A_46 {offsets = [144, 768], sizes = [144, 64], strides = [1, 1]} : vector<576x2304xf32> to vector<144x64xf32>
    %slice3A_297 = vector.extract_strided_slice %add3A_46 {offsets = [144, 1536], sizes = [144, 64], strides = [1, 1]} : vector<576x2304xf32> to vector<144x64xf32>
    %dot_general3A_298 = arith.constant dense<0.000000e+00> : vector<144x144xf32>
    %dot_general3A_299 = tpu.matmul %slice3A_295, %slice3A_296, %dot_general3A_298 {dimension_numbers = #tpu.dot_dimension_numbers<[1], [1], [0], [0], [0, 0, 1, 0], [], []>, transpose_lhs_hint = false} : vector<144x64xf32>, vector<144x64xf32>, vector<144x144xf32> -> vector<144x144xf32>
    %add3A_300 = vector.broadcast %select_n3A_56 : vector<1x144xf32> to vector<144x144xf32>
    %add3A_301 = arith.addf %dot_general3A_299, %add3A_300 : vector<144x144xf32>
    %reduce_max3A_302 = arith.constant dense<0xFF800000> : vector<144xf32>
    %reduce_max3A_303 = vector.multi_reduction <maximumf>, %add3A_301, %reduce_max3A_302 [1] : vector<144x144xf32> to vector<144xf32>
    %broadcast_in_dim3A_304 = vector.shape_cast %reduce_max3A_303 : vector<144xf32> to vector<144x1xf32>
    %sub3A_305 = vector.broadcast %broadcast_in_dim3A_304 : vector<144x1xf32> to vector<144x144xf32>
    %sub3A_306 = arith.subf %add3A_301, %sub3A_305 : vector<144x144xf32>
    %exp3A_307 = math.exp %sub3A_306 : vector<144x144xf32>
    %reduce_sum3A_308 = arith.constant dense<0.000000e+00> : vector<144xf32>
    %reduce_sum3A_309 = vector.multi_reduction <add>, %exp3A_307, %reduce_sum3A_308 [1] : vector<144x144xf32> to vector<144xf32>
    %broadcast_in_dim3A_310 = vector.shape_cast %reduce_sum3A_309 : vector<144xf32> to vector<144x1xf32>
    %div3A_311 = vector.broadcast %broadcast_in_dim3A_310 : vector<144x1xf32> to vector<144x144xf32>
    %div3A_312 = arith.divf %exp3A_307, %div3A_311 : vector<144x144xf32>
    %dot_general3A_313 = arith.constant dense<0.000000e+00> : vector<144x64xf32>
    %dot_general3A_314 = tpu.matmul %div3A_312, %slice3A_297, %dot_general3A_313 {dimension_numbers = #tpu.dot_dimension_numbers<[1], [0], [0], [1], [0, 0, 1, 1], [], []>, transpose_lhs_hint = false} : vector<144x144xf32>, vector<144x64xf32>, vector<144x64xf32> -> vector<144x64xf32>
    %slice3A_315 = vector.extract_strided_slice %mul3A_49 {offsets = [144, 64], sizes = [144, 64], strides = [1, 1]} : vector<576x768xf32> to vector<144x64xf32>
    %slice3A_316 = vector.extract_strided_slice %add3A_46 {offsets = [144, 832], sizes = [144, 64], strides = [1, 1]} : vector<576x2304xf32> to vector<144x64xf32>
    %slice3A_317 = vector.extract_strided_slice %add3A_46 {offsets = [144, 1600], sizes = [144, 64], strides = [1, 1]} : vector<576x2304xf32> to vector<144x64xf32>
    %dot_general3A_318 = arith.constant dense<0.000000e+00> : vector<144x144xf32>
    %dot_general3A_319 = tpu.matmul %slice3A_315, %slice3A_316, %dot_general3A_318 {dimension_numbers = #tpu.dot_dimension_numbers<[1], [1], [0], [0], [0, 0, 1, 0], [], []>, transpose_lhs_hint = false} : vector<144x64xf32>, vector<144x64xf32>, vector<144x144xf32> -> vector<144x144xf32>
    %add3A_320 = vector.broadcast %select_n3A_56 : vector<1x144xf32> to vector<144x144xf32>
    %add3A_321 = arith.addf %dot_general3A_319, %add3A_320 : vector<144x144xf32>
    %reduce_max3A_322 = arith.constant dense<0xFF800000> : vector<144xf32>
    %reduce_max3A_323 = vector.multi_reduction <maximumf>, %add3A_321, %reduce_max3A_322 [1] : vector<144x144xf32> to vector<144xf32>
    %broadcast_in_dim3A_324 = vector.shape_cast %reduce_max3A_323 : vector<144xf32> to vector<144x1xf32>
    %sub3A_325 = vector.broadcast %broadcast_in_dim3A_324 : vector<144x1xf32> to vector<144x144xf32>
    %sub3A_326 = arith.subf %add3A_321, %sub3A_325 : vector<144x144xf32>
    %exp3A_327 = math.exp %sub3A_326 : vector<144x144xf32>
    %reduce_sum3A_328 = arith.constant dense<0.000000e+00> : vector<144xf32>
    %reduce_sum3A_329 = vector.multi_reduction <add>, %exp3A_327, %reduce_sum3A_328 [1] : vector<144x144xf32> to vector<144xf32>
    %broadcast_in_dim3A_330 = vector.shape_cast %reduce_sum3A_329 : vector<144xf32> to vector<144x1xf32>
    %div3A_331 = vector.broadcast %broadcast_in_dim3A_330 : vector<144x1xf32> to vector<144x144xf32>
    %div3A_332 = arith.divf %exp3A_327, %div3A_331 : vector<144x144xf32>
    %dot_general3A_333 = arith.constant dense<0.000000e+00> : vector<144x64xf32>
    %dot_general3A_334 = tpu.matmul %div3A_332, %slice3A_317, %dot_general3A_333 {dimension_numbers = #tpu.dot_dimension_numbers<[1], [0], [0], [1], [0, 0, 1, 1], [], []>, transpose_lhs_hint = false} : vector<144x144xf32>, vector<144x64xf32>, vector<144x64xf32> -> vector<144x64xf32>
    %slice3A_335 = vector.extract_strided_slice %mul3A_49 {offsets = [144, 128], sizes = [144, 64], strides = [1, 1]} : vector<576x768xf32> to vector<144x64xf32>
    %slice3A_336 = vector.extract_strided_slice %add3A_46 {offsets = [144, 896], sizes = [144, 64], strides = [1, 1]} : vector<576x2304xf32> to vector<144x64xf32>
    %slice3A_337 = vector.extract_strided_slice %add3A_46 {offsets = [144, 1664], sizes = [144, 64], strides = [1, 1]} : vector<576x2304xf32> to vector<144x64xf32>
    %dot_general3A_338 = arith.constant dense<0.000000e+00> : vector<144x144xf32>
    %dot_general3A_339 = tpu.matmul %slice3A_335, %slice3A_336, %dot_general3A_338 {dimension_numbers = #tpu.dot_dimension_numbers<[1], [1], [0], [0], [0, 0, 1, 0], [], []>, transpose_lhs_hint = false} : vector<144x64xf32>, vector<144x64xf32>, vector<144x144xf32> -> vector<144x144xf32>
    %add3A_340 = vector.broadcast %select_n3A_56 : vector<1x144xf32> to vector<144x144xf32>
    %add3A_341 = arith.addf %dot_general3A_339, %add3A_340 : vector<144x144xf32>
    %reduce_max3A_342 = arith.constant dense<0xFF800000> : vector<144xf32>
    %reduce_max3A_343 = vector.multi_reduction <maximumf>, %add3A_341, %reduce_max3A_342 [1] : vector<144x144xf32> to vector<144xf32>
    %broadcast_in_dim3A_344 = vector.shape_cast %reduce_max3A_343 : vector<144xf32> to vector<144x1xf32>
    %sub3A_345 = vector.broadcast %broadcast_in_dim3A_344 : vector<144x1xf32> to vector<144x144xf32>
    %sub3A_346 = arith.subf %add3A_341, %sub3A_345 : vector<144x144xf32>
    %exp3A_347 = math.exp %sub3A_346 : vector<144x144xf32>
    %reduce_sum3A_348 = arith.constant dense<0.000000e+00> : vector<144xf32>
    %reduce_sum3A_349 = vector.multi_reduction <add>, %exp3A_347, %reduce_sum3A_348 [1] : vector<144x144xf32> to vector<144xf32>
    %broadcast_in_dim3A_350 = vector.shape_cast %reduce_sum3A_349 : vector<144xf32> to vector<144x1xf32>
    %div3A_351 = vector.broadcast %broadcast_in_dim3A_350 : vector<144x1xf32> to vector<144x144xf32>
    %div3A_352 = arith.divf %exp3A_347, %div3A_351 : vector<144x144xf32>
    %dot_general3A_353 = arith.constant dense<0.000000e+00> : vector<144x64xf32>
    %dot_general3A_354 = tpu.matmul %div3A_352, %slice3A_337, %dot_general3A_353 {dimension_numbers = #tpu.dot_dimension_numbers<[1], [0], [0], [1], [0, 0, 1, 1], [], []>, transpose_lhs_hint = false} : vector<144x144xf32>, vector<144x64xf32>, vector<144x64xf32> -> vector<144x64xf32>
    %slice3A_355 = vector.extract_strided_slice %mul3A_49 {offsets = [144, 192], sizes = [144, 64], strides = [1, 1]} : vector<576x768xf32> to vector<144x64xf32>
    %slice3A_356 = vector.extract_strided_slice %add3A_46 {offsets = [144, 960], sizes = [144, 64], strides = [1, 1]} : vector<576x2304xf32> to vector<144x64xf32>
    %slice3A_357 = vector.extract_strided_slice %add3A_46 {offsets = [144, 1728], sizes = [144, 64], strides = [1, 1]} : vector<576x2304xf32> to vector<144x64xf32>
    %dot_general3A_358 = arith.constant dense<0.000000e+00> : vector<144x144xf32>
    %dot_general3A_359 = tpu.matmul %slice3A_355, %slice3A_356, %dot_general3A_358 {dimension_numbers = #tpu.dot_dimension_numbers<[1], [1], [0], [0], [0, 0, 1, 0], [], []>, transpose_lhs_hint = false} : vector<144x64xf32>, vector<144x64xf32>, vector<144x144xf32> -> vector<144x144xf32>
    %add3A_360 = vector.broadcast %select_n3A_56 : vector<1x144xf32> to vector<144x144xf32>
    %add3A_361 = arith.addf %dot_general3A_359, %add3A_360 : vector<144x144xf32>
    %reduce_max3A_362 = arith.constant dense<0xFF800000> : vector<144xf32>
    %reduce_max3A_363 = vector.multi_reduction <maximumf>, %add3A_361, %reduce_max3A_362 [1] : vector<144x144xf32> to vector<144xf32>
    %broadcast_in_dim3A_364 = vector.shape_cast %reduce_max3A_363 : vector<144xf32> to vector<144x1xf32>
    %sub3A_365 = vector.broadcast %broadcast_in_dim3A_364 : vector<144x1xf32> to vector<144x144xf32>
    %sub3A_366 = arith.subf %add3A_361, %sub3A_365 : vector<144x144xf32>
    %exp3A_367 = math.exp %sub3A_366 : vector<144x144xf32>
    %reduce_sum3A_368 = arith.constant dense<0.000000e+00> : vector<144xf32>
    %reduce_sum3A_369 = vector.multi_reduction <add>, %exp3A_367, %reduce_sum3A_368 [1] : vector<144x144xf32> to vector<144xf32>
    %broadcast_in_dim3A_370 = vector.shape_cast %reduce_sum3A_369 : vector<144xf32> to vector<144x1xf32>
    %div3A_371 = vector.broadcast %broadcast_in_dim3A_370 : vector<144x1xf32> to vector<144x144xf32>
    %div3A_372 = arith.divf %exp3A_367, %div3A_371 : vector<144x144xf32>
    %dot_general3A_373 = arith.constant dense<0.000000e+00> : vector<144x64xf32>
    %dot_general3A_374 = tpu.matmul %div3A_372, %slice3A_357, %dot_general3A_373 {dimension_numbers = #tpu.dot_dimension_numbers<[1], [0], [0], [1], [0, 0, 1, 1], [], []>, transpose_lhs_hint = false} : vector<144x144xf32>, vector<144x64xf32>, vector<144x64xf32> -> vector<144x64xf32>
    %slice3A_375 = vector.extract_strided_slice %mul3A_49 {offsets = [144, 256], sizes = [144, 64], strides = [1, 1]} : vector<576x768xf32> to vector<144x64xf32>
    %slice3A_376 = vector.extract_strided_slice %add3A_46 {offsets = [144, 1024], sizes = [144, 64], strides = [1, 1]} : vector<576x2304xf32> to vector<144x64xf32>
    %slice3A_377 = vector.extract_strided_slice %add3A_46 {offsets = [144, 1792], sizes = [144, 64], strides = [1, 1]} : vector<576x2304xf32> to vector<144x64xf32>
    %dot_general3A_378 = arith.constant dense<0.000000e+00> : vector<144x144xf32>
    %dot_general3A_379 = tpu.matmul %slice3A_375, %slice3A_376, %dot_general3A_378 {dimension_numbers = #tpu.dot_dimension_numbers<[1], [1], [0], [0], [0, 0, 1, 0], [], []>, transpose_lhs_hint = false} : vector<144x64xf32>, vector<144x64xf32>, vector<144x144xf32> -> vector<144x144xf32>
    %add3A_380 = vector.broadcast %select_n3A_56 : vector<1x144xf32> to vector<144x144xf32>
    %add3A_381 = arith.addf %dot_general3A_379, %add3A_380 : vector<144x144xf32>
    %reduce_max3A_382 = arith.constant dense<0xFF800000> : vector<144xf32>
    %reduce_max3A_383 = vector.multi_reduction <maximumf>, %add3A_381, %reduce_max3A_382 [1] : vector<144x144xf32> to vector<144xf32>
    %broadcast_in_dim3A_384 = vector.shape_cast %reduce_max3A_383 : vector<144xf32> to vector<144x1xf32>
    %sub3A_385 = vector.broadcast %broadcast_in_dim3A_384 : vector<144x1xf32> to vector<144x144xf32>
    %sub3A_386 = arith.subf %add3A_381, %sub3A_385 : vector<144x144xf32>
    %exp3A_387 = math.exp %sub3A_386 : vector<144x144xf32>
    %reduce_sum3A_388 = arith.constant dense<0.000000e+00> : vector<144xf32>
    %reduce_sum3A_389 = vector.multi_reduction <add>, %exp3A_387, %reduce_sum3A_388 [1] : vector<144x144xf32> to vector<144xf32>
    %broadcast_in_dim3A_390 = vector.shape_cast %reduce_sum3A_389 : vector<144xf32> to vector<144x1xf32>
    %div3A_391 = vector.broadcast %broadcast_in_dim3A_390 : vector<144x1xf32> to vector<144x144xf32>
    %div3A_392 = arith.divf %exp3A_387, %div3A_391 : vector<144x144xf32>
    %dot_general3A_393 = arith.constant dense<0.000000e+00> : vector<144x64xf32>
    %dot_general3A_394 = tpu.matmul %div3A_392, %slice3A_377, %dot_general3A_393 {dimension_numbers = #tpu.dot_dimension_numbers<[1], [0], [0], [1], [0, 0, 1, 1], [], []>, transpose_lhs_hint = false} : vector<144x144xf32>, vector<144x64xf32>, vector<144x64xf32> -> vector<144x64xf32>
    %slice3A_395 = vector.extract_strided_slice %mul3A_49 {offsets = [144, 320], sizes = [144, 64], strides = [1, 1]} : vector<576x768xf32> to vector<144x64xf32>
    %slice3A_396 = vector.extract_strided_slice %add3A_46 {offsets = [144, 1088], sizes = [144, 64], strides = [1, 1]} : vector<576x2304xf32> to vector<144x64xf32>
    %slice3A_397 = vector.extract_strided_slice %add3A_46 {offsets = [144, 1856], sizes = [144, 64], strides = [1, 1]} : vector<576x2304xf32> to vector<144x64xf32>
    %dot_general3A_398 = arith.constant dense<0.000000e+00> : vector<144x144xf32>
    %dot_general3A_399 = tpu.matmul %slice3A_395, %slice3A_396, %dot_general3A_398 {dimension_numbers = #tpu.dot_dimension_numbers<[1], [1], [0], [0], [0, 0, 1, 0], [], []>, transpose_lhs_hint = false} : vector<144x64xf32>, vector<144x64xf32>, vector<144x144xf32> -> vector<144x144xf32>
    %add3A_400 = vector.broadcast %select_n3A_56 : vector<1x144xf32> to vector<144x144xf32>
    %add3A_401 = arith.addf %dot_general3A_399, %add3A_400 : vector<144x144xf32>
    %reduce_max3A_402 = arith.constant dense<0xFF800000> : vector<144xf32>
    %reduce_max3A_403 = vector.multi_reduction <maximumf>, %add3A_401, %reduce_max3A_402 [1] : vector<144x144xf32> to vector<144xf32>
    %broadcast_in_dim3A_404 = vector.shape_cast %reduce_max3A_403 : vector<144xf32> to vector<144x1xf32>
    %sub3A_405 = vector.broadcast %broadcast_in_dim3A_404 : vector<144x1xf32> to vector<144x144xf32>
    %sub3A_406 = arith.subf %add3A_401, %sub3A_405 : vector<144x144xf32>
    %exp3A_407 = math.exp %sub3A_406 : vector<144x144xf32>
    %reduce_sum3A_408 = arith.constant dense<0.000000e+00> : vector<144xf32>
    %reduce_sum3A_409 = vector.multi_reduction <add>, %exp3A_407, %reduce_sum3A_408 [1] : vector<144x144xf32> to vector<144xf32>
    %broadcast_in_dim3A_410 = vector.shape_cast %reduce_sum3A_409 : vector<144xf32> to vector<144x1xf32>
    %div3A_411 = vector.broadcast %broadcast_in_dim3A_410 : vector<144x1xf32> to vector<144x144xf32>
    %div3A_412 = arith.divf %exp3A_407, %div3A_411 : vector<144x144xf32>
    %dot_general3A_413 = arith.constant dense<0.000000e+00> : vector<144x64xf32>
    %dot_general3A_414 = tpu.matmul %div3A_412, %slice3A_397, %dot_general3A_413 {dimension_numbers = #tpu.dot_dimension_numbers<[1], [0], [0], [1], [0, 0, 1, 1], [], []>, transpose_lhs_hint = false} : vector<144x144xf32>, vector<144x64xf32>, vector<144x64xf32> -> vector<144x64xf32>
    %slice3A_415 = vector.extract_strided_slice %mul3A_49 {offsets = [144, 384], sizes = [144, 64], strides = [1, 1]} : vector<576x768xf32> to vector<144x64xf32>
    %slice3A_416 = vector.extract_strided_slice %add3A_46 {offsets = [144, 1152], sizes = [144, 64], strides = [1, 1]} : vector<576x2304xf32> to vector<144x64xf32>
    %slice3A_417 = vector.extract_strided_slice %add3A_46 {offsets = [144, 1920], sizes = [144, 64], strides = [1, 1]} : vector<576x2304xf32> to vector<144x64xf32>
    %dot_general3A_418 = arith.constant dense<0.000000e+00> : vector<144x144xf32>
    %dot_general3A_419 = tpu.matmul %slice3A_415, %slice3A_416, %dot_general3A_418 {dimension_numbers = #tpu.dot_dimension_numbers<[1], [1], [0], [0], [0, 0, 1, 0], [], []>, transpose_lhs_hint = false} : vector<144x64xf32>, vector<144x64xf32>, vector<144x144xf32> -> vector<144x144xf32>
    %add3A_420 = vector.broadcast %select_n3A_56 : vector<1x144xf32> to vector<144x144xf32>
    %add3A_421 = arith.addf %dot_general3A_419, %add3A_420 : vector<144x144xf32>
    %reduce_max3A_422 = arith.constant dense<0xFF800000> : vector<144xf32>
    %reduce_max3A_423 = vector.multi_reduction <maximumf>, %add3A_421, %reduce_max3A_422 [1] : vector<144x144xf32> to vector<144xf32>
    %broadcast_in_dim3A_424 = vector.shape_cast %reduce_max3A_423 : vector<144xf32> to vector<144x1xf32>
    %sub3A_425 = vector.broadcast %broadcast_in_dim3A_424 : vector<144x1xf32> to vector<144x144xf32>
    %sub3A_426 = arith.subf %add3A_421, %sub3A_425 : vector<144x144xf32>
    %exp3A_427 = math.exp %sub3A_426 : vector<144x144xf32>
    %reduce_sum3A_428 = arith.constant dense<0.000000e+00> : vector<144xf32>
    %reduce_sum3A_429 = vector.multi_reduction <add>, %exp3A_427, %reduce_sum3A_428 [1] : vector<144x144xf32> to vector<144xf32>
    %broadcast_in_dim3A_430 = vector.shape_cast %reduce_sum3A_429 : vector<144xf32> to vector<144x1xf32>
    %div3A_431 = vector.broadcast %broadcast_in_dim3A_430 : vector<144x1xf32> to vector<144x144xf32>
    %div3A_432 = arith.divf %exp3A_427, %div3A_431 : vector<144x144xf32>
    %dot_general3A_433 = arith.constant dense<0.000000e+00> : vector<144x64xf32>
    %dot_general3A_434 = tpu.matmul %div3A_432, %slice3A_417, %dot_general3A_433 {dimension_numbers = #tpu.dot_dimension_numbers<[1], [0], [0], [1], [0, 0, 1, 1], [], []>, transpose_lhs_hint = false} : vector<144x144xf32>, vector<144x64xf32>, vector<144x64xf32> -> vector<144x64xf32>
    %slice3A_435 = vector.extract_strided_slice %mul3A_49 {offsets = [144, 448], sizes = [144, 64], strides = [1, 1]} : vector<576x768xf32> to vector<144x64xf32>
    %slice3A_436 = vector.extract_strided_slice %add3A_46 {offsets = [144, 1216], sizes = [144, 64], strides = [1, 1]} : vector<576x2304xf32> to vector<144x64xf32>
    %slice3A_437 = vector.extract_strided_slice %add3A_46 {offsets = [144, 1984], sizes = [144, 64], strides = [1, 1]} : vector<576x2304xf32> to vector<144x64xf32>
    %dot_general3A_438 = arith.constant dense<0.000000e+00> : vector<144x144xf32>
    %dot_general3A_439 = tpu.matmul %slice3A_435, %slice3A_436, %dot_general3A_438 {dimension_numbers = #tpu.dot_dimension_numbers<[1], [1], [0], [0], [0, 0, 1, 0], [], []>, transpose_lhs_hint = false} : vector<144x64xf32>, vector<144x64xf32>, vector<144x144xf32> -> vector<144x144xf32>
    %add3A_440 = vector.broadcast %select_n3A_56 : vector<1x144xf32> to vector<144x144xf32>
    %add3A_441 = arith.addf %dot_general3A_439, %add3A_440 : vector<144x144xf32>
    %reduce_max3A_442 = arith.constant dense<0xFF800000> : vector<144xf32>
    %reduce_max3A_443 = vector.multi_reduction <maximumf>, %add3A_441, %reduce_max3A_442 [1] : vector<144x144xf32> to vector<144xf32>
    %broadcast_in_dim3A_444 = vector.shape_cast %reduce_max3A_443 : vector<144xf32> to vector<144x1xf32>
    %sub3A_445 = vector.broadcast %broadcast_in_dim3A_444 : vector<144x1xf32> to vector<144x144xf32>
    %sub3A_446 = arith.subf %add3A_441, %sub3A_445 : vector<144x144xf32>
    %exp3A_447 = math.exp %sub3A_446 : vector<144x144xf32>
    %reduce_sum3A_448 = arith.constant dense<0.000000e+00> : vector<144xf32>
    %reduce_sum3A_449 = vector.multi_reduction <add>, %exp3A_447, %reduce_sum3A_448 [1] : vector<144x144xf32> to vector<144xf32>
    %broadcast_in_dim3A_450 = vector.shape_cast %reduce_sum3A_449 : vector<144xf32> to vector<144x1xf32>
    %div3A_451 = vector.broadcast %broadcast_in_dim3A_450 : vector<144x1xf32> to vector<144x144xf32>
    %div3A_452 = arith.divf %exp3A_447, %div3A_451 : vector<144x144xf32>
    %dot_general3A_453 = arith.constant dense<0.000000e+00> : vector<144x64xf32>
    %dot_general3A_454 = tpu.matmul %div3A_452, %slice3A_437, %dot_general3A_453 {dimension_numbers = #tpu.dot_dimension_numbers<[1], [0], [0], [1], [0, 0, 1, 1], [], []>, transpose_lhs_hint = false} : vector<144x144xf32>, vector<144x64xf32>, vector<144x64xf32> -> vector<144x64xf32>
    %slice3A_455 = vector.extract_strided_slice %mul3A_49 {offsets = [144, 512], sizes = [144, 64], strides = [1, 1]} : vector<576x768xf32> to vector<144x64xf32>
    %slice3A_456 = vector.extract_strided_slice %add3A_46 {offsets = [144, 1280], sizes = [144, 64], strides = [1, 1]} : vector<576x2304xf32> to vector<144x64xf32>
    %slice3A_457 = vector.extract_strided_slice %add3A_46 {offsets = [144, 2048], sizes = [144, 64], strides = [1, 1]} : vector<576x2304xf32> to vector<144x64xf32>
    %dot_general3A_458 = arith.constant dense<0.000000e+00> : vector<144x144xf32>
    %dot_general3A_459 = tpu.matmul %slice3A_455, %slice3A_456, %dot_general3A_458 {dimension_numbers = #tpu.dot_dimension_numbers<[1], [1], [0], [0], [0, 0, 1, 0], [], []>, transpose_lhs_hint = false} : vector<144x64xf32>, vector<144x64xf32>, vector<144x144xf32> -> vector<144x144xf32>
    %add3A_460 = vector.broadcast %select_n3A_56 : vector<1x144xf32> to vector<144x144xf32>
    %add3A_461 = arith.addf %dot_general3A_459, %add3A_460 : vector<144x144xf32>
    %reduce_max3A_462 = arith.constant dense<0xFF800000> : vector<144xf32>
    %reduce_max3A_463 = vector.multi_reduction <maximumf>, %add3A_461, %reduce_max3A_462 [1] : vector<144x144xf32> to vector<144xf32>
    %broadcast_in_dim3A_464 = vector.shape_cast %reduce_max3A_463 : vector<144xf32> to vector<144x1xf32>
    %sub3A_465 = vector.broadcast %broadcast_in_dim3A_464 : vector<144x1xf32> to vector<144x144xf32>
    %sub3A_466 = arith.subf %add3A_461, %sub3A_465 : vector<144x144xf32>
    %exp3A_467 = math.exp %sub3A_466 : vector<144x144xf32>
    %reduce_sum3A_468 = arith.constant dense<0.000000e+00> : vector<144xf32>
    %reduce_sum3A_469 = vector.multi_reduction <add>, %exp3A_467, %reduce_sum3A_468 [1] : vector<144x144xf32> to vector<144xf32>
    %broadcast_in_dim3A_470 = vector.shape_cast %reduce_sum3A_469 : vector<144xf32> to vector<144x1xf32>
    %div3A_471 = vector.broadcast %broadcast_in_dim3A_470 : vector<144x1xf32> to vector<144x144xf32>
    %div3A_472 = arith.divf %exp3A_467, %div3A_471 : vector<144x144xf32>
    %dot_general3A_473 = arith.constant dense<0.000000e+00> : vector<144x64xf32>
    %dot_general3A_474 = tpu.matmul %div3A_472, %slice3A_457, %dot_general3A_473 {dimension_numbers = #tpu.dot_dimension_numbers<[1], [0], [0], [1], [0, 0, 1, 1], [], []>, transpose_lhs_hint = false} : vector<144x144xf32>, vector<144x64xf32>, vector<144x64xf32> -> vector<144x64xf32>
    %slice3A_475 = vector.extract_strided_slice %mul3A_49 {offsets = [144, 576], sizes = [144, 64], strides = [1, 1]} : vector<576x768xf32> to vector<144x64xf32>
    %slice3A_476 = vector.extract_strided_slice %add3A_46 {offsets = [144, 1344], sizes = [144, 64], strides = [1, 1]} : vector<576x2304xf32> to vector<144x64xf32>
    %slice3A_477 = vector.extract_strided_slice %add3A_46 {offsets = [144, 2112], sizes = [144, 64], strides = [1, 1]} : vector<576x2304xf32> to vector<144x64xf32>
    %dot_general3A_478 = arith.constant dense<0.000000e+00> : vector<144x144xf32>
    %dot_general3A_479 = tpu.matmul %slice3A_475, %slice3A_476, %dot_general3A_478 {dimension_numbers = #tpu.dot_dimension_numbers<[1], [1], [0], [0], [0, 0, 1, 0], [], []>, transpose_lhs_hint = false} : vector<144x64xf32>, vector<144x64xf32>, vector<144x144xf32> -> vector<144x144xf32>
    %add3A_480 = vector.broadcast %select_n3A_56 : vector<1x144xf32> to vector<144x144xf32>
    %add3A_481 = arith.addf %dot_general3A_479, %add3A_480 : vector<144x144xf32>
    %reduce_max3A_482 = arith.constant dense<0xFF800000> : vector<144xf32>
    %reduce_max3A_483 = vector.multi_reduction <maximumf>, %add3A_481, %reduce_max3A_482 [1] : vector<144x144xf32> to vector<144xf32>
    %broadcast_in_dim3A_484 = vector.shape_cast %reduce_max3A_483 : vector<144xf32> to vector<144x1xf32>
    %sub3A_485 = vector.broadcast %broadcast_in_dim3A_484 : vector<144x1xf32> to vector<144x144xf32>
    %sub3A_486 = arith.subf %add3A_481, %sub3A_485 : vector<144x144xf32>
    %exp3A_487 = math.exp %sub3A_486 : vector<144x144xf32>
    %reduce_sum3A_488 = arith.constant dense<0.000000e+00> : vector<144xf32>
    %reduce_sum3A_489 = vector.multi_reduction <add>, %exp3A_487, %reduce_sum3A_488 [1] : vector<144x144xf32> to vector<144xf32>
    %broadcast_in_dim3A_490 = vector.shape_cast %reduce_sum3A_489 : vector<144xf32> to vector<144x1xf32>
    %div3A_491 = vector.broadcast %broadcast_in_dim3A_490 : vector<144x1xf32> to vector<144x144xf32>
    %div3A_492 = arith.divf %exp3A_487, %div3A_491 : vector<144x144xf32>
    %dot_general3A_493 = arith.constant dense<0.000000e+00> : vector<144x64xf32>
    %dot_general3A_494 = tpu.matmul %div3A_492, %slice3A_477, %dot_general3A_493 {dimension_numbers = #tpu.dot_dimension_numbers<[1], [0], [0], [1], [0, 0, 1, 1], [], []>, transpose_lhs_hint = false} : vector<144x144xf32>, vector<144x64xf32>, vector<144x64xf32> -> vector<144x64xf32>
    %slice3A_495 = vector.extract_strided_slice %mul3A_49 {offsets = [144, 640], sizes = [144, 64], strides = [1, 1]} : vector<576x768xf32> to vector<144x64xf32>
    %slice3A_496 = vector.extract_strided_slice %add3A_46 {offsets = [144, 1408], sizes = [144, 64], strides = [1, 1]} : vector<576x2304xf32> to vector<144x64xf32>
    %slice3A_497 = vector.extract_strided_slice %add3A_46 {offsets = [144, 2176], sizes = [144, 64], strides = [1, 1]} : vector<576x2304xf32> to vector<144x64xf32>
    %dot_general3A_498 = arith.constant dense<0.000000e+00> : vector<144x144xf32>
    %dot_general3A_499 = tpu.matmul %slice3A_495, %slice3A_496, %dot_general3A_498 {dimension_numbers = #tpu.dot_dimension_numbers<[1], [1], [0], [0], [0, 0, 1, 0], [], []>, transpose_lhs_hint = false} : vector<144x64xf32>, vector<144x64xf32>, vector<144x144xf32> -> vector<144x144xf32>
    %add3A_500 = vector.broadcast %select_n3A_56 : vector<1x144xf32> to vector<144x144xf32>
    %add3A_501 = arith.addf %dot_general3A_499, %add3A_500 : vector<144x144xf32>
    %reduce_max3A_502 = arith.constant dense<0xFF800000> : vector<144xf32>
    %reduce_max3A_503 = vector.multi_reduction <maximumf>, %add3A_501, %reduce_max3A_502 [1] : vector<144x144xf32> to vector<144xf32>
    %broadcast_in_dim3A_504 = vector.shape_cast %reduce_max3A_503 : vector<144xf32> to vector<144x1xf32>
    %sub3A_505 = vector.broadcast %broadcast_in_dim3A_504 : vector<144x1xf32> to vector<144x144xf32>
    %sub3A_506 = arith.subf %add3A_501, %sub3A_505 : vector<144x144xf32>
    %exp3A_507 = math.exp %sub3A_506 : vector<144x144xf32>
    %reduce_sum3A_508 = arith.constant dense<0.000000e+00> : vector<144xf32>
    %reduce_sum3A_509 = vector.multi_reduction <add>, %exp3A_507, %reduce_sum3A_508 [1] : vector<144x144xf32> to vector<144xf32>
    %broadcast_in_dim3A_510 = vector.shape_cast %reduce_sum3A_509 : vector<144xf32> to vector<144x1xf32>
    %div3A_511 = vector.broadcast %broadcast_in_dim3A_510 : vector<144x1xf32> to vector<144x144xf32>
    %div3A_512 = arith.divf %exp3A_507, %div3A_511 : vector<144x144xf32>
    %dot_general3A_513 = arith.constant dense<0.000000e+00> : vector<144x64xf32>
    %dot_general3A_514 = tpu.matmul %div3A_512, %slice3A_497, %dot_general3A_513 {dimension_numbers = #tpu.dot_dimension_numbers<[1], [0], [0], [1], [0, 0, 1, 1], [], []>, transpose_lhs_hint = false} : vector<144x144xf32>, vector<144x64xf32>, vector<144x64xf32> -> vector<144x64xf32>
    %slice3A_515 = vector.extract_strided_slice %mul3A_49 {offsets = [144, 704], sizes = [144, 64], strides = [1, 1]} : vector<576x768xf32> to vector<144x64xf32>
    %slice3A_516 = vector.extract_strided_slice %add3A_46 {offsets = [144, 1472], sizes = [144, 64], strides = [1, 1]} : vector<576x2304xf32> to vector<144x64xf32>
    %slice3A_517 = vector.extract_strided_slice %add3A_46 {offsets = [144, 2240], sizes = [144, 64], strides = [1, 1]} : vector<576x2304xf32> to vector<144x64xf32>
    %dot_general3A_518 = arith.constant dense<0.000000e+00> : vector<144x144xf32>
    %dot_general3A_519 = tpu.matmul %slice3A_515, %slice3A_516, %dot_general3A_518 {dimension_numbers = #tpu.dot_dimension_numbers<[1], [1], [0], [0], [0, 0, 1, 0], [], []>, transpose_lhs_hint = false} : vector<144x64xf32>, vector<144x64xf32>, vector<144x144xf32> -> vector<144x144xf32>
    %add3A_520 = vector.broadcast %select_n3A_56 : vector<1x144xf32> to vector<144x144xf32>
    %add3A_521 = arith.addf %dot_general3A_519, %add3A_520 : vector<144x144xf32>
    %reduce_max3A_522 = arith.constant dense<0xFF800000> : vector<144xf32>
    %reduce_max3A_523 = vector.multi_reduction <maximumf>, %add3A_521, %reduce_max3A_522 [1] : vector<144x144xf32> to vector<144xf32>
    %broadcast_in_dim3A_524 = vector.shape_cast %reduce_max3A_523 : vector<144xf32> to vector<144x1xf32>
    %sub3A_525 = vector.broadcast %broadcast_in_dim3A_524 : vector<144x1xf32> to vector<144x144xf32>
    %sub3A_526 = arith.subf %add3A_521, %sub3A_525 : vector<144x144xf32>
    %exp3A_527 = math.exp %sub3A_526 : vector<144x144xf32>
    %reduce_sum3A_528 = arith.constant dense<0.000000e+00> : vector<144xf32>
    %reduce_sum3A_529 = vector.multi_reduction <add>, %exp3A_527, %reduce_sum3A_528 [1] : vector<144x144xf32> to vector<144xf32>
    %broadcast_in_dim3A_530 = vector.shape_cast %reduce_sum3A_529 : vector<144xf32> to vector<144x1xf32>
    %div3A_531 = vector.broadcast %broadcast_in_dim3A_530 : vector<144x1xf32> to vector<144x144xf32>
    %div3A_532 = arith.divf %exp3A_527, %div3A_531 : vector<144x144xf32>
    %dot_general3A_533 = arith.constant dense<0.000000e+00> : vector<144x64xf32>
    %dot_general3A_534 = tpu.matmul %div3A_532, %slice3A_517, %dot_general3A_533 {dimension_numbers = #tpu.dot_dimension_numbers<[1], [0], [0], [1], [0, 0, 1, 1], [], []>, transpose_lhs_hint = false} : vector<144x144xf32>, vector<144x64xf32>, vector<144x64xf32> -> vector<144x64xf32>
    %concatenate3A_535 = tpu.concatenate %dot_general3A_314, %dot_general3A_334, %dot_general3A_354, %dot_general3A_374, %dot_general3A_394, %dot_general3A_414, %dot_general3A_434, %dot_general3A_454, %dot_general3A_474, %dot_general3A_494, %dot_general3A_514, %dot_general3A_534 in 1 : vector<144x64xf32>, vector<144x64xf32>, vector<144x64xf32>, vector<144x64xf32>, vector<144x64xf32>, vector<144x64xf32>, vector<144x64xf32>, vector<144x64xf32>, vector<144x64xf32>, vector<144x64xf32>, vector<144x64xf32>, vector<144x64xf32> -> vector<144x768xf32>
    %slice3A_536 = vector.extract_strided_slice %mul3A_49 {offsets = [288, 0], sizes = [144, 64], strides = [1, 1]} : vector<576x768xf32> to vector<144x64xf32>
    %slice3A_537 = vector.extract_strided_slice %add3A_46 {offsets = [288, 768], sizes = [144, 64], strides = [1, 1]} : vector<576x2304xf32> to vector<144x64xf32>
    %slice3A_538 = vector.extract_strided_slice %add3A_46 {offsets = [288, 1536], sizes = [144, 64], strides = [1, 1]} : vector<576x2304xf32> to vector<144x64xf32>
    %dot_general3A_539 = arith.constant dense<0.000000e+00> : vector<144x144xf32>
    %dot_general3A_540 = tpu.matmul %slice3A_536, %slice3A_537, %dot_general3A_539 {dimension_numbers = #tpu.dot_dimension_numbers<[1], [1], [0], [0], [0, 0, 1, 0], [], []>, transpose_lhs_hint = false} : vector<144x64xf32>, vector<144x64xf32>, vector<144x144xf32> -> vector<144x144xf32>
    %add3A_541 = vector.broadcast %select_n3A_56 : vector<1x144xf32> to vector<144x144xf32>
    %add3A_542 = arith.addf %dot_general3A_540, %add3A_541 : vector<144x144xf32>
    %reduce_max3A_543 = arith.constant dense<0xFF800000> : vector<144xf32>
    %reduce_max3A_544 = vector.multi_reduction <maximumf>, %add3A_542, %reduce_max3A_543 [1] : vector<144x144xf32> to vector<144xf32>
    %broadcast_in_dim3A_545 = vector.shape_cast %reduce_max3A_544 : vector<144xf32> to vector<144x1xf32>
    %sub3A_546 = vector.broadcast %broadcast_in_dim3A_545 : vector<144x1xf32> to vector<144x144xf32>
    %sub3A_547 = arith.subf %add3A_542, %sub3A_546 : vector<144x144xf32>
    %exp3A_548 = math.exp %sub3A_547 : vector<144x144xf32>
    %reduce_sum3A_549 = arith.constant dense<0.000000e+00> : vector<144xf32>
    %reduce_sum3A_550 = vector.multi_reduction <add>, %exp3A_548, %reduce_sum3A_549 [1] : vector<144x144xf32> to vector<144xf32>
    %broadcast_in_dim3A_551 = vector.shape_cast %reduce_sum3A_550 : vector<144xf32> to vector<144x1xf32>
    %div3A_552 = vector.broadcast %broadcast_in_dim3A_551 : vector<144x1xf32> to vector<144x144xf32>
    %div3A_553 = arith.divf %exp3A_548, %div3A_552 : vector<144x144xf32>
    %dot_general3A_554 = arith.constant dense<0.000000e+00> : vector<144x64xf32>
    %dot_general3A_555 = tpu.matmul %div3A_553, %slice3A_538, %dot_general3A_554 {dimension_numbers = #tpu.dot_dimension_numbers<[1], [0], [0], [1], [0, 0, 1, 1], [], []>, transpose_lhs_hint = false} : vector<144x144xf32>, vector<144x64xf32>, vector<144x64xf32> -> vector<144x64xf32>
    %slice3A_556 = vector.extract_strided_slice %mul3A_49 {offsets = [288, 64], sizes = [144, 64], strides = [1, 1]} : vector<576x768xf32> to vector<144x64xf32>
    %slice3A_557 = vector.extract_strided_slice %add3A_46 {offsets = [288, 832], sizes = [144, 64], strides = [1, 1]} : vector<576x2304xf32> to vector<144x64xf32>
    %slice3A_558 = vector.extract_strided_slice %add3A_46 {offsets = [288, 1600], sizes = [144, 64], strides = [1, 1]} : vector<576x2304xf32> to vector<144x64xf32>
    %dot_general3A_559 = arith.constant dense<0.000000e+00> : vector<144x144xf32>
    %dot_general3A_560 = tpu.matmul %slice3A_556, %slice3A_557, %dot_general3A_559 {dimension_numbers = #tpu.dot_dimension_numbers<[1], [1], [0], [0], [0, 0, 1, 0], [], []>, transpose_lhs_hint = false} : vector<144x64xf32>, vector<144x64xf32>, vector<144x144xf32> -> vector<144x144xf32>
    %add3A_561 = vector.broadcast %select_n3A_56 : vector<1x144xf32> to vector<144x144xf32>
    %add3A_562 = arith.addf %dot_general3A_560, %add3A_561 : vector<144x144xf32>
    %reduce_max3A_563 = arith.constant dense<0xFF800000> : vector<144xf32>
    %reduce_max3A_564 = vector.multi_reduction <maximumf>, %add3A_562, %reduce_max3A_563 [1] : vector<144x144xf32> to vector<144xf32>
    %broadcast_in_dim3A_565 = vector.shape_cast %reduce_max3A_564 : vector<144xf32> to vector<144x1xf32>
    %sub3A_566 = vector.broadcast %broadcast_in_dim3A_565 : vector<144x1xf32> to vector<144x144xf32>
    %sub3A_567 = arith.subf %add3A_562, %sub3A_566 : vector<144x144xf32>
    %exp3A_568 = math.exp %sub3A_567 : vector<144x144xf32>
    %reduce_sum3A_569 = arith.constant dense<0.000000e+00> : vector<144xf32>
    %reduce_sum3A_570 = vector.multi_reduction <add>, %exp3A_568, %reduce_sum3A_569 [1] : vector<144x144xf32> to vector<144xf32>
    %broadcast_in_dim3A_571 = vector.shape_cast %reduce_sum3A_570 : vector<144xf32> to vector<144x1xf32>
    %div3A_572 = vector.broadcast %broadcast_in_dim3A_571 : vector<144x1xf32> to vector<144x144xf32>
    %div3A_573 = arith.divf %exp3A_568, %div3A_572 : vector<144x144xf32>
    %dot_general3A_574 = arith.constant dense<0.000000e+00> : vector<144x64xf32>
    %dot_general3A_575 = tpu.matmul %div3A_573, %slice3A_558, %dot_general3A_574 {dimension_numbers = #tpu.dot_dimension_numbers<[1], [0], [0], [1], [0, 0, 1, 1], [], []>, transpose_lhs_hint = false} : vector<144x144xf32>, vector<144x64xf32>, vector<144x64xf32> -> vector<144x64xf32>
    %slice3A_576 = vector.extract_strided_slice %mul3A_49 {offsets = [288, 128], sizes = [144, 64], strides = [1, 1]} : vector<576x768xf32> to vector<144x64xf32>
    %slice3A_577 = vector.extract_strided_slice %add3A_46 {offsets = [288, 896], sizes = [144, 64], strides = [1, 1]} : vector<576x2304xf32> to vector<144x64xf32>
    %slice3A_578 = vector.extract_strided_slice %add3A_46 {offsets = [288, 1664], sizes = [144, 64], strides = [1, 1]} : vector<576x2304xf32> to vector<144x64xf32>
    %dot_general3A_579 = arith.constant dense<0.000000e+00> : vector<144x144xf32>
    %dot_general3A_580 = tpu.matmul %slice3A_576, %slice3A_577, %dot_general3A_579 {dimension_numbers = #tpu.dot_dimension_numbers<[1], [1], [0], [0], [0, 0, 1, 0], [], []>, transpose_lhs_hint = false} : vector<144x64xf32>, vector<144x64xf32>, vector<144x144xf32> -> vector<144x144xf32>
    %add3A_581 = vector.broadcast %select_n3A_56 : vector<1x144xf32> to vector<144x144xf32>
    %add3A_582 = arith.addf %dot_general3A_580, %add3A_581 : vector<144x144xf32>
    %reduce_max3A_583 = arith.constant dense<0xFF800000> : vector<144xf32>
    %reduce_max3A_584 = vector.multi_reduction <maximumf>, %add3A_582, %reduce_max3A_583 [1] : vector<144x144xf32> to vector<144xf32>
    %broadcast_in_dim3A_585 = vector.shape_cast %reduce_max3A_584 : vector<144xf32> to vector<144x1xf32>
    %sub3A_586 = vector.broadcast %broadcast_in_dim3A_585 : vector<144x1xf32> to vector<144x144xf32>
    %sub3A_587 = arith.subf %add3A_582, %sub3A_586 : vector<144x144xf32>
    %exp3A_588 = math.exp %sub3A_587 : vector<144x144xf32>
    %reduce_sum3A_589 = arith.constant dense<0.000000e+00> : vector<144xf32>
    %reduce_sum3A_590 = vector.multi_reduction <add>, %exp3A_588, %reduce_sum3A_589 [1] : vector<144x144xf32> to vector<144xf32>
    %broadcast_in_dim3A_591 = vector.shape_cast %reduce_sum3A_590 : vector<144xf32> to vector<144x1xf32>
    %div3A_592 = vector.broadcast %broadcast_in_dim3A_591 : vector<144x1xf32> to vector<144x144xf32>
    %div3A_593 = arith.divf %exp3A_588, %div3A_592 : vector<144x144xf32>
    %dot_general3A_594 = arith.constant dense<0.000000e+00> : vector<144x64xf32>
    %dot_general3A_595 = tpu.matmul %div3A_593, %slice3A_578, %dot_general3A_594 {dimension_numbers = #tpu.dot_dimension_numbers<[1], [0], [0], [1], [0, 0, 1, 1], [], []>, transpose_lhs_hint = false} : vector<144x144xf32>, vector<144x64xf32>, vector<144x64xf32> -> vector<144x64xf32>
    %slice3A_596 = vector.extract_strided_slice %mul3A_49 {offsets = [288, 192], sizes = [144, 64], strides = [1, 1]} : vector<576x768xf32> to vector<144x64xf32>
    %slice3A_597 = vector.extract_strided_slice %add3A_46 {offsets = [288, 960], sizes = [144, 64], strides = [1, 1]} : vector<576x2304xf32> to vector<144x64xf32>
    %slice3A_598 = vector.extract_strided_slice %add3A_46 {offsets = [288, 1728], sizes = [144, 64], strides = [1, 1]} : vector<576x2304xf32> to vector<144x64xf32>
    %dot_general3A_599 = arith.constant dense<0.000000e+00> : vector<144x144xf32>
    %dot_general3A_600 = tpu.matmul %slice3A_596, %slice3A_597, %dot_general3A_599 {dimension_numbers = #tpu.dot_dimension_numbers<[1], [1], [0], [0], [0, 0, 1, 0], [], []>, transpose_lhs_hint = false} : vector<144x64xf32>, vector<144x64xf32>, vector<144x144xf32> -> vector<144x144xf32>
    %add3A_601 = vector.broadcast %select_n3A_56 : vector<1x144xf32> to vector<144x144xf32>
    %add3A_602 = arith.addf %dot_general3A_600, %add3A_601 : vector<144x144xf32>
    %reduce_max3A_603 = arith.constant dense<0xFF800000> : vector<144xf32>
    %reduce_max3A_604 = vector.multi_reduction <maximumf>, %add3A_602, %reduce_max3A_603 [1] : vector<144x144xf32> to vector<144xf32>
    %broadcast_in_dim3A_605 = vector.shape_cast %reduce_max3A_604 : vector<144xf32> to vector<144x1xf32>
    %sub3A_606 = vector.broadcast %broadcast_in_dim3A_605 : vector<144x1xf32> to vector<144x144xf32>
    %sub3A_607 = arith.subf %add3A_602, %sub3A_606 : vector<144x144xf32>
    %exp3A_608 = math.exp %sub3A_607 : vector<144x144xf32>
    %reduce_sum3A_609 = arith.constant dense<0.000000e+00> : vector<144xf32>
    %reduce_sum3A_610 = vector.multi_reduction <add>, %exp3A_608, %reduce_sum3A_609 [1] : vector<144x144xf32> to vector<144xf32>
    %broadcast_in_dim3A_611 = vector.shape_cast %reduce_sum3A_610 : vector<144xf32> to vector<144x1xf32>
    %div3A_612 = vector.broadcast %broadcast_in_dim3A_611 : vector<144x1xf32> to vector<144x144xf32>
    %div3A_613 = arith.divf %exp3A_608, %div3A_612 : vector<144x144xf32>
    %dot_general3A_614 = arith.constant dense<0.000000e+00> : vector<144x64xf32>
    %dot_general3A_615 = tpu.matmul %div3A_613, %slice3A_598, %dot_general3A_614 {dimension_numbers = #tpu.dot_dimension_numbers<[1], [0], [0], [1], [0, 0, 1, 1], [], []>, transpose_lhs_hint = false} : vector<144x144xf32>, vector<144x64xf32>, vector<144x64xf32> -> vector<144x64xf32>
    %slice3A_616 = vector.extract_strided_slice %mul3A_49 {offsets = [288, 256], sizes = [144, 64], strides = [1, 1]} : vector<576x768xf32> to vector<144x64xf32>
    %slice3A_617 = vector.extract_strided_slice %add3A_46 {offsets = [288, 1024], sizes = [144, 64], strides = [1, 1]} : vector<576x2304xf32> to vector<144x64xf32>
    %slice3A_618 = vector.extract_strided_slice %add3A_46 {offsets = [288, 1792], sizes = [144, 64], strides = [1, 1]} : vector<576x2304xf32> to vector<144x64xf32>
    %dot_general3A_619 = arith.constant dense<0.000000e+00> : vector<144x144xf32>
    %dot_general3A_620 = tpu.matmul %slice3A_616, %slice3A_617, %dot_general3A_619 {dimension_numbers = #tpu.dot_dimension_numbers<[1], [1], [0], [0], [0, 0, 1, 0], [], []>, transpose_lhs_hint = false} : vector<144x64xf32>, vector<144x64xf32>, vector<144x144xf32> -> vector<144x144xf32>
    %add3A_621 = vector.broadcast %select_n3A_56 : vector<1x144xf32> to vector<144x144xf32>
    %add3A_622 = arith.addf %dot_general3A_620, %add3A_621 : vector<144x144xf32>
    %reduce_max3A_623 = arith.constant dense<0xFF800000> : vector<144xf32>
    %reduce_max3A_624 = vector.multi_reduction <maximumf>, %add3A_622, %reduce_max3A_623 [1] : vector<144x144xf32> to vector<144xf32>
    %broadcast_in_dim3A_625 = vector.shape_cast %reduce_max3A_624 : vector<144xf32> to vector<144x1xf32>
    %sub3A_626 = vector.broadcast %broadcast_in_dim3A_625 : vector<144x1xf32> to vector<144x144xf32>
    %sub3A_627 = arith.subf %add3A_622, %sub3A_626 : vector<144x144xf32>
    %exp3A_628 = math.exp %sub3A_627 : vector<144x144xf32>
    %reduce_sum3A_629 = arith.constant dense<0.000000e+00> : vector<144xf32>
    %reduce_sum3A_630 = vector.multi_reduction <add>, %exp3A_628, %reduce_sum3A_629 [1] : vector<144x144xf32> to vector<144xf32>
    %broadcast_in_dim3A_631 = vector.shape_cast %reduce_sum3A_630 : vector<144xf32> to vector<144x1xf32>
    %div3A_632 = vector.broadcast %broadcast_in_dim3A_631 : vector<144x1xf32> to vector<144x144xf32>
    %div3A_633 = arith.divf %exp3A_628, %div3A_632 : vector<144x144xf32>
    %dot_general3A_634 = arith.constant dense<0.000000e+00> : vector<144x64xf32>
    %dot_general3A_635 = tpu.matmul %div3A_633, %slice3A_618, %dot_general3A_634 {dimension_numbers = #tpu.dot_dimension_numbers<[1], [0], [0], [1], [0, 0, 1, 1], [], []>, transpose_lhs_hint = false} : vector<144x144xf32>, vector<144x64xf32>, vector<144x64xf32> -> vector<144x64xf32>
    %slice3A_636 = vector.extract_strided_slice %mul3A_49 {offsets = [288, 320], sizes = [144, 64], strides = [1, 1]} : vector<576x768xf32> to vector<144x64xf32>
    %slice3A_637 = vector.extract_strided_slice %add3A_46 {offsets = [288, 1088], sizes = [144, 64], strides = [1, 1]} : vector<576x2304xf32> to vector<144x64xf32>
    %slice3A_638 = vector.extract_strided_slice %add3A_46 {offsets = [288, 1856], sizes = [144, 64], strides = [1, 1]} : vector<576x2304xf32> to vector<144x64xf32>
    %dot_general3A_639 = arith.constant dense<0.000000e+00> : vector<144x144xf32>
    %dot_general3A_640 = tpu.matmul %slice3A_636, %slice3A_637, %dot_general3A_639 {dimension_numbers = #tpu.dot_dimension_numbers<[1], [1], [0], [0], [0, 0, 1, 0], [], []>, transpose_lhs_hint = false} : vector<144x64xf32>, vector<144x64xf32>, vector<144x144xf32> -> vector<144x144xf32>
    %add3A_641 = vector.broadcast %select_n3A_56 : vector<1x144xf32> to vector<144x144xf32>
    %add3A_642 = arith.addf %dot_general3A_640, %add3A_641 : vector<144x144xf32>
    %reduce_max3A_643 = arith.constant dense<0xFF800000> : vector<144xf32>
    %reduce_max3A_644 = vector.multi_reduction <maximumf>, %add3A_642, %reduce_max3A_643 [1] : vector<144x144xf32> to vector<144xf32>
    %broadcast_in_dim3A_645 = vector.shape_cast %reduce_max3A_644 : vector<144xf32> to vector<144x1xf32>
    %sub3A_646 = vector.broadcast %broadcast_in_dim3A_645 : vector<144x1xf32> to vector<144x144xf32>
    %sub3A_647 = arith.subf %add3A_642, %sub3A_646 : vector<144x144xf32>
    %exp3A_648 = math.exp %sub3A_647 : vector<144x144xf32>
    %reduce_sum3A_649 = arith.constant dense<0.000000e+00> : vector<144xf32>
    %reduce_sum3A_650 = vector.multi_reduction <add>, %exp3A_648, %reduce_sum3A_649 [1] : vector<144x144xf32> to vector<144xf32>
    %broadcast_in_dim3A_651 = vector.shape_cast %reduce_sum3A_650 : vector<144xf32> to vector<144x1xf32>
    %div3A_652 = vector.broadcast %broadcast_in_dim3A_651 : vector<144x1xf32> to vector<144x144xf32>
    %div3A_653 = arith.divf %exp3A_648, %div3A_652 : vector<144x144xf32>
    %dot_general3A_654 = arith.constant dense<0.000000e+00> : vector<144x64xf32>
    %dot_general3A_655 = tpu.matmul %div3A_653, %slice3A_638, %dot_general3A_654 {dimension_numbers = #tpu.dot_dimension_numbers<[1], [0], [0], [1], [0, 0, 1, 1], [], []>, transpose_lhs_hint = false} : vector<144x144xf32>, vector<144x64xf32>, vector<144x64xf32> -> vector<144x64xf32>
    %slice3A_656 = vector.extract_strided_slice %mul3A_49 {offsets = [288, 384], sizes = [144, 64], strides = [1, 1]} : vector<576x768xf32> to vector<144x64xf32>
    %slice3A_657 = vector.extract_strided_slice %add3A_46 {offsets = [288, 1152], sizes = [144, 64], strides = [1, 1]} : vector<576x2304xf32> to vector<144x64xf32>
    %slice3A_658 = vector.extract_strided_slice %add3A_46 {offsets = [288, 1920], sizes = [144, 64], strides = [1, 1]} : vector<576x2304xf32> to vector<144x64xf32>
    %dot_general3A_659 = arith.constant dense<0.000000e+00> : vector<144x144xf32>
    %dot_general3A_660 = tpu.matmul %slice3A_656, %slice3A_657, %dot_general3A_659 {dimension_numbers = #tpu.dot_dimension_numbers<[1], [1], [0], [0], [0, 0, 1, 0], [], []>, transpose_lhs_hint = false} : vector<144x64xf32>, vector<144x64xf32>, vector<144x144xf32> -> vector<144x144xf32>
    %add3A_661 = vector.broadcast %select_n3A_56 : vector<1x144xf32> to vector<144x144xf32>
    %add3A_662 = arith.addf %dot_general3A_660, %add3A_661 : vector<144x144xf32>
    %reduce_max3A_663 = arith.constant dense<0xFF800000> : vector<144xf32>
    %reduce_max3A_664 = vector.multi_reduction <maximumf>, %add3A_662, %reduce_max3A_663 [1] : vector<144x144xf32> to vector<144xf32>
    %broadcast_in_dim3A_665 = vector.shape_cast %reduce_max3A_664 : vector<144xf32> to vector<144x1xf32>
    %sub3A_666 = vector.broadcast %broadcast_in_dim3A_665 : vector<144x1xf32> to vector<144x144xf32>
    %sub3A_667 = arith.subf %add3A_662, %sub3A_666 : vector<144x144xf32>
    %exp3A_668 = math.exp %sub3A_667 : vector<144x144xf32>
    %reduce_sum3A_669 = arith.constant dense<0.000000e+00> : vector<144xf32>
    %reduce_sum3A_670 = vector.multi_reduction <add>, %exp3A_668, %reduce_sum3A_669 [1] : vector<144x144xf32> to vector<144xf32>
    %broadcast_in_dim3A_671 = vector.shape_cast %reduce_sum3A_670 : vector<144xf32> to vector<144x1xf32>
    %div3A_672 = vector.broadcast %broadcast_in_dim3A_671 : vector<144x1xf32> to vector<144x144xf32>
    %div3A_673 = arith.divf %exp3A_668, %div3A_672 : vector<144x144xf32>
    %dot_general3A_674 = arith.constant dense<0.000000e+00> : vector<144x64xf32>
    %dot_general3A_675 = tpu.matmul %div3A_673, %slice3A_658, %dot_general3A_674 {dimension_numbers = #tpu.dot_dimension_numbers<[1], [0], [0], [1], [0, 0, 1, 1], [], []>, transpose_lhs_hint = false} : vector<144x144xf32>, vector<144x64xf32>, vector<144x64xf32> -> vector<144x64xf32>
    %slice3A_676 = vector.extract_strided_slice %mul3A_49 {offsets = [288, 448], sizes = [144, 64], strides = [1, 1]} : vector<576x768xf32> to vector<144x64xf32>
    %slice3A_677 = vector.extract_strided_slice %add3A_46 {offsets = [288, 1216], sizes = [144, 64], strides = [1, 1]} : vector<576x2304xf32> to vector<144x64xf32>
    %slice3A_678 = vector.extract_strided_slice %add3A_46 {offsets = [288, 1984], sizes = [144, 64], strides = [1, 1]} : vector<576x2304xf32> to vector<144x64xf32>
    %dot_general3A_679 = arith.constant dense<0.000000e+00> : vector<144x144xf32>
    %dot_general3A_680 = tpu.matmul %slice3A_676, %slice3A_677, %dot_general3A_679 {dimension_numbers = #tpu.dot_dimension_numbers<[1], [1], [0], [0], [0, 0, 1, 0], [], []>, transpose_lhs_hint = false} : vector<144x64xf32>, vector<144x64xf32>, vector<144x144xf32> -> vector<144x144xf32>
    %add3A_681 = vector.broadcast %select_n3A_56 : vector<1x144xf32> to vector<144x144xf32>
    %add3A_682 = arith.addf %dot_general3A_680, %add3A_681 : vector<144x144xf32>
    %reduce_max3A_683 = arith.constant dense<0xFF800000> : vector<144xf32>
    %reduce_max3A_684 = vector.multi_reduction <maximumf>, %add3A_682, %reduce_max3A_683 [1] : vector<144x144xf32> to vector<144xf32>
    %broadcast_in_dim3A_685 = vector.shape_cast %reduce_max3A_684 : vector<144xf32> to vector<144x1xf32>
    %sub3A_686 = vector.broadcast %broadcast_in_dim3A_685 : vector<144x1xf32> to vector<144x144xf32>
    %sub3A_687 = arith.subf %add3A_682, %sub3A_686 : vector<144x144xf32>
    %exp3A_688 = math.exp %sub3A_687 : vector<144x144xf32>
    %reduce_sum3A_689 = arith.constant dense<0.000000e+00> : vector<144xf32>
    %reduce_sum3A_690 = vector.multi_reduction <add>, %exp3A_688, %reduce_sum3A_689 [1] : vector<144x144xf32> to vector<144xf32>
    %broadcast_in_dim3A_691 = vector.shape_cast %reduce_sum3A_690 : vector<144xf32> to vector<144x1xf32>
    %div3A_692 = vector.broadcast %broadcast_in_dim3A_691 : vector<144x1xf32> to vector<144x144xf32>
    %div3A_693 = arith.divf %exp3A_688, %div3A_692 : vector<144x144xf32>
    %dot_general3A_694 = arith.constant dense<0.000000e+00> : vector<144x64xf32>
    %dot_general3A_695 = tpu.matmul %div3A_693, %slice3A_678, %dot_general3A_694 {dimension_numbers = #tpu.dot_dimension_numbers<[1], [0], [0], [1], [0, 0, 1, 1], [], []>, transpose_lhs_hint = false} : vector<144x144xf32>, vector<144x64xf32>, vector<144x64xf32> -> vector<144x64xf32>
    %slice3A_696 = vector.extract_strided_slice %mul3A_49 {offsets = [288, 512], sizes = [144, 64], strides = [1, 1]} : vector<576x768xf32> to vector<144x64xf32>
    %slice3A_697 = vector.extract_strided_slice %add3A_46 {offsets = [288, 1280], sizes = [144, 64], strides = [1, 1]} : vector<576x2304xf32> to vector<144x64xf32>
    %slice3A_698 = vector.extract_strided_slice %add3A_46 {offsets = [288, 2048], sizes = [144, 64], strides = [1, 1]} : vector<576x2304xf32> to vector<144x64xf32>
    %dot_general3A_699 = arith.constant dense<0.000000e+00> : vector<144x144xf32>
    %dot_general3A_700 = tpu.matmul %slice3A_696, %slice3A_697, %dot_general3A_699 {dimension_numbers = #tpu.dot_dimension_numbers<[1], [1], [0], [0], [0, 0, 1, 0], [], []>, transpose_lhs_hint = false} : vector<144x64xf32>, vector<144x64xf32>, vector<144x144xf32> -> vector<144x144xf32>
    %add3A_701 = vector.broadcast %select_n3A_56 : vector<1x144xf32> to vector<144x144xf32>
    %add3A_702 = arith.addf %dot_general3A_700, %add3A_701 : vector<144x144xf32>
    %reduce_max3A_703 = arith.constant dense<0xFF800000> : vector<144xf32>
    %reduce_max3A_704 = vector.multi_reduction <maximumf>, %add3A_702, %reduce_max3A_703 [1] : vector<144x144xf32> to vector<144xf32>
    %broadcast_in_dim3A_705 = vector.shape_cast %reduce_max3A_704 : vector<144xf32> to vector<144x1xf32>
    %sub3A_706 = vector.broadcast %broadcast_in_dim3A_705 : vector<144x1xf32> to vector<144x144xf32>
    %sub3A_707 = arith.subf %add3A_702, %sub3A_706 : vector<144x144xf32>
    %exp3A_708 = math.exp %sub3A_707 : vector<144x144xf32>
    %reduce_sum3A_709 = arith.constant dense<0.000000e+00> : vector<144xf32>
    %reduce_sum3A_710 = vector.multi_reduction <add>, %exp3A_708, %reduce_sum3A_709 [1] : vector<144x144xf32> to vector<144xf32>
    %broadcast_in_dim3A_711 = vector.shape_cast %reduce_sum3A_710 : vector<144xf32> to vector<144x1xf32>
    %div3A_712 = vector.broadcast %broadcast_in_dim3A_711 : vector<144x1xf32> to vector<144x144xf32>
    %div3A_713 = arith.divf %exp3A_708, %div3A_712 : vector<144x144xf32>
    %dot_general3A_714 = arith.constant dense<0.000000e+00> : vector<144x64xf32>
    %dot_general3A_715 = tpu.matmul %div3A_713, %slice3A_698, %dot_general3A_714 {dimension_numbers = #tpu.dot_dimension_numbers<[1], [0], [0], [1], [0, 0, 1, 1], [], []>, transpose_lhs_hint = false} : vector<144x144xf32>, vector<144x64xf32>, vector<144x64xf32> -> vector<144x64xf32>
    %slice3A_716 = vector.extract_strided_slice %mul3A_49 {offsets = [288, 576], sizes = [144, 64], strides = [1, 1]} : vector<576x768xf32> to vector<144x64xf32>
    %slice3A_717 = vector.extract_strided_slice %add3A_46 {offsets = [288, 1344], sizes = [144, 64], strides = [1, 1]} : vector<576x2304xf32> to vector<144x64xf32>
    %slice3A_718 = vector.extract_strided_slice %add3A_46 {offsets = [288, 2112], sizes = [144, 64], strides = [1, 1]} : vector<576x2304xf32> to vector<144x64xf32>
    %dot_general3A_719 = arith.constant dense<0.000000e+00> : vector<144x144xf32>
    %dot_general3A_720 = tpu.matmul %slice3A_716, %slice3A_717, %dot_general3A_719 {dimension_numbers = #tpu.dot_dimension_numbers<[1], [1], [0], [0], [0, 0, 1, 0], [], []>, transpose_lhs_hint = false} : vector<144x64xf32>, vector<144x64xf32>, vector<144x144xf32> -> vector<144x144xf32>
    %add3A_721 = vector.broadcast %select_n3A_56 : vector<1x144xf32> to vector<144x144xf32>
    %add3A_722 = arith.addf %dot_general3A_720, %add3A_721 : vector<144x144xf32>
    %reduce_max3A_723 = arith.constant dense<0xFF800000> : vector<144xf32>
    %reduce_max3A_724 = vector.multi_reduction <maximumf>, %add3A_722, %reduce_max3A_723 [1] : vector<144x144xf32> to vector<144xf32>
    %broadcast_in_dim3A_725 = vector.shape_cast %reduce_max3A_724 : vector<144xf32> to vector<144x1xf32>
    %sub3A_726 = vector.broadcast %broadcast_in_dim3A_725 : vector<144x1xf32> to vector<144x144xf32>
    %sub3A_727 = arith.subf %add3A_722, %sub3A_726 : vector<144x144xf32>
    %exp3A_728 = math.exp %sub3A_727 : vector<144x144xf32>
    %reduce_sum3A_729 = arith.constant dense<0.000000e+00> : vector<144xf32>
    %reduce_sum3A_730 = vector.multi_reduction <add>, %exp3A_728, %reduce_sum3A_729 [1] : vector<144x144xf32> to vector<144xf32>
    %broadcast_in_dim3A_731 = vector.shape_cast %reduce_sum3A_730 : vector<144xf32> to vector<144x1xf32>
    %div3A_732 = vector.broadcast %broadcast_in_dim3A_731 : vector<144x1xf32> to vector<144x144xf32>
    %div3A_733 = arith.divf %exp3A_728, %div3A_732 : vector<144x144xf32>
    %dot_general3A_734 = arith.constant dense<0.000000e+00> : vector<144x64xf32>
    %dot_general3A_735 = tpu.matmul %div3A_733, %slice3A_718, %dot_general3A_734 {dimension_numbers = #tpu.dot_dimension_numbers<[1], [0], [0], [1], [0, 0, 1, 1], [], []>, transpose_lhs_hint = false} : vector<144x144xf32>, vector<144x64xf32>, vector<144x64xf32> -> vector<144x64xf32>
    %slice3A_736 = vector.extract_strided_slice %mul3A_49 {offsets = [288, 640], sizes = [144, 64], strides = [1, 1]} : vector<576x768xf32> to vector<144x64xf32>
    %slice3A_737 = vector.extract_strided_slice %add3A_46 {offsets = [288, 1408], sizes = [144, 64], strides = [1, 1]} : vector<576x2304xf32> to vector<144x64xf32>
    %slice3A_738 = vector.extract_strided_slice %add3A_46 {offsets = [288, 2176], sizes = [144, 64], strides = [1, 1]} : vector<576x2304xf32> to vector<144x64xf32>
    %dot_general3A_739 = arith.constant dense<0.000000e+00> : vector<144x144xf32>
    %dot_general3A_740 = tpu.matmul %slice3A_736, %slice3A_737, %dot_general3A_739 {dimension_numbers = #tpu.dot_dimension_numbers<[1], [1], [0], [0], [0, 0, 1, 0], [], []>, transpose_lhs_hint = false} : vector<144x64xf32>, vector<144x64xf32>, vector<144x144xf32> -> vector<144x144xf32>
    %add3A_741 = vector.broadcast %select_n3A_56 : vector<1x144xf32> to vector<144x144xf32>
    %add3A_742 = arith.addf %dot_general3A_740, %add3A_741 : vector<144x144xf32>
    %reduce_max3A_743 = arith.constant dense<0xFF800000> : vector<144xf32>
    %reduce_max3A_744 = vector.multi_reduction <maximumf>, %add3A_742, %reduce_max3A_743 [1] : vector<144x144xf32> to vector<144xf32>
    %broadcast_in_dim3A_745 = vector.shape_cast %reduce_max3A_744 : vector<144xf32> to vector<144x1xf32>
    %sub3A_746 = vector.broadcast %broadcast_in_dim3A_745 : vector<144x1xf32> to vector<144x144xf32>
    %sub3A_747 = arith.subf %add3A_742, %sub3A_746 : vector<144x144xf32>
    %exp3A_748 = math.exp %sub3A_747 : vector<144x144xf32>
    %reduce_sum3A_749 = arith.constant dense<0.000000e+00> : vector<144xf32>
    %reduce_sum3A_750 = vector.multi_reduction <add>, %exp3A_748, %reduce_sum3A_749 [1] : vector<144x144xf32> to vector<144xf32>
    %broadcast_in_dim3A_751 = vector.shape_cast %reduce_sum3A_750 : vector<144xf32> to vector<144x1xf32>
    %div3A_752 = vector.broadcast %broadcast_in_dim3A_751 : vector<144x1xf32> to vector<144x144xf32>
    %div3A_753 = arith.divf %exp3A_748, %div3A_752 : vector<144x144xf32>
    %dot_general3A_754 = arith.constant dense<0.000000e+00> : vector<144x64xf32>
    %dot_general3A_755 = tpu.matmul %div3A_753, %slice3A_738, %dot_general3A_754 {dimension_numbers = #tpu.dot_dimension_numbers<[1], [0], [0], [1], [0, 0, 1, 1], [], []>, transpose_lhs_hint = false} : vector<144x144xf32>, vector<144x64xf32>, vector<144x64xf32> -> vector<144x64xf32>
    %slice3A_756 = vector.extract_strided_slice %mul3A_49 {offsets = [288, 704], sizes = [144, 64], strides = [1, 1]} : vector<576x768xf32> to vector<144x64xf32>
    %slice3A_757 = vector.extract_strided_slice %add3A_46 {offsets = [288, 1472], sizes = [144, 64], strides = [1, 1]} : vector<576x2304xf32> to vector<144x64xf32>
    %slice3A_758 = vector.extract_strided_slice %add3A_46 {offsets = [288, 2240], sizes = [144, 64], strides = [1, 1]} : vector<576x2304xf32> to vector<144x64xf32>
    %dot_general3A_759 = arith.constant dense<0.000000e+00> : vector<144x144xf32>
    %dot_general3A_760 = tpu.matmul %slice3A_756, %slice3A_757, %dot_general3A_759 {dimension_numbers = #tpu.dot_dimension_numbers<[1], [1], [0], [0], [0, 0, 1, 0], [], []>, transpose_lhs_hint = false} : vector<144x64xf32>, vector<144x64xf32>, vector<144x144xf32> -> vector<144x144xf32>
    %add3A_761 = vector.broadcast %select_n3A_56 : vector<1x144xf32> to vector<144x144xf32>
    %add3A_762 = arith.addf %dot_general3A_760, %add3A_761 : vector<144x144xf32>
    %reduce_max3A_763 = arith.constant dense<0xFF800000> : vector<144xf32>
    %reduce_max3A_764 = vector.multi_reduction <maximumf>, %add3A_762, %reduce_max3A_763 [1] : vector<144x144xf32> to vector<144xf32>
    %broadcast_in_dim3A_765 = vector.shape_cast %reduce_max3A_764 : vector<144xf32> to vector<144x1xf32>
    %sub3A_766 = vector.broadcast %broadcast_in_dim3A_765 : vector<144x1xf32> to vector<144x144xf32>
    %sub3A_767 = arith.subf %add3A_762, %sub3A_766 : vector<144x144xf32>
    %exp3A_768 = math.exp %sub3A_767 : vector<144x144xf32>
    %reduce_sum3A_769 = arith.constant dense<0.000000e+00> : vector<144xf32>
    %reduce_sum3A_770 = vector.multi_reduction <add>, %exp3A_768, %reduce_sum3A_769 [1] : vector<144x144xf32> to vector<144xf32>
    %broadcast_in_dim3A_771 = vector.shape_cast %reduce_sum3A_770 : vector<144xf32> to vector<144x1xf32>
    %div3A_772 = vector.broadcast %broadcast_in_dim3A_771 : vector<144x1xf32> to vector<144x144xf32>
    %div3A_773 = arith.divf %exp3A_768, %div3A_772 : vector<144x144xf32>
    %dot_general3A_774 = arith.constant dense<0.000000e+00> : vector<144x64xf32>
    %dot_general3A_775 = tpu.matmul %div3A_773, %slice3A_758, %dot_general3A_774 {dimension_numbers = #tpu.dot_dimension_numbers<[1], [0], [0], [1], [0, 0, 1, 1], [], []>, transpose_lhs_hint = false} : vector<144x144xf32>, vector<144x64xf32>, vector<144x64xf32> -> vector<144x64xf32>
    %concatenate3A_776 = tpu.concatenate %dot_general3A_555, %dot_general3A_575, %dot_general3A_595, %dot_general3A_615, %dot_general3A_635, %dot_general3A_655, %dot_general3A_675, %dot_general3A_695, %dot_general3A_715, %dot_general3A_735, %dot_general3A_755, %dot_general3A_775 in 1 : vector<144x64xf32>, vector<144x64xf32>, vector<144x64xf32>, vector<144x64xf32>, vector<144x64xf32>, vector<144x64xf32>, vector<144x64xf32>, vector<144x64xf32>, vector<144x64xf32>, vector<144x64xf32>, vector<144x64xf32>, vector<144x64xf32> -> vector<144x768xf32>
    %slice3A_777 = vector.extract_strided_slice %mul3A_49 {offsets = [432, 0], sizes = [144, 64], strides = [1, 1]} : vector<576x768xf32> to vector<144x64xf32>
    %slice3A_778 = vector.extract_strided_slice %add3A_46 {offsets = [432, 768], sizes = [144, 64], strides = [1, 1]} : vector<576x2304xf32> to vector<144x64xf32>
    %slice3A_779 = vector.extract_strided_slice %add3A_46 {offsets = [432, 1536], sizes = [144, 64], strides = [1, 1]} : vector<576x2304xf32> to vector<144x64xf32>
    %dot_general3A_780 = arith.constant dense<0.000000e+00> : vector<144x144xf32>
    %dot_general3A_781 = tpu.matmul %slice3A_777, %slice3A_778, %dot_general3A_780 {dimension_numbers = #tpu.dot_dimension_numbers<[1], [1], [0], [0], [0, 0, 1, 0], [], []>, transpose_lhs_hint = false} : vector<144x64xf32>, vector<144x64xf32>, vector<144x144xf32> -> vector<144x144xf32>
    %add3A_782 = vector.broadcast %select_n3A_56 : vector<1x144xf32> to vector<144x144xf32>
    %add3A_783 = arith.addf %dot_general3A_781, %add3A_782 : vector<144x144xf32>
    %reduce_max3A_784 = arith.constant dense<0xFF800000> : vector<144xf32>
    %reduce_max3A_785 = vector.multi_reduction <maximumf>, %add3A_783, %reduce_max3A_784 [1] : vector<144x144xf32> to vector<144xf32>
    %broadcast_in_dim3A_786 = vector.shape_cast %reduce_max3A_785 : vector<144xf32> to vector<144x1xf32>
    %sub3A_787 = vector.broadcast %broadcast_in_dim3A_786 : vector<144x1xf32> to vector<144x144xf32>
    %sub3A_788 = arith.subf %add3A_783, %sub3A_787 : vector<144x144xf32>
    %exp3A_789 = math.exp %sub3A_788 : vector<144x144xf32>
    %reduce_sum3A_790 = arith.constant dense<0.000000e+00> : vector<144xf32>
    %reduce_sum3A_791 = vector.multi_reduction <add>, %exp3A_789, %reduce_sum3A_790 [1] : vector<144x144xf32> to vector<144xf32>
    %broadcast_in_dim3A_792 = vector.shape_cast %reduce_sum3A_791 : vector<144xf32> to vector<144x1xf32>
    %div3A_793 = vector.broadcast %broadcast_in_dim3A_792 : vector<144x1xf32> to vector<144x144xf32>
    %div3A_794 = arith.divf %exp3A_789, %div3A_793 : vector<144x144xf32>
    %dot_general3A_795 = arith.constant dense<0.000000e+00> : vector<144x64xf32>
    %dot_general3A_796 = tpu.matmul %div3A_794, %slice3A_779, %dot_general3A_795 {dimension_numbers = #tpu.dot_dimension_numbers<[1], [0], [0], [1], [0, 0, 1, 1], [], []>, transpose_lhs_hint = false} : vector<144x144xf32>, vector<144x64xf32>, vector<144x64xf32> -> vector<144x64xf32>
    %slice3A_797 = vector.extract_strided_slice %mul3A_49 {offsets = [432, 64], sizes = [144, 64], strides = [1, 1]} : vector<576x768xf32> to vector<144x64xf32>
    %slice3A_798 = vector.extract_strided_slice %add3A_46 {offsets = [432, 832], sizes = [144, 64], strides = [1, 1]} : vector<576x2304xf32> to vector<144x64xf32>
    %slice3A_799 = vector.extract_strided_slice %add3A_46 {offsets = [432, 1600], sizes = [144, 64], strides = [1, 1]} : vector<576x2304xf32> to vector<144x64xf32>
    %dot_general3A_800 = arith.constant dense<0.000000e+00> : vector<144x144xf32>
    %dot_general3A_801 = tpu.matmul %slice3A_797, %slice3A_798, %dot_general3A_800 {dimension_numbers = #tpu.dot_dimension_numbers<[1], [1], [0], [0], [0, 0, 1, 0], [], []>, transpose_lhs_hint = false} : vector<144x64xf32>, vector<144x64xf32>, vector<144x144xf32> -> vector<144x144xf32>
    %add3A_802 = vector.broadcast %select_n3A_56 : vector<1x144xf32> to vector<144x144xf32>
    %add3A_803 = arith.addf %dot_general3A_801, %add3A_802 : vector<144x144xf32>
    %reduce_max3A_804 = arith.constant dense<0xFF800000> : vector<144xf32>
    %reduce_max3A_805 = vector.multi_reduction <maximumf>, %add3A_803, %reduce_max3A_804 [1] : vector<144x144xf32> to vector<144xf32>
    %broadcast_in_dim3A_806 = vector.shape_cast %reduce_max3A_805 : vector<144xf32> to vector<144x1xf32>
    %sub3A_807 = vector.broadcast %broadcast_in_dim3A_806 : vector<144x1xf32> to vector<144x144xf32>
    %sub3A_808 = arith.subf %add3A_803, %sub3A_807 : vector<144x144xf32>
    %exp3A_809 = math.exp %sub3A_808 : vector<144x144xf32>
    %reduce_sum3A_810 = arith.constant dense<0.000000e+00> : vector<144xf32>
    %reduce_sum3A_811 = vector.multi_reduction <add>, %exp3A_809, %reduce_sum3A_810 [1] : vector<144x144xf32> to vector<144xf32>
    %broadcast_in_dim3A_812 = vector.shape_cast %reduce_sum3A_811 : vector<144xf32> to vector<144x1xf32>
    %div3A_813 = vector.broadcast %broadcast_in_dim3A_812 : vector<144x1xf32> to vector<144x144xf32>
    %div3A_814 = arith.divf %exp3A_809, %div3A_813 : vector<144x144xf32>
    %dot_general3A_815 = arith.constant dense<0.000000e+00> : vector<144x64xf32>
    %dot_general3A_816 = tpu.matmul %div3A_814, %slice3A_799, %dot_general3A_815 {dimension_numbers = #tpu.dot_dimension_numbers<[1], [0], [0], [1], [0, 0, 1, 1], [], []>, transpose_lhs_hint = false} : vector<144x144xf32>, vector<144x64xf32>, vector<144x64xf32> -> vector<144x64xf32>
    %slice3A_817 = vector.extract_strided_slice %mul3A_49 {offsets = [432, 128], sizes = [144, 64], strides = [1, 1]} : vector<576x768xf32> to vector<144x64xf32>
    %slice3A_818 = vector.extract_strided_slice %add3A_46 {offsets = [432, 896], sizes = [144, 64], strides = [1, 1]} : vector<576x2304xf32> to vector<144x64xf32>
    %slice3A_819 = vector.extract_strided_slice %add3A_46 {offsets = [432, 1664], sizes = [144, 64], strides = [1, 1]} : vector<576x2304xf32> to vector<144x64xf32>
    %dot_general3A_820 = arith.constant dense<0.000000e+00> : vector<144x144xf32>
    %dot_general3A_821 = tpu.matmul %slice3A_817, %slice3A_818, %dot_general3A_820 {dimension_numbers = #tpu.dot_dimension_numbers<[1], [1], [0], [0], [0, 0, 1, 0], [], []>, transpose_lhs_hint = false} : vector<144x64xf32>, vector<144x64xf32>, vector<144x144xf32> -> vector<144x144xf32>
    %add3A_822 = vector.broadcast %select_n3A_56 : vector<1x144xf32> to vector<144x144xf32>
    %add3A_823 = arith.addf %dot_general3A_821, %add3A_822 : vector<144x144xf32>
    %reduce_max3A_824 = arith.constant dense<0xFF800000> : vector<144xf32>
    %reduce_max3A_825 = vector.multi_reduction <maximumf>, %add3A_823, %reduce_max3A_824 [1] : vector<144x144xf32> to vector<144xf32>
    %broadcast_in_dim3A_826 = vector.shape_cast %reduce_max3A_825 : vector<144xf32> to vector<144x1xf32>
    %sub3A_827 = vector.broadcast %broadcast_in_dim3A_826 : vector<144x1xf32> to vector<144x144xf32>
    %sub3A_828 = arith.subf %add3A_823, %sub3A_827 : vector<144x144xf32>
    %exp3A_829 = math.exp %sub3A_828 : vector<144x144xf32>
    %reduce_sum3A_830 = arith.constant dense<0.000000e+00> : vector<144xf32>
    %reduce_sum3A_831 = vector.multi_reduction <add>, %exp3A_829, %reduce_sum3A_830 [1] : vector<144x144xf32> to vector<144xf32>
    %broadcast_in_dim3A_832 = vector.shape_cast %reduce_sum3A_831 : vector<144xf32> to vector<144x1xf32>
    %div3A_833 = vector.broadcast %broadcast_in_dim3A_832 : vector<144x1xf32> to vector<144x144xf32>
    %div3A_834 = arith.divf %exp3A_829, %div3A_833 : vector<144x144xf32>
    %dot_general3A_835 = arith.constant dense<0.000000e+00> : vector<144x64xf32>
    %dot_general3A_836 = tpu.matmul %div3A_834, %slice3A_819, %dot_general3A_835 {dimension_numbers = #tpu.dot_dimension_numbers<[1], [0], [0], [1], [0, 0, 1, 1], [], []>, transpose_lhs_hint = false} : vector<144x144xf32>, vector<144x64xf32>, vector<144x64xf32> -> vector<144x64xf32>
    %slice3A_837 = vector.extract_strided_slice %mul3A_49 {offsets = [432, 192], sizes = [144, 64], strides = [1, 1]} : vector<576x768xf32> to vector<144x64xf32>
    %slice3A_838 = vector.extract_strided_slice %add3A_46 {offsets = [432, 960], sizes = [144, 64], strides = [1, 1]} : vector<576x2304xf32> to vector<144x64xf32>
    %slice3A_839 = vector.extract_strided_slice %add3A_46 {offsets = [432, 1728], sizes = [144, 64], strides = [1, 1]} : vector<576x2304xf32> to vector<144x64xf32>
    %dot_general3A_840 = arith.constant dense<0.000000e+00> : vector<144x144xf32>
    %dot_general3A_841 = tpu.matmul %slice3A_837, %slice3A_838, %dot_general3A_840 {dimension_numbers = #tpu.dot_dimension_numbers<[1], [1], [0], [0], [0, 0, 1, 0], [], []>, transpose_lhs_hint = false} : vector<144x64xf32>, vector<144x64xf32>, vector<144x144xf32> -> vector<144x144xf32>
    %add3A_842 = vector.broadcast %select_n3A_56 : vector<1x144xf32> to vector<144x144xf32>
    %add3A_843 = arith.addf %dot_general3A_841, %add3A_842 : vector<144x144xf32>
    %reduce_max3A_844 = arith.constant dense<0xFF800000> : vector<144xf32>
    %reduce_max3A_845 = vector.multi_reduction <maximumf>, %add3A_843, %reduce_max3A_844 [1] : vector<144x144xf32> to vector<144xf32>
    %broadcast_in_dim3A_846 = vector.shape_cast %reduce_max3A_845 : vector<144xf32> to vector<144x1xf32>
    %sub3A_847 = vector.broadcast %broadcast_in_dim3A_846 : vector<144x1xf32> to vector<144x144xf32>
    %sub3A_848 = arith.subf %add3A_843, %sub3A_847 : vector<144x144xf32>
    %exp3A_849 = math.exp %sub3A_848 : vector<144x144xf32>
    %reduce_sum3A_850 = arith.constant dense<0.000000e+00> : vector<144xf32>
    %reduce_sum3A_851 = vector.multi_reduction <add>, %exp3A_849, %reduce_sum3A_850 [1] : vector<144x144xf32> to vector<144xf32>
    %broadcast_in_dim3A_852 = vector.shape_cast %reduce_sum3A_851 : vector<144xf32> to vector<144x1xf32>
    %div3A_853 = vector.broadcast %broadcast_in_dim3A_852 : vector<144x1xf32> to vector<144x144xf32>
    %div3A_854 = arith.divf %exp3A_849, %div3A_853 : vector<144x144xf32>
    %dot_general3A_855 = arith.constant dense<0.000000e+00> : vector<144x64xf32>
    %dot_general3A_856 = tpu.matmul %div3A_854, %slice3A_839, %dot_general3A_855 {dimension_numbers = #tpu.dot_dimension_numbers<[1], [0], [0], [1], [0, 0, 1, 1], [], []>, transpose_lhs_hint = false} : vector<144x144xf32>, vector<144x64xf32>, vector<144x64xf32> -> vector<144x64xf32>
    %slice3A_857 = vector.extract_strided_slice %mul3A_49 {offsets = [432, 256], sizes = [144, 64], strides = [1, 1]} : vector<576x768xf32> to vector<144x64xf32>
    %slice3A_858 = vector.extract_strided_slice %add3A_46 {offsets = [432, 1024], sizes = [144, 64], strides = [1, 1]} : vector<576x2304xf32> to vector<144x64xf32>
    %slice3A_859 = vector.extract_strided_slice %add3A_46 {offsets = [432, 1792], sizes = [144, 64], strides = [1, 1]} : vector<576x2304xf32> to vector<144x64xf32>
    %dot_general3A_860 = arith.constant dense<0.000000e+00> : vector<144x144xf32>
    %dot_general3A_861 = tpu.matmul %slice3A_857, %slice3A_858, %dot_general3A_860 {dimension_numbers = #tpu.dot_dimension_numbers<[1], [1], [0], [0], [0, 0, 1, 0], [], []>, transpose_lhs_hint = false} : vector<144x64xf32>, vector<144x64xf32>, vector<144x144xf32> -> vector<144x144xf32>
    %add3A_862 = vector.broadcast %select_n3A_56 : vector<1x144xf32> to vector<144x144xf32>
    %add3A_863 = arith.addf %dot_general3A_861, %add3A_862 : vector<144x144xf32>
    %reduce_max3A_864 = arith.constant dense<0xFF800000> : vector<144xf32>
    %reduce_max3A_865 = vector.multi_reduction <maximumf>, %add3A_863, %reduce_max3A_864 [1] : vector<144x144xf32> to vector<144xf32>
    %broadcast_in_dim3A_866 = vector.shape_cast %reduce_max3A_865 : vector<144xf32> to vector<144x1xf32>
    %sub3A_867 = vector.broadcast %broadcast_in_dim3A_866 : vector<144x1xf32> to vector<144x144xf32>
    %sub3A_868 = arith.subf %add3A_863, %sub3A_867 : vector<144x144xf32>
    %exp3A_869 = math.exp %sub3A_868 : vector<144x144xf32>
    %reduce_sum3A_870 = arith.constant dense<0.000000e+00> : vector<144xf32>
    %reduce_sum3A_871 = vector.multi_reduction <add>, %exp3A_869, %reduce_sum3A_870 [1] : vector<144x144xf32> to vector<144xf32>
    %broadcast_in_dim3A_872 = vector.shape_cast %reduce_sum3A_871 : vector<144xf32> to vector<144x1xf32>
    %div3A_873 = vector.broadcast %broadcast_in_dim3A_872 : vector<144x1xf32> to vector<144x144xf32>
    %div3A_874 = arith.divf %exp3A_869, %div3A_873 : vector<144x144xf32>
    %dot_general3A_875 = arith.constant dense<0.000000e+00> : vector<144x64xf32>
    %dot_general3A_876 = tpu.matmul %div3A_874, %slice3A_859, %dot_general3A_875 {dimension_numbers = #tpu.dot_dimension_numbers<[1], [0], [0], [1], [0, 0, 1, 1], [], []>, transpose_lhs_hint = false} : vector<144x144xf32>, vector<144x64xf32>, vector<144x64xf32> -> vector<144x64xf32>
    %slice3A_877 = vector.extract_strided_slice %mul3A_49 {offsets = [432, 320], sizes = [144, 64], strides = [1, 1]} : vector<576x768xf32> to vector<144x64xf32>
    %slice3A_878 = vector.extract_strided_slice %add3A_46 {offsets = [432, 1088], sizes = [144, 64], strides = [1, 1]} : vector<576x2304xf32> to vector<144x64xf32>
    %slice3A_879 = vector.extract_strided_slice %add3A_46 {offsets = [432, 1856], sizes = [144, 64], strides = [1, 1]} : vector<576x2304xf32> to vector<144x64xf32>
    %dot_general3A_880 = arith.constant dense<0.000000e+00> : vector<144x144xf32>
    %dot_general3A_881 = tpu.matmul %slice3A_877, %slice3A_878, %dot_general3A_880 {dimension_numbers = #tpu.dot_dimension_numbers<[1], [1], [0], [0], [0, 0, 1, 0], [], []>, transpose_lhs_hint = false} : vector<144x64xf32>, vector<144x64xf32>, vector<144x144xf32> -> vector<144x144xf32>
    %add3A_882 = vector.broadcast %select_n3A_56 : vector<1x144xf32> to vector<144x144xf32>
    %add3A_883 = arith.addf %dot_general3A_881, %add3A_882 : vector<144x144xf32>
    %reduce_max3A_884 = arith.constant dense<0xFF800000> : vector<144xf32>
    %reduce_max3A_885 = vector.multi_reduction <maximumf>, %add3A_883, %reduce_max3A_884 [1] : vector<144x144xf32> to vector<144xf32>
    %broadcast_in_dim3A_886 = vector.shape_cast %reduce_max3A_885 : vector<144xf32> to vector<144x1xf32>
    %sub3A_887 = vector.broadcast %broadcast_in_dim3A_886 : vector<144x1xf32> to vector<144x144xf32>
    %sub3A_888 = arith.subf %add3A_883, %sub3A_887 : vector<144x144xf32>
    %exp3A_889 = math.exp %sub3A_888 : vector<144x144xf32>
    %reduce_sum3A_890 = arith.constant dense<0.000000e+00> : vector<144xf32>
    %reduce_sum3A_891 = vector.multi_reduction <add>, %exp3A_889, %reduce_sum3A_890 [1] : vector<144x144xf32> to vector<144xf32>
    %broadcast_in_dim3A_892 = vector.shape_cast %reduce_sum3A_891 : vector<144xf32> to vector<144x1xf32>
    %div3A_893 = vector.broadcast %broadcast_in_dim3A_892 : vector<144x1xf32> to vector<144x144xf32>
    %div3A_894 = arith.divf %exp3A_889, %div3A_893 : vector<144x144xf32>
    %dot_general3A_895 = arith.constant dense<0.000000e+00> : vector<144x64xf32>
    %dot_general3A_896 = tpu.matmul %div3A_894, %slice3A_879, %dot_general3A_895 {dimension_numbers = #tpu.dot_dimension_numbers<[1], [0], [0], [1], [0, 0, 1, 1], [], []>, transpose_lhs_hint = false} : vector<144x144xf32>, vector<144x64xf32>, vector<144x64xf32> -> vector<144x64xf32>
    %slice3A_897 = vector.extract_strided_slice %mul3A_49 {offsets = [432, 384], sizes = [144, 64], strides = [1, 1]} : vector<576x768xf32> to vector<144x64xf32>
    %slice3A_898 = vector.extract_strided_slice %add3A_46 {offsets = [432, 1152], sizes = [144, 64], strides = [1, 1]} : vector<576x2304xf32> to vector<144x64xf32>
    %slice3A_899 = vector.extract_strided_slice %add3A_46 {offsets = [432, 1920], sizes = [144, 64], strides = [1, 1]} : vector<576x2304xf32> to vector<144x64xf32>
    %dot_general3A_900 = arith.constant dense<0.000000e+00> : vector<144x144xf32>
    %dot_general3A_901 = tpu.matmul %slice3A_897, %slice3A_898, %dot_general3A_900 {dimension_numbers = #tpu.dot_dimension_numbers<[1], [1], [0], [0], [0, 0, 1, 0], [], []>, transpose_lhs_hint = false} : vector<144x64xf32>, vector<144x64xf32>, vector<144x144xf32> -> vector<144x144xf32>
    %add3A_902 = vector.broadcast %select_n3A_56 : vector<1x144xf32> to vector<144x144xf32>
    %add3A_903 = arith.addf %dot_general3A_901, %add3A_902 : vector<144x144xf32>
    %reduce_max3A_904 = arith.constant dense<0xFF800000> : vector<144xf32>
    %reduce_max3A_905 = vector.multi_reduction <maximumf>, %add3A_903, %reduce_max3A_904 [1] : vector<144x144xf32> to vector<144xf32>
    %broadcast_in_dim3A_906 = vector.shape_cast %reduce_max3A_905 : vector<144xf32> to vector<144x1xf32>
    %sub3A_907 = vector.broadcast %broadcast_in_dim3A_906 : vector<144x1xf32> to vector<144x144xf32>
    %sub3A_908 = arith.subf %add3A_903, %sub3A_907 : vector<144x144xf32>
    %exp3A_909 = math.exp %sub3A_908 : vector<144x144xf32>
    %reduce_sum3A_910 = arith.constant dense<0.000000e+00> : vector<144xf32>
    %reduce_sum3A_911 = vector.multi_reduction <add>, %exp3A_909, %reduce_sum3A_910 [1] : vector<144x144xf32> to vector<144xf32>
    %broadcast_in_dim3A_912 = vector.shape_cast %reduce_sum3A_911 : vector<144xf32> to vector<144x1xf32>
    %div3A_913 = vector.broadcast %broadcast_in_dim3A_912 : vector<144x1xf32> to vector<144x144xf32>
    %div3A_914 = arith.divf %exp3A_909, %div3A_913 : vector<144x144xf32>
    %dot_general3A_915 = arith.constant dense<0.000000e+00> : vector<144x64xf32>
    %dot_general3A_916 = tpu.matmul %div3A_914, %slice3A_899, %dot_general3A_915 {dimension_numbers = #tpu.dot_dimension_numbers<[1], [0], [0], [1], [0, 0, 1, 1], [], []>, transpose_lhs_hint = false} : vector<144x144xf32>, vector<144x64xf32>, vector<144x64xf32> -> vector<144x64xf32>
    %slice3A_917 = vector.extract_strided_slice %mul3A_49 {offsets = [432, 448], sizes = [144, 64], strides = [1, 1]} : vector<576x768xf32> to vector<144x64xf32>
    %slice3A_918 = vector.extract_strided_slice %add3A_46 {offsets = [432, 1216], sizes = [144, 64], strides = [1, 1]} : vector<576x2304xf32> to vector<144x64xf32>
    %slice3A_919 = vector.extract_strided_slice %add3A_46 {offsets = [432, 1984], sizes = [144, 64], strides = [1, 1]} : vector<576x2304xf32> to vector<144x64xf32>
    %dot_general3A_920 = arith.constant dense<0.000000e+00> : vector<144x144xf32>
    %dot_general3A_921 = tpu.matmul %slice3A_917, %slice3A_918, %dot_general3A_920 {dimension_numbers = #tpu.dot_dimension_numbers<[1], [1], [0], [0], [0, 0, 1, 0], [], []>, transpose_lhs_hint = false} : vector<144x64xf32>, vector<144x64xf32>, vector<144x144xf32> -> vector<144x144xf32>
    %add3A_922 = vector.broadcast %select_n3A_56 : vector<1x144xf32> to vector<144x144xf32>
    %add3A_923 = arith.addf %dot_general3A_921, %add3A_922 : vector<144x144xf32>
    %reduce_max3A_924 = arith.constant dense<0xFF800000> : vector<144xf32>
    %reduce_max3A_925 = vector.multi_reduction <maximumf>, %add3A_923, %reduce_max3A_924 [1] : vector<144x144xf32> to vector<144xf32>
    %broadcast_in_dim3A_926 = vector.shape_cast %reduce_max3A_925 : vector<144xf32> to vector<144x1xf32>
    %sub3A_927 = vector.broadcast %broadcast_in_dim3A_926 : vector<144x1xf32> to vector<144x144xf32>
    %sub3A_928 = arith.subf %add3A_923, %sub3A_927 : vector<144x144xf32>
    %exp3A_929 = math.exp %sub3A_928 : vector<144x144xf32>
    %reduce_sum3A_930 = arith.constant dense<0.000000e+00> : vector<144xf32>
    %reduce_sum3A_931 = vector.multi_reduction <add>, %exp3A_929, %reduce_sum3A_930 [1] : vector<144x144xf32> to vector<144xf32>
    %broadcast_in_dim3A_932 = vector.shape_cast %reduce_sum3A_931 : vector<144xf32> to vector<144x1xf32>
    %div3A_933 = vector.broadcast %broadcast_in_dim3A_932 : vector<144x1xf32> to vector<144x144xf32>
    %div3A_934 = arith.divf %exp3A_929, %div3A_933 : vector<144x144xf32>
    %dot_general3A_935 = arith.constant dense<0.000000e+00> : vector<144x64xf32>
    %dot_general3A_936 = tpu.matmul %div3A_934, %slice3A_919, %dot_general3A_935 {dimension_numbers = #tpu.dot_dimension_numbers<[1], [0], [0], [1], [0, 0, 1, 1], [], []>, transpose_lhs_hint = false} : vector<144x144xf32>, vector<144x64xf32>, vector<144x64xf32> -> vector<144x64xf32>
    %slice3A_937 = vector.extract_strided_slice %mul3A_49 {offsets = [432, 512], sizes = [144, 64], strides = [1, 1]} : vector<576x768xf32> to vector<144x64xf32>
    %slice3A_938 = vector.extract_strided_slice %add3A_46 {offsets = [432, 1280], sizes = [144, 64], strides = [1, 1]} : vector<576x2304xf32> to vector<144x64xf32>
    %slice3A_939 = vector.extract_strided_slice %add3A_46 {offsets = [432, 2048], sizes = [144, 64], strides = [1, 1]} : vector<576x2304xf32> to vector<144x64xf32>
    %dot_general3A_940 = arith.constant dense<0.000000e+00> : vector<144x144xf32>
    %dot_general3A_941 = tpu.matmul %slice3A_937, %slice3A_938, %dot_general3A_940 {dimension_numbers = #tpu.dot_dimension_numbers<[1], [1], [0], [0], [0, 0, 1, 0], [], []>, transpose_lhs_hint = false} : vector<144x64xf32>, vector<144x64xf32>, vector<144x144xf32> -> vector<144x144xf32>
    %add3A_942 = vector.broadcast %select_n3A_56 : vector<1x144xf32> to vector<144x144xf32>
    %add3A_943 = arith.addf %dot_general3A_941, %add3A_942 : vector<144x144xf32>
    %reduce_max3A_944 = arith.constant dense<0xFF800000> : vector<144xf32>
    %reduce_max3A_945 = vector.multi_reduction <maximumf>, %add3A_943, %reduce_max3A_944 [1] : vector<144x144xf32> to vector<144xf32>
    %broadcast_in_dim3A_946 = vector.shape_cast %reduce_max3A_945 : vector<144xf32> to vector<144x1xf32>
    %sub3A_947 = vector.broadcast %broadcast_in_dim3A_946 : vector<144x1xf32> to vector<144x144xf32>
    %sub3A_948 = arith.subf %add3A_943, %sub3A_947 : vector<144x144xf32>
    %exp3A_949 = math.exp %sub3A_948 : vector<144x144xf32>
    %reduce_sum3A_950 = arith.constant dense<0.000000e+00> : vector<144xf32>
    %reduce_sum3A_951 = vector.multi_reduction <add>, %exp3A_949, %reduce_sum3A_950 [1] : vector<144x144xf32> to vector<144xf32>
    %broadcast_in_dim3A_952 = vector.shape_cast %reduce_sum3A_951 : vector<144xf32> to vector<144x1xf32>
    %div3A_953 = vector.broadcast %broadcast_in_dim3A_952 : vector<144x1xf32> to vector<144x144xf32>
    %div3A_954 = arith.divf %exp3A_949, %div3A_953 : vector<144x144xf32>
    %dot_general3A_955 = arith.constant dense<0.000000e+00> : vector<144x64xf32>
    %dot_general3A_956 = tpu.matmul %div3A_954, %slice3A_939, %dot_general3A_955 {dimension_numbers = #tpu.dot_dimension_numbers<[1], [0], [0], [1], [0, 0, 1, 1], [], []>, transpose_lhs_hint = false} : vector<144x144xf32>, vector<144x64xf32>, vector<144x64xf32> -> vector<144x64xf32>
    %slice3A_957 = vector.extract_strided_slice %mul3A_49 {offsets = [432, 576], sizes = [144, 64], strides = [1, 1]} : vector<576x768xf32> to vector<144x64xf32>
    %slice3A_958 = vector.extract_strided_slice %add3A_46 {offsets = [432, 1344], sizes = [144, 64], strides = [1, 1]} : vector<576x2304xf32> to vector<144x64xf32>
    %slice3A_959 = vector.extract_strided_slice %add3A_46 {offsets = [432, 2112], sizes = [144, 64], strides = [1, 1]} : vector<576x2304xf32> to vector<144x64xf32>
    %dot_general3A_960 = arith.constant dense<0.000000e+00> : vector<144x144xf32>
    %dot_general3A_961 = tpu.matmul %slice3A_957, %slice3A_958, %dot_general3A_960 {dimension_numbers = #tpu.dot_dimension_numbers<[1], [1], [0], [0], [0, 0, 1, 0], [], []>, transpose_lhs_hint = false} : vector<144x64xf32>, vector<144x64xf32>, vector<144x144xf32> -> vector<144x144xf32>
    %add3A_962 = vector.broadcast %select_n3A_56 : vector<1x144xf32> to vector<144x144xf32>
    %add3A_963 = arith.addf %dot_general3A_961, %add3A_962 : vector<144x144xf32>
    %reduce_max3A_964 = arith.constant dense<0xFF800000> : vector<144xf32>
    %reduce_max3A_965 = vector.multi_reduction <maximumf>, %add3A_963, %reduce_max3A_964 [1] : vector<144x144xf32> to vector<144xf32>
    %broadcast_in_dim3A_966 = vector.shape_cast %reduce_max3A_965 : vector<144xf32> to vector<144x1xf32>
    %sub3A_967 = vector.broadcast %broadcast_in_dim3A_966 : vector<144x1xf32> to vector<144x144xf32>
    %sub3A_968 = arith.subf %add3A_963, %sub3A_967 : vector<144x144xf32>
    %exp3A_969 = math.exp %sub3A_968 : vector<144x144xf32>
    %reduce_sum3A_970 = arith.constant dense<0.000000e+00> : vector<144xf32>
    %reduce_sum3A_971 = vector.multi_reduction <add>, %exp3A_969, %reduce_sum3A_970 [1] : vector<144x144xf32> to vector<144xf32>
    %broadcast_in_dim3A_972 = vector.shape_cast %reduce_sum3A_971 : vector<144xf32> to vector<144x1xf32>
    %div3A_973 = vector.broadcast %broadcast_in_dim3A_972 : vector<144x1xf32> to vector<144x144xf32>
    %div3A_974 = arith.divf %exp3A_969, %div3A_973 : vector<144x144xf32>
    %dot_general3A_975 = arith.constant dense<0.000000e+00> : vector<144x64xf32>
    %dot_general3A_976 = tpu.matmul %div3A_974, %slice3A_959, %dot_general3A_975 {dimension_numbers = #tpu.dot_dimension_numbers<[1], [0], [0], [1], [0, 0, 1, 1], [], []>, transpose_lhs_hint = false} : vector<144x144xf32>, vector<144x64xf32>, vector<144x64xf32> -> vector<144x64xf32>
    %slice3A_977 = vector.extract_strided_slice %mul3A_49 {offsets = [432, 640], sizes = [144, 64], strides = [1, 1]} : vector<576x768xf32> to vector<144x64xf32>
    %slice3A_978 = vector.extract_strided_slice %add3A_46 {offsets = [432, 1408], sizes = [144, 64], strides = [1, 1]} : vector<576x2304xf32> to vector<144x64xf32>
    %slice3A_979 = vector.extract_strided_slice %add3A_46 {offsets = [432, 2176], sizes = [144, 64], strides = [1, 1]} : vector<576x2304xf32> to vector<144x64xf32>
    %dot_general3A_980 = arith.constant dense<0.000000e+00> : vector<144x144xf32>
    %dot_general3A_981 = tpu.matmul %slice3A_977, %slice3A_978, %dot_general3A_980 {dimension_numbers = #tpu.dot_dimension_numbers<[1], [1], [0], [0], [0, 0, 1, 0], [], []>, transpose_lhs_hint = false} : vector<144x64xf32>, vector<144x64xf32>, vector<144x144xf32> -> vector<144x144xf32>
    %add3A_982 = vector.broadcast %select_n3A_56 : vector<1x144xf32> to vector<144x144xf32>
    %add3A_983 = arith.addf %dot_general3A_981, %add3A_982 : vector<144x144xf32>
    %reduce_max3A_984 = arith.constant dense<0xFF800000> : vector<144xf32>
    %reduce_max3A_985 = vector.multi_reduction <maximumf>, %add3A_983, %reduce_max3A_984 [1] : vector<144x144xf32> to vector<144xf32>
    %broadcast_in_dim3A_986 = vector.shape_cast %reduce_max3A_985 : vector<144xf32> to vector<144x1xf32>
    %sub3A_987 = vector.broadcast %broadcast_in_dim3A_986 : vector<144x1xf32> to vector<144x144xf32>
    %sub3A_988 = arith.subf %add3A_983, %sub3A_987 : vector<144x144xf32>
    %exp3A_989 = math.exp %sub3A_988 : vector<144x144xf32>
    %reduce_sum3A_990 = arith.constant dense<0.000000e+00> : vector<144xf32>
    %reduce_sum3A_991 = vector.multi_reduction <add>, %exp3A_989, %reduce_sum3A_990 [1] : vector<144x144xf32> to vector<144xf32>
    %broadcast_in_dim3A_992 = vector.shape_cast %reduce_sum3A_991 : vector<144xf32> to vector<144x1xf32>
    %div3A_993 = vector.broadcast %broadcast_in_dim3A_992 : vector<144x1xf32> to vector<144x144xf32>
    %div3A_994 = arith.divf %exp3A_989, %div3A_993 : vector<144x144xf32>
    %dot_general3A_995 = arith.constant dense<0.000000e+00> : vector<144x64xf32>
    %dot_general3A_996 = tpu.matmul %div3A_994, %slice3A_979, %dot_general3A_995 {dimension_numbers = #tpu.dot_dimension_numbers<[1], [0], [0], [1], [0, 0, 1, 1], [], []>, transpose_lhs_hint = false} : vector<144x144xf32>, vector<144x64xf32>, vector<144x64xf32> -> vector<144x64xf32>
    %slice3A_997 = vector.extract_strided_slice %mul3A_49 {offsets = [432, 704], sizes = [144, 64], strides = [1, 1]} : vector<576x768xf32> to vector<144x64xf32>
    %slice3A_998 = vector.extract_strided_slice %add3A_46 {offsets = [432, 1472], sizes = [144, 64], strides = [1, 1]} : vector<576x2304xf32> to vector<144x64xf32>
    %slice3A_999 = vector.extract_strided_slice %add3A_46 {offsets = [432, 2240], sizes = [144, 64], strides = [1, 1]} : vector<576x2304xf32> to vector<144x64xf32>
    %dot_general3A_1000 = arith.constant dense<0.000000e+00> : vector<144x144xf32>
    %dot_general3A_1001 = tpu.matmul %slice3A_997, %slice3A_998, %dot_general3A_1000 {dimension_numbers = #tpu.dot_dimension_numbers<[1], [1], [0], [0], [0, 0, 1, 0], [], []>, transpose_lhs_hint = false} : vector<144x64xf32>, vector<144x64xf32>, vector<144x144xf32> -> vector<144x144xf32>
    %add3A_1002 = vector.broadcast %select_n3A_56 : vector<1x144xf32> to vector<144x144xf32>
    %add3A_1003 = arith.addf %dot_general3A_1001, %add3A_1002 : vector<144x144xf32>
    %reduce_max3A_1004 = arith.constant dense<0xFF800000> : vector<144xf32>
    %reduce_max3A_1005 = vector.multi_reduction <maximumf>, %add3A_1003, %reduce_max3A_1004 [1] : vector<144x144xf32> to vector<144xf32>
    %broadcast_in_dim3A_1006 = vector.shape_cast %reduce_max3A_1005 : vector<144xf32> to vector<144x1xf32>
    %sub3A_1007 = vector.broadcast %broadcast_in_dim3A_1006 : vector<144x1xf32> to vector<144x144xf32>
    %sub3A_1008 = arith.subf %add3A_1003, %sub3A_1007 : vector<144x144xf32>
    %exp3A_1009 = math.exp %sub3A_1008 : vector<144x144xf32>
    %reduce_sum3A_1010 = arith.constant dense<0.000000e+00> : vector<144xf32>
    %reduce_sum3A_1011 = vector.multi_reduction <add>, %exp3A_1009, %reduce_sum3A_1010 [1] : vector<144x144xf32> to vector<144xf32>
    %broadcast_in_dim3A_1012 = vector.shape_cast %reduce_sum3A_1011 : vector<144xf32> to vector<144x1xf32>
    %div3A_1013 = vector.broadcast %broadcast_in_dim3A_1012 : vector<144x1xf32> to vector<144x144xf32>
    %div3A_1014 = arith.divf %exp3A_1009, %div3A_1013 : vector<144x144xf32>
    %dot_general3A_1015 = arith.constant dense<0.000000e+00> : vector<144x64xf32>
    %dot_general3A_1016 = tpu.matmul %div3A_1014, %slice3A_999, %dot_general3A_1015 {dimension_numbers = #tpu.dot_dimension_numbers<[1], [0], [0], [1], [0, 0, 1, 1], [], []>, transpose_lhs_hint = false} : vector<144x144xf32>, vector<144x64xf32>, vector<144x64xf32> -> vector<144x64xf32>
    %concatenate3A_1017 = tpu.concatenate %dot_general3A_796, %dot_general3A_816, %dot_general3A_836, %dot_general3A_856, %dot_general3A_876, %dot_general3A_896, %dot_general3A_916, %dot_general3A_936, %dot_general3A_956, %dot_general3A_976, %dot_general3A_996, %dot_general3A_1016 in 1 : vector<144x64xf32>, vector<144x64xf32>, vector<144x64xf32>, vector<144x64xf32>, vector<144x64xf32>, vector<144x64xf32>, vector<144x64xf32>, vector<144x64xf32>, vector<144x64xf32>, vector<144x64xf32>, vector<144x64xf32>, vector<144x64xf32> -> vector<144x768xf32>
    %concatenate3A_1018 = tpu.concatenate %concatenate3A, %concatenate3A_535, %concatenate3A_776, %concatenate3A_1017 in 0 : vector<144x768xf32>, vector<144x768xf32>, vector<144x768xf32>, vector<144x768xf32> -> vector<576x768xf32>
    %get3A_1019 = arith.constant 0 : index
    %get3A_1020 = arith.constant 0 : index
    %get3A_1021 = vector.load %arg6[%get3A_1019, %get3A_1020] : memref<768x768xf32, #tpu.memory_space<vmem>>, vector<768x768xf32>
    %dot_general3A_1022 = arith.constant dense<0.000000e+00> : vector<576x768xf32>
    %dot_general3A_1023 = tpu.matmul %concatenate3A_1018, %get3A_1021, %dot_general3A_1022 {dimension_numbers = #tpu.dot_dimension_numbers<[1], [1], [0], [0], [0, 0, 1, 0], [], []>, transpose_lhs_hint = false} : vector<576x768xf32>, vector<768x768xf32>, vector<576x768xf32> -> vector<576x768xf32>
    %add3A_1024 = arith.addf %reshape3A, %dot_general3A_1023 : vector<576x768xf32>
    %get3A_1025 = arith.constant 0 : index
    %get3A_1026 = arith.constant 0 : index
    %get3A_1027 = vector.load %arg7[%get3A_1025, %get3A_1026] : memref<1x768xf32, #tpu.memory_space<vmem>>, vector<1x768xf32>
    %add3A_1028 = vector.broadcast %get3A_1027 : vector<1x768xf32> to vector<576x768xf32>
    %add3A_1029 = arith.addf %add3A_1024, %add3A_1028 : vector<576x768xf32>
    %get3A_1030 = arith.constant 0 : index
    %get3A_1031 = arith.constant 0 : index
    %get3A_1032 = vector.load %arg8[%get3A_1030, %get3A_1031] : memref<1x768xf32, #tpu.memory_space<vmem>>, vector<1x768xf32>
    %get3A_1033 = arith.constant 0 : index
    %get3A_1034 = arith.constant 0 : index
    %get3A_1035 = vector.load %arg9[%get3A_1033, %get3A_1034] : memref<1x768xf32, #tpu.memory_space<vmem>>, vector<1x768xf32>
    %reduce_sum3A_1036 = arith.constant dense<0.000000e+00> : vector<576xf32>
    %reduce_sum3A_1037 = vector.multi_reduction <add>, %add3A_1029, %reduce_sum3A_1036 [1] : vector<576x768xf32> to vector<576xf32>
    %broadcast_in_dim3A_1038 = vector.shape_cast %reduce_sum3A_1037 : vector<576xf32> to vector<576x1xf32>
    %div3A_1039 = arith.constant 7.680000e+02 : f32
    %div3A_1040 = vector.broadcast %div3A_1039 : f32 to vector<576x1xf32>
    %div3A_1041 = arith.divf %broadcast_in_dim3A_1038, %div3A_1040 : vector<576x1xf32>
    %jit3A_1042 = arith.constant 0 : i32
    %reduce_sum3A_1043 = arith.constant dense<0.000000e+00> : vector<576xf32>
    %reduce_sum3A_1044 = vector.multi_reduction <add>, %add3A_1029, %reduce_sum3A_1043 [1] : vector<576x768xf32> to vector<576xf32>
    %broadcast_in_dim3A_1045 = vector.shape_cast %reduce_sum3A_1044 : vector<576xf32> to vector<576x1xf32>
    %div3A_1046 = arith.constant 7.680000e+02 : f32
    %div3A_1047 = vector.broadcast %div3A_1046 : f32 to vector<576x1xf32>
    %div3A_1048 = arith.divf %broadcast_in_dim3A_1045, %div3A_1047 : vector<576x1xf32>
    %sub3A_1049 = vector.broadcast %div3A_1048 : vector<576x1xf32> to vector<576x768xf32>
    %sub3A_1050 = arith.subf %add3A_1029, %sub3A_1049 : vector<576x768xf32>
    %square3A_1051 = arith.mulf %sub3A_1050, %sub3A_1050 : vector<576x768xf32>
    %convert_element_type3A_1052 = arith.sitofp %jit3A_1042 : i32 to f32
    %sub3A_1053 = arith.constant 7.680000e+02 : f32
    %sub3A_1054 = arith.subf %sub3A_1053, %convert_element_type3A_1052 : f32
    %reduce_sum3A_1055 = arith.constant dense<0.000000e+00> : vector<576xf32>
    %reduce_sum3A_1056 = vector.multi_reduction <add>, %square3A_1051, %reduce_sum3A_1055 [1] : vector<576x768xf32> to vector<576xf32>
    %broadcast_in_dim3A_1057 = vector.shape_cast %reduce_sum3A_1056 : vector<576xf32> to vector<576x1xf32>
    %div3A_1058 = vector.broadcast %sub3A_1054 : f32 to vector<576x1xf32>
    %div3A_1059 = arith.divf %broadcast_in_dim3A_1057, %div3A_1058 : vector<576x1xf32>
    %gt3A_1060 = arith.constant 0.000000e+00 : f32
    %gt3A_1061 = arith.cmpf ogt, %sub3A_1054, %gt3A_1060 : f32
    %jit3A_1062 = arith.constant 0x7FC00000 : f32
    %broadcast_in_dim3A_1063 = vector.broadcast %jit3A_1062 : f32 to vector<576x1xf32>
    %select_n3A_1064 = arith.select %gt3A_1061, %div3A_1059, %broadcast_in_dim3A_1063 : vector<576x1xf32>
    %sub3A_1065 = vector.broadcast %div3A_1041 : vector<576x1xf32> to vector<576x768xf32>
    %sub3A_1066 = arith.subf %add3A_1029, %sub3A_1065 : vector<576x768xf32>
    %add3A_1067 = arith.constant 9.99999974E-6 : f32
    %add3A_1068 = vector.broadcast %add3A_1067 : f32 to vector<576x1xf32>
    %add3A_1069 = arith.addf %select_n3A_1064, %add3A_1068 : vector<576x1xf32>
    %sqrt3A_1070 = math.sqrt %add3A_1069 : vector<576x1xf32>
    %div3A_1071 = vector.broadcast %sqrt3A_1070 : vector<576x1xf32> to vector<576x768xf32>
    %div3A_1072 = arith.divf %sub3A_1066, %div3A_1071 : vector<576x768xf32>
    %mul3A_1073 = vector.broadcast %get3A_1032 : vector<1x768xf32> to vector<576x768xf32>
    %mul3A_1074 = arith.mulf %div3A_1072, %mul3A_1073 : vector<576x768xf32>
    %add3A_1075 = vector.broadcast %get3A_1035 : vector<1x768xf32> to vector<576x768xf32>
    %add3A_1076 = arith.addf %mul3A_1074, %add3A_1075 : vector<576x768xf32>
    %get3A_1077 = arith.constant 0 : index
    %get3A_1078 = arith.constant 0 : index
    %get3A_1079 = vector.load %arg10[%get3A_1077, %get3A_1078] : memref<3072x768xf32, #tpu.memory_space<vmem>>, vector<3072x768xf32>
    %dot_general3A_1080 = arith.constant dense<0.000000e+00> : vector<576x3072xf32>
    %dot_general3A_1081 = tpu.matmul %add3A_1076, %get3A_1079, %dot_general3A_1080 {dimension_numbers = #tpu.dot_dimension_numbers<[1], [1], [0], [0], [0, 0, 1, 0], [], []>, transpose_lhs_hint = false} : vector<576x768xf32>, vector<3072x768xf32>, vector<576x3072xf32> -> vector<576x3072xf32>
    %get3A_1082 = arith.constant 0 : index
    %get3A_1083 = arith.constant 0 : index
    %get3A_1084 = vector.load %arg11[%get3A_1082, %get3A_1083] : memref<1x3072xf32, #tpu.memory_space<vmem>>, vector<1x3072xf32>
    %add3A_1085 = vector.broadcast %get3A_1084 : vector<1x3072xf32> to vector<576x3072xf32>
    %add3A_1086 = arith.addf %dot_general3A_1081, %add3A_1085 : vector<576x3072xf32>
    %integer_pow3A = arith.mulf %add3A_1086, %add3A_1086 : vector<576x3072xf32>
    %integer_pow3A_1087 = arith.mulf %add3A_1086, %integer_pow3A : vector<576x3072xf32>
    %mul3A_1088 = arith.constant 4.471500e-02 : f32
    %mul3A_1089 = vector.broadcast %mul3A_1088 : f32 to vector<576x3072xf32>
    %mul3A_1090 = arith.mulf %mul3A_1089, %integer_pow3A_1087 : vector<576x3072xf32>
    %add3A_1091 = arith.addf %add3A_1086, %mul3A_1090 : vector<576x3072xf32>
    %mul3A_1092 = arith.constant 0.797884583 : f32
    %mul3A_1093 = vector.broadcast %mul3A_1092 : f32 to vector<576x3072xf32>
    %mul3A_1094 = arith.mulf %mul3A_1093, %add3A_1091 : vector<576x3072xf32>
    %tanh3A = math.tanh %mul3A_1094 : vector<576x3072xf32>
    %add3A_1095 = arith.constant 1.000000e+00 : f32
    %add3A_1096 = vector.broadcast %add3A_1095 : f32 to vector<576x3072xf32>
    %add3A_1097 = arith.addf %add3A_1096, %tanh3A : vector<576x3072xf32>
    %mul3A_1098 = arith.constant 5.000000e-01 : f32
    %mul3A_1099 = vector.broadcast %mul3A_1098 : f32 to vector<576x3072xf32>
    %mul3A_1100 = arith.mulf %mul3A_1099, %add3A_1097 : vector<576x3072xf32>
    %mul3A_1101 = arith.mulf %add3A_1086, %mul3A_1100 : vector<576x3072xf32>
    %get3A_1102 = arith.constant 0 : index
    %get3A_1103 = arith.constant 0 : index
    %get3A_1104 = vector.load %arg12[%get3A_1102, %get3A_1103] : memref<768x3072xf32, #tpu.memory_space<vmem>>, vector<768x3072xf32>
    %dot_general3A_1105 = arith.constant dense<0.000000e+00> : vector<576x768xf32>
    %dot_general3A_1106 = tpu.matmul %mul3A_1101, %get3A_1104, %dot_general3A_1105 {dimension_numbers = #tpu.dot_dimension_numbers<[1], [1], [0], [0], [0, 0, 1, 0], [], []>, transpose_lhs_hint = false} : vector<576x3072xf32>, vector<768x3072xf32>, vector<576x768xf32> -> vector<576x768xf32>
    %add3A_1107 = arith.addf %add3A_1029, %dot_general3A_1106 : vector<576x768xf32>
    %get3A_1108 = arith.constant 0 : index
    %get3A_1109 = arith.constant 0 : index
    %get3A_1110 = vector.load %arg13[%get3A_1108, %get3A_1109] : memref<1x768xf32, #tpu.memory_space<vmem>>, vector<1x768xf32>
    %add3A_1111 = vector.broadcast %get3A_1110 : vector<1x768xf32> to vector<576x768xf32>
    %add3A_1112 = arith.addf %add3A_1107, %add3A_1111 : vector<576x768xf32>
    %reshape3A_1113 = vector.shape_cast %add3A_1112 : vector<576x768xf32> to vector<4x144x768xf32>
    %swap3A = arith.constant 0 : index
    %swap3A_1114 = arith.constant 0 : index
    %swap3A_1115 = arith.constant 0 : index
    %swap3A_1116 = vector.load %arg14[%swap3A, %swap3A_1114, %swap3A_1115] : memref<4x144x768xf32, #tpu.memory_space<vmem>>, vector<4x144x768xf32>
    tpu.vector_store %arg14[%swap3A, %swap3A_1114, %swap3A_1115], %reshape3A_1113 {strides = array<i32>} : memref<4x144x768xf32, #tpu.memory_space<vmem>>, vector<4x144x768xf32>,
    return
  }
  func.func @transform_0(%arg0: i32) -> (i32, i32, i32) {
    %c0_i32 = arith.constant 0 : i32
    %c0_i32_0 = arith.constant 0 : i32
    %c0_i32_1 = arith.constant 0 : i32
    return %arg0, %c0_i32, %c0_i32_0 : i32, i32, i32
  }
  func.func @transform_1(%arg0: i32) -> (i32, i32) {
    %c0_i32 = arith.constant 0 : i32
    %c0_i32_0 = arith.constant 0 : i32
    %c0_i32_1 = arith.constant 0 : i32
    return %c0_i32, %c0_i32_0 : i32, i32
  }
  func.func @transform_2(%arg0: i32) -> (i32, i32) {
    %c0_i32 = arith.constant 0 : i32
    %c0_i32_0 = arith.constant 0 : i32
    %c0_i32_1 = arith.constant 0 : i32
    return %c0_i32, %c0_i32_0 : i32, i32
  }
  func.func @transform_3(%arg0: i32) -> (i32, i32) {
    %c0_i32 = arith.constant 0 : i32
    %c0_i32_0 = arith.constant 0 : i32
    %c0_i32_1 = arith.constant 0 : i32
    return %c0_i32, %c0_i32_0 : i32, i32
  }
  func.func @transform_4(%arg0: i32) -> (i32, i32) {
    %c0_i32 = arith.constant 0 : i32
    %c0_i32_0 = arith.constant 0 : i32
    %c0_i32_1 = arith.constant 0 : i32
    return %c0_i32, %c0_i32_0 : i32, i32
  }
  func.func @transform_5(%arg0: i32) -> (i32, i32) {
    %c0_i32 = arith.constant 0 : i32
    %c0_i32_0 = arith.constant 0 : i32
    %c0_i32_1 = arith.constant 0 : i32
    return %c0_i32, %c0_i32_0 : i32, i32
  }
  func.func @transform_6(%arg0: i32) -> (i32, i32) {
    %c0_i32 = arith.constant 0 : i32
    %c0_i32_0 = arith.constant 0 : i32
    %c0_i32_1 = arith.constant 0 : i32
    return %c0_i32, %c0_i32_0 : i32, i32
  }
  func.func @transform_7(%arg0: i32) -> (i32, i32) {
    %c0_i32 = arith.constant 0 : i32
    %c0_i32_0 = arith.constant 0 : i32
    %c0_i32_1 = arith.constant 0 : i32
    return %c0_i32, %c0_i32_0 : i32, i32
  }
  func.func @transform_8(%arg0: i32) -> (i32, i32) {
    %c0_i32 = arith.constant 0 : i32
    %c0_i32_0 = arith.constant 0 : i32
    %c0_i32_1 = arith.constant 0 : i32
    return %c0_i32, %c0_i32_0 : i32, i32
  }
  func.func @transform_9(%arg0: i32) -> (i32, i32) {
    %c0_i32 = arith.constant 0 : i32
    %c0_i32_0 = arith.constant 0 : i32
    %c0_i32_1 = arith.constant 0 : i32
    return %c0_i32, %c0_i32_0 : i32, i32
  }
  func.func @transform_10(%arg0: i32) -> (i32, i32) {
    %c0_i32 = arith.constant 0 : i32
    %c0_i32_0 = arith.constant 0 : i32
    %c0_i32_1 = arith.constant 0 : i32
    return %c0_i32, %c0_i32_0 : i32, i32
  }
  func.func @transform_11(%arg0: i32) -> (i32, i32) {
    %c0_i32 = arith.constant 0 : i32
    %c0_i32_0 = arith.constant 0 : i32
    %c0_i32_1 = arith.constant 0 : i32
    return %c0_i32, %c0_i32_0 : i32, i32
  }
  func.func @transform_12(%arg0: i32) -> (i32, i32) {
    %c0_i32 = arith.constant 0 : i32
    %c0_i32_0 = arith.constant 0 : i32
    %c0_i32_1 = arith.constant 0 : i32
    return %c0_i32, %c0_i32_0 : i32, i32
  }
  func.func @transform_13(%arg0: i32) -> (i32, i32, i32) {
    %c0_i32 = arith.constant 0 : i32
    %c0_i32_0 = arith.constant 0 : i32
    %c0_i32_1 = arith.constant 0 : i32
    return %arg0, %c0_i32, %c0_i32_0 : i32, i32, i32
  }
}

module attributes {stable_mosaic.version = 14 : i64} {
  func.func @body(%arg0: i32, %arg1: memref<4x144x768xf32, #tpu.memory_space<vmem>>, %arg2: memref<1x768xf32, #tpu.memory_space<vmem>>, %arg3: memref<1x768xf32, #tpu.memory_space<vmem>>, %arg4: memref<2304x768xf32, #tpu.memory_space<vmem>>, %arg5: memref<1x2304xf32, #tpu.memory_space<vmem>>, %arg6: memref<768x768xf32, #tpu.memory_space<vmem>>, %arg7: memref<1x768xf32, #tpu.memory_space<vmem>>, %arg8: memref<1x768xf32, #tpu.memory_space<vmem>>, %arg9: memref<1x768xf32, #tpu.memory_space<vmem>>, %arg10: memref<3072x768xf32, #tpu.memory_space<vmem>>, %arg11: memref<1x3072xf32, #tpu.memory_space<vmem>>, %arg12: memref<768x3072xf32, #tpu.memory_space<vmem>>, %arg13: memref<1x768xf32, #tpu.memory_space<vmem>>, %arg14: memref<1024x768xf32, #tpu.memory_space<vmem>>, %arg15: memref<4x144x1024xf32, #tpu.memory_space<vmem>>) attributes {dimension_semantics = [#tpu.dimension_semantics<arbitrary>], iteration_bounds = array<i64: 8>, scalar_prefetch = 0 : i64, scratch_operands = 0 : i64, tpu.core_type = #tpu.core_type<tc>, window_params = [{transform_indices = @transform_0, window_bounds = array<i64: 4, 144, 768>}, {pipeline_mode = #tpu.pipeline_mode<synchronous>, transform_indices = @transform_1, window_bounds = array<i64: 1, 768>}, {pipeline_mode = #tpu.pipeline_mode<synchronous>, transform_indices = @transform_2, window_bounds = array<i64: 1, 768>}, {pipeline_mode = #tpu.pipeline_mode<synchronous>, transform_indices = @transform_3, window_bounds = array<i64: 2304, 768>}, {pipeline_mode = #tpu.pipeline_mode<synchronous>, transform_indices = @transform_4, window_bounds = array<i64: 1, 2304>}, {pipeline_mode = #tpu.pipeline_mode<synchronous>, transform_indices = @transform_5, window_bounds = array<i64: 768, 768>}, {pipeline_mode = #tpu.pipeline_mode<synchronous>, transform_indices = @transform_6, window_bounds = array<i64: 1, 768>}, {pipeline_mode = #tpu.pipeline_mode<synchronous>, transform_indices = @transform_7, window_bounds = array<i64: 1, 768>}, {pipeline_mode = #tpu.pipeline_mode<synchronous>, transform_indices = @transform_8, window_bounds = array<i64: 1, 768>}, {pipeline_mode = #tpu.pipeline_mode<synchronous>, transform_indices = @transform_9, window_bounds = array<i64: 3072, 768>}, {pipeline_mode = #tpu.pipeline_mode<synchronous>, transform_indices = @transform_10, window_bounds = array<i64: 1, 3072>}, {pipeline_mode = #tpu.pipeline_mode<synchronous>, transform_indices = @transform_11, window_bounds = array<i64: 768, 3072>}, {pipeline_mode = #tpu.pipeline_mode<synchronous>, transform_indices = @transform_12, window_bounds = array<i64: 1, 768>}, {pipeline_mode = #tpu.pipeline_mode<synchronous>, transform_indices = @transform_13, window_bounds = array<i64: 1024, 768>}, {transform_indices = @transform_14, window_bounds = array<i64: 4, 144, 1024>}]} {
    %get3A = arith.constant 0 : index
    %get3A_0 = arith.constant 0 : index
    %get3A_1 = arith.constant 0 : index
    %get3A_2 = vector.load %arg1[%get3A, %get3A_0, %get3A_1] : memref<4x144x768xf32, #tpu.memory_space<vmem>>, vector<4x144x768xf32>
    %reshape3A = vector.shape_cast %get3A_2 : vector<4x144x768xf32> to vector<576x768xf32>
    %get3A_3 = arith.constant 0 : index
    %get3A_4 = arith.constant 0 : index
    %get3A_5 = vector.load %arg2[%get3A_3, %get3A_4] : memref<1x768xf32, #tpu.memory_space<vmem>>, vector<1x768xf32>
    %get3A_6 = arith.constant 0 : index
    %get3A_7 = arith.constant 0 : index
    %get3A_8 = vector.load %arg3[%get3A_6, %get3A_7] : memref<1x768xf32, #tpu.memory_space<vmem>>, vector<1x768xf32>
    %reduce_sum3A = arith.constant dense<0.000000e+00> : vector<576xf32>
    %reduce_sum3A_9 = vector.multi_reduction <add>, %reshape3A, %reduce_sum3A [1] : vector<576x768xf32> to vector<576xf32>
    %broadcast_in_dim3A = vector.shape_cast %reduce_sum3A_9 : vector<576xf32> to vector<576x1xf32>
    %div3A = arith.constant 7.680000e+02 : f32
    %div3A_10 = vector.broadcast %div3A : f32 to vector<576x1xf32>
    %div3A_11 = arith.divf %broadcast_in_dim3A, %div3A_10 : vector<576x1xf32>
    %jit3A = arith.constant 0 : i32
    %reduce_sum3A_12 = arith.constant dense<0.000000e+00> : vector<576xf32>
    %reduce_sum3A_13 = vector.multi_reduction <add>, %reshape3A, %reduce_sum3A_12 [1] : vector<576x768xf32> to vector<576xf32>
    %broadcast_in_dim3A_14 = vector.shape_cast %reduce_sum3A_13 : vector<576xf32> to vector<576x1xf32>
    %div3A_15 = arith.constant 7.680000e+02 : f32
    %div3A_16 = vector.broadcast %div3A_15 : f32 to vector<576x1xf32>
    %div3A_17 = arith.divf %broadcast_in_dim3A_14, %div3A_16 : vector<576x1xf32>
    %sub3A = vector.broadcast %div3A_17 : vector<576x1xf32> to vector<576x768xf32>
    %sub3A_18 = arith.subf %reshape3A, %sub3A : vector<576x768xf32>
    %square3A = arith.mulf %sub3A_18, %sub3A_18 : vector<576x768xf32>
    %convert_element_type3A = arith.sitofp %jit3A : i32 to f32
    %sub3A_19 = arith.constant 7.680000e+02 : f32
    %sub3A_20 = arith.subf %sub3A_19, %convert_element_type3A : f32
    %reduce_sum3A_21 = arith.constant dense<0.000000e+00> : vector<576xf32>
    %reduce_sum3A_22 = vector.multi_reduction <add>, %square3A, %reduce_sum3A_21 [1] : vector<576x768xf32> to vector<576xf32>
    %broadcast_in_dim3A_23 = vector.shape_cast %reduce_sum3A_22 : vector<576xf32> to vector<576x1xf32>
    %div3A_24 = vector.broadcast %sub3A_20 : f32 to vector<576x1xf32>
    %div3A_25 = arith.divf %broadcast_in_dim3A_23, %div3A_24 : vector<576x1xf32>
    %gt3A = arith.constant 0.000000e+00 : f32
    %gt3A_26 = arith.cmpf ogt, %sub3A_20, %gt3A : f32
    %jit3A_27 = arith.constant 0x7FC00000 : f32
    %broadcast_in_dim3A_28 = vector.broadcast %jit3A_27 : f32 to vector<576x1xf32>
    %select_n3A = arith.select %gt3A_26, %div3A_25, %broadcast_in_dim3A_28 : vector<576x1xf32>
    %sub3A_29 = vector.broadcast %div3A_11 : vector<576x1xf32> to vector<576x768xf32>
    %sub3A_30 = arith.subf %reshape3A, %sub3A_29 : vector<576x768xf32>
    %add3A = arith.constant 9.99999974E-6 : f32
    %add3A_31 = vector.broadcast %add3A : f32 to vector<576x1xf32>
    %add3A_32 = arith.addf %select_n3A, %add3A_31 : vector<576x1xf32>
    %sqrt3A = math.sqrt %add3A_32 : vector<576x1xf32>
    %div3A_33 = vector.broadcast %sqrt3A : vector<576x1xf32> to vector<576x768xf32>
    %div3A_34 = arith.divf %sub3A_30, %div3A_33 : vector<576x768xf32>
    %mul3A = vector.broadcast %get3A_5 : vector<1x768xf32> to vector<576x768xf32>
    %mul3A_35 = arith.mulf %div3A_34, %mul3A : vector<576x768xf32>
    %add3A_36 = vector.broadcast %get3A_8 : vector<1x768xf32> to vector<576x768xf32>
    %add3A_37 = arith.addf %mul3A_35, %add3A_36 : vector<576x768xf32>
    %get3A_38 = arith.constant 0 : index
    %get3A_39 = arith.constant 0 : index
    %get3A_40 = vector.load %arg4[%get3A_38, %get3A_39] : memref<2304x768xf32, #tpu.memory_space<vmem>>, vector<2304x768xf32>
    %dot_general3A = arith.constant dense<0.000000e+00> : vector<576x2304xf32>
    %dot_general3A_41 = tpu.matmul %add3A_37, %get3A_40, %dot_general3A {dimension_numbers = #tpu.dot_dimension_numbers<[1], [1], [0], [0], [0, 0, 1, 0], [], []>, transpose_lhs_hint = false} : vector<576x768xf32>, vector<2304x768xf32>, vector<576x2304xf32> -> vector<576x2304xf32>
    %get3A_42 = arith.constant 0 : index
    %get3A_43 = arith.constant 0 : index
    %get3A_44 = vector.load %arg5[%get3A_42, %get3A_43] : memref<1x2304xf32, #tpu.memory_space<vmem>>, vector<1x2304xf32>
    %add3A_45 = vector.broadcast %get3A_44 : vector<1x2304xf32> to vector<576x2304xf32>
    %add3A_46 = arith.addf %dot_general3A_41, %add3A_45 : vector<576x2304xf32>
    %slice3A = vector.extract_strided_slice %add3A_46 {offsets = [0, 0], sizes = [576, 768], strides = [1, 1]} : vector<576x2304xf32> to vector<576x768xf32>
    %mul3A_47 = arith.constant 1.250000e-01 : f32
    %mul3A_48 = vector.broadcast %mul3A_47 : f32 to vector<576x768xf32>
    %mul3A_49 = arith.mulf %slice3A, %mul3A_48 : vector<576x768xf32>
    %iota3A = tpu.iota {dimensions = array<i32: 1>} : vector<1x144xi32>
    %lt3A = arith.constant 138 : i32
    %lt3A_50 = vector.broadcast %lt3A : i32 to vector<1x144xi32>
    %lt3A_51 = arith.cmpi slt, %iota3A, %lt3A_50 : vector<1x144xi32>
    %jit3A_52 = arith.constant 0.000000e+00 : f32
    %jit3A_53 = arith.constant -1.000000e+30 : f32
    %broadcast_in_dim3A_54 = vector.broadcast %jit3A_52 : f32 to vector<1x144xf32>
    %broadcast_in_dim3A_55 = vector.broadcast %jit3A_53 : f32 to vector<1x144xf32>
    %select_n3A_56 = arith.select %lt3A_51, %broadcast_in_dim3A_54, %broadcast_in_dim3A_55 : vector<1x144xi1>, vector<1x144xf32>
    %slice3A_57 = vector.extract_strided_slice %mul3A_49 {offsets = [0, 0], sizes = [144, 64], strides = [1, 1]} : vector<576x768xf32> to vector<144x64xf32>
    %slice3A_58 = vector.extract_strided_slice %add3A_46 {offsets = [0, 768], sizes = [144, 64], strides = [1, 1]} : vector<576x2304xf32> to vector<144x64xf32>
    %slice3A_59 = vector.extract_strided_slice %add3A_46 {offsets = [0, 1536], sizes = [144, 64], strides = [1, 1]} : vector<576x2304xf32> to vector<144x64xf32>
    %dot_general3A_60 = arith.constant dense<0.000000e+00> : vector<144x144xf32>
    %dot_general3A_61 = tpu.matmul %slice3A_57, %slice3A_58, %dot_general3A_60 {dimension_numbers = #tpu.dot_dimension_numbers<[1], [1], [0], [0], [0, 0, 1, 0], [], []>, transpose_lhs_hint = false} : vector<144x64xf32>, vector<144x64xf32>, vector<144x144xf32> -> vector<144x144xf32>
    %add3A_62 = vector.broadcast %select_n3A_56 : vector<1x144xf32> to vector<144x144xf32>
    %add3A_63 = arith.addf %dot_general3A_61, %add3A_62 : vector<144x144xf32>
    %reduce_max3A = arith.constant dense<0xFF800000> : vector<144xf32>
    %reduce_max3A_64 = vector.multi_reduction <maximumf>, %add3A_63, %reduce_max3A [1] : vector<144x144xf32> to vector<144xf32>
    %broadcast_in_dim3A_65 = vector.shape_cast %reduce_max3A_64 : vector<144xf32> to vector<144x1xf32>
    %sub3A_66 = vector.broadcast %broadcast_in_dim3A_65 : vector<144x1xf32> to vector<144x144xf32>
    %sub3A_67 = arith.subf %add3A_63, %sub3A_66 : vector<144x144xf32>
    %exp3A = math.exp %sub3A_67 : vector<144x144xf32>
    %reduce_sum3A_68 = arith.constant dense<0.000000e+00> : vector<144xf32>
    %reduce_sum3A_69 = vector.multi_reduction <add>, %exp3A, %reduce_sum3A_68 [1] : vector<144x144xf32> to vector<144xf32>
    %broadcast_in_dim3A_70 = vector.shape_cast %reduce_sum3A_69 : vector<144xf32> to vector<144x1xf32>
    %div3A_71 = vector.broadcast %broadcast_in_dim3A_70 : vector<144x1xf32> to vector<144x144xf32>
    %div3A_72 = arith.divf %exp3A, %div3A_71 : vector<144x144xf32>
    %dot_general3A_73 = arith.constant dense<0.000000e+00> : vector<144x64xf32>
    %dot_general3A_74 = tpu.matmul %div3A_72, %slice3A_59, %dot_general3A_73 {dimension_numbers = #tpu.dot_dimension_numbers<[1], [0], [0], [1], [0, 0, 1, 1], [], []>, transpose_lhs_hint = false} : vector<144x144xf32>, vector<144x64xf32>, vector<144x64xf32> -> vector<144x64xf32>
    %slice3A_75 = vector.extract_strided_slice %mul3A_49 {offsets = [0, 64], sizes = [144, 64], strides = [1, 1]} : vector<576x768xf32> to vector<144x64xf32>
    %slice3A_76 = vector.extract_strided_slice %add3A_46 {offsets = [0, 832], sizes = [144, 64], strides = [1, 1]} : vector<576x2304xf32> to vector<144x64xf32>
    %slice3A_77 = vector.extract_strided_slice %add3A_46 {offsets = [0, 1600], sizes = [144, 64], strides = [1, 1]} : vector<576x2304xf32> to vector<144x64xf32>
    %dot_general3A_78 = arith.constant dense<0.000000e+00> : vector<144x144xf32>
    %dot_general3A_79 = tpu.matmul %slice3A_75, %slice3A_76, %dot_general3A_78 {dimension_numbers = #tpu.dot_dimension_numbers<[1], [1], [0], [0], [0, 0, 1, 0], [], []>, transpose_lhs_hint = false} : vector<144x64xf32>, vector<144x64xf32>, vector<144x144xf32> -> vector<144x144xf32>
    %add3A_80 = vector.broadcast %select_n3A_56 : vector<1x144xf32> to vector<144x144xf32>
    %add3A_81 = arith.addf %dot_general3A_79, %add3A_80 : vector<144x144xf32>
    %reduce_max3A_82 = arith.constant dense<0xFF800000> : vector<144xf32>
    %reduce_max3A_83 = vector.multi_reduction <maximumf>, %add3A_81, %reduce_max3A_82 [1] : vector<144x144xf32> to vector<144xf32>
    %broadcast_in_dim3A_84 = vector.shape_cast %reduce_max3A_83 : vector<144xf32> to vector<144x1xf32>
    %sub3A_85 = vector.broadcast %broadcast_in_dim3A_84 : vector<144x1xf32> to vector<144x144xf32>
    %sub3A_86 = arith.subf %add3A_81, %sub3A_85 : vector<144x144xf32>
    %exp3A_87 = math.exp %sub3A_86 : vector<144x144xf32>
    %reduce_sum3A_88 = arith.constant dense<0.000000e+00> : vector<144xf32>
    %reduce_sum3A_89 = vector.multi_reduction <add>, %exp3A_87, %reduce_sum3A_88 [1] : vector<144x144xf32> to vector<144xf32>
    %broadcast_in_dim3A_90 = vector.shape_cast %reduce_sum3A_89 : vector<144xf32> to vector<144x1xf32>
    %div3A_91 = vector.broadcast %broadcast_in_dim3A_90 : vector<144x1xf32> to vector<144x144xf32>
    %div3A_92 = arith.divf %exp3A_87, %div3A_91 : vector<144x144xf32>
    %dot_general3A_93 = arith.constant dense<0.000000e+00> : vector<144x64xf32>
    %dot_general3A_94 = tpu.matmul %div3A_92, %slice3A_77, %dot_general3A_93 {dimension_numbers = #tpu.dot_dimension_numbers<[1], [0], [0], [1], [0, 0, 1, 1], [], []>, transpose_lhs_hint = false} : vector<144x144xf32>, vector<144x64xf32>, vector<144x64xf32> -> vector<144x64xf32>
    %slice3A_95 = vector.extract_strided_slice %mul3A_49 {offsets = [0, 128], sizes = [144, 64], strides = [1, 1]} : vector<576x768xf32> to vector<144x64xf32>
    %slice3A_96 = vector.extract_strided_slice %add3A_46 {offsets = [0, 896], sizes = [144, 64], strides = [1, 1]} : vector<576x2304xf32> to vector<144x64xf32>
    %slice3A_97 = vector.extract_strided_slice %add3A_46 {offsets = [0, 1664], sizes = [144, 64], strides = [1, 1]} : vector<576x2304xf32> to vector<144x64xf32>
    %dot_general3A_98 = arith.constant dense<0.000000e+00> : vector<144x144xf32>
    %dot_general3A_99 = tpu.matmul %slice3A_95, %slice3A_96, %dot_general3A_98 {dimension_numbers = #tpu.dot_dimension_numbers<[1], [1], [0], [0], [0, 0, 1, 0], [], []>, transpose_lhs_hint = false} : vector<144x64xf32>, vector<144x64xf32>, vector<144x144xf32> -> vector<144x144xf32>
    %add3A_100 = vector.broadcast %select_n3A_56 : vector<1x144xf32> to vector<144x144xf32>
    %add3A_101 = arith.addf %dot_general3A_99, %add3A_100 : vector<144x144xf32>
    %reduce_max3A_102 = arith.constant dense<0xFF800000> : vector<144xf32>
    %reduce_max3A_103 = vector.multi_reduction <maximumf>, %add3A_101, %reduce_max3A_102 [1] : vector<144x144xf32> to vector<144xf32>
    %broadcast_in_dim3A_104 = vector.shape_cast %reduce_max3A_103 : vector<144xf32> to vector<144x1xf32>
    %sub3A_105 = vector.broadcast %broadcast_in_dim3A_104 : vector<144x1xf32> to vector<144x144xf32>
    %sub3A_106 = arith.subf %add3A_101, %sub3A_105 : vector<144x144xf32>
    %exp3A_107 = math.exp %sub3A_106 : vector<144x144xf32>
    %reduce_sum3A_108 = arith.constant dense<0.000000e+00> : vector<144xf32>
    %reduce_sum3A_109 = vector.multi_reduction <add>, %exp3A_107, %reduce_sum3A_108 [1] : vector<144x144xf32> to vector<144xf32>
    %broadcast_in_dim3A_110 = vector.shape_cast %reduce_sum3A_109 : vector<144xf32> to vector<144x1xf32>
    %div3A_111 = vector.broadcast %broadcast_in_dim3A_110 : vector<144x1xf32> to vector<144x144xf32>
    %div3A_112 = arith.divf %exp3A_107, %div3A_111 : vector<144x144xf32>
    %dot_general3A_113 = arith.constant dense<0.000000e+00> : vector<144x64xf32>
    %dot_general3A_114 = tpu.matmul %div3A_112, %slice3A_97, %dot_general3A_113 {dimension_numbers = #tpu.dot_dimension_numbers<[1], [0], [0], [1], [0, 0, 1, 1], [], []>, transpose_lhs_hint = false} : vector<144x144xf32>, vector<144x64xf32>, vector<144x64xf32> -> vector<144x64xf32>
    %slice3A_115 = vector.extract_strided_slice %mul3A_49 {offsets = [0, 192], sizes = [144, 64], strides = [1, 1]} : vector<576x768xf32> to vector<144x64xf32>
    %slice3A_116 = vector.extract_strided_slice %add3A_46 {offsets = [0, 960], sizes = [144, 64], strides = [1, 1]} : vector<576x2304xf32> to vector<144x64xf32>
    %slice3A_117 = vector.extract_strided_slice %add3A_46 {offsets = [0, 1728], sizes = [144, 64], strides = [1, 1]} : vector<576x2304xf32> to vector<144x64xf32>
    %dot_general3A_118 = arith.constant dense<0.000000e+00> : vector<144x144xf32>
    %dot_general3A_119 = tpu.matmul %slice3A_115, %slice3A_116, %dot_general3A_118 {dimension_numbers = #tpu.dot_dimension_numbers<[1], [1], [0], [0], [0, 0, 1, 0], [], []>, transpose_lhs_hint = false} : vector<144x64xf32>, vector<144x64xf32>, vector<144x144xf32> -> vector<144x144xf32>
    %add3A_120 = vector.broadcast %select_n3A_56 : vector<1x144xf32> to vector<144x144xf32>
    %add3A_121 = arith.addf %dot_general3A_119, %add3A_120 : vector<144x144xf32>
    %reduce_max3A_122 = arith.constant dense<0xFF800000> : vector<144xf32>
    %reduce_max3A_123 = vector.multi_reduction <maximumf>, %add3A_121, %reduce_max3A_122 [1] : vector<144x144xf32> to vector<144xf32>
    %broadcast_in_dim3A_124 = vector.shape_cast %reduce_max3A_123 : vector<144xf32> to vector<144x1xf32>
    %sub3A_125 = vector.broadcast %broadcast_in_dim3A_124 : vector<144x1xf32> to vector<144x144xf32>
    %sub3A_126 = arith.subf %add3A_121, %sub3A_125 : vector<144x144xf32>
    %exp3A_127 = math.exp %sub3A_126 : vector<144x144xf32>
    %reduce_sum3A_128 = arith.constant dense<0.000000e+00> : vector<144xf32>
    %reduce_sum3A_129 = vector.multi_reduction <add>, %exp3A_127, %reduce_sum3A_128 [1] : vector<144x144xf32> to vector<144xf32>
    %broadcast_in_dim3A_130 = vector.shape_cast %reduce_sum3A_129 : vector<144xf32> to vector<144x1xf32>
    %div3A_131 = vector.broadcast %broadcast_in_dim3A_130 : vector<144x1xf32> to vector<144x144xf32>
    %div3A_132 = arith.divf %exp3A_127, %div3A_131 : vector<144x144xf32>
    %dot_general3A_133 = arith.constant dense<0.000000e+00> : vector<144x64xf32>
    %dot_general3A_134 = tpu.matmul %div3A_132, %slice3A_117, %dot_general3A_133 {dimension_numbers = #tpu.dot_dimension_numbers<[1], [0], [0], [1], [0, 0, 1, 1], [], []>, transpose_lhs_hint = false} : vector<144x144xf32>, vector<144x64xf32>, vector<144x64xf32> -> vector<144x64xf32>
    %slice3A_135 = vector.extract_strided_slice %mul3A_49 {offsets = [0, 256], sizes = [144, 64], strides = [1, 1]} : vector<576x768xf32> to vector<144x64xf32>
    %slice3A_136 = vector.extract_strided_slice %add3A_46 {offsets = [0, 1024], sizes = [144, 64], strides = [1, 1]} : vector<576x2304xf32> to vector<144x64xf32>
    %slice3A_137 = vector.extract_strided_slice %add3A_46 {offsets = [0, 1792], sizes = [144, 64], strides = [1, 1]} : vector<576x2304xf32> to vector<144x64xf32>
    %dot_general3A_138 = arith.constant dense<0.000000e+00> : vector<144x144xf32>
    %dot_general3A_139 = tpu.matmul %slice3A_135, %slice3A_136, %dot_general3A_138 {dimension_numbers = #tpu.dot_dimension_numbers<[1], [1], [0], [0], [0, 0, 1, 0], [], []>, transpose_lhs_hint = false} : vector<144x64xf32>, vector<144x64xf32>, vector<144x144xf32> -> vector<144x144xf32>
    %add3A_140 = vector.broadcast %select_n3A_56 : vector<1x144xf32> to vector<144x144xf32>
    %add3A_141 = arith.addf %dot_general3A_139, %add3A_140 : vector<144x144xf32>
    %reduce_max3A_142 = arith.constant dense<0xFF800000> : vector<144xf32>
    %reduce_max3A_143 = vector.multi_reduction <maximumf>, %add3A_141, %reduce_max3A_142 [1] : vector<144x144xf32> to vector<144xf32>
    %broadcast_in_dim3A_144 = vector.shape_cast %reduce_max3A_143 : vector<144xf32> to vector<144x1xf32>
    %sub3A_145 = vector.broadcast %broadcast_in_dim3A_144 : vector<144x1xf32> to vector<144x144xf32>
    %sub3A_146 = arith.subf %add3A_141, %sub3A_145 : vector<144x144xf32>
    %exp3A_147 = math.exp %sub3A_146 : vector<144x144xf32>
    %reduce_sum3A_148 = arith.constant dense<0.000000e+00> : vector<144xf32>
    %reduce_sum3A_149 = vector.multi_reduction <add>, %exp3A_147, %reduce_sum3A_148 [1] : vector<144x144xf32> to vector<144xf32>
    %broadcast_in_dim3A_150 = vector.shape_cast %reduce_sum3A_149 : vector<144xf32> to vector<144x1xf32>
    %div3A_151 = vector.broadcast %broadcast_in_dim3A_150 : vector<144x1xf32> to vector<144x144xf32>
    %div3A_152 = arith.divf %exp3A_147, %div3A_151 : vector<144x144xf32>
    %dot_general3A_153 = arith.constant dense<0.000000e+00> : vector<144x64xf32>
    %dot_general3A_154 = tpu.matmul %div3A_152, %slice3A_137, %dot_general3A_153 {dimension_numbers = #tpu.dot_dimension_numbers<[1], [0], [0], [1], [0, 0, 1, 1], [], []>, transpose_lhs_hint = false} : vector<144x144xf32>, vector<144x64xf32>, vector<144x64xf32> -> vector<144x64xf32>
    %slice3A_155 = vector.extract_strided_slice %mul3A_49 {offsets = [0, 320], sizes = [144, 64], strides = [1, 1]} : vector<576x768xf32> to vector<144x64xf32>
    %slice3A_156 = vector.extract_strided_slice %add3A_46 {offsets = [0, 1088], sizes = [144, 64], strides = [1, 1]} : vector<576x2304xf32> to vector<144x64xf32>
    %slice3A_157 = vector.extract_strided_slice %add3A_46 {offsets = [0, 1856], sizes = [144, 64], strides = [1, 1]} : vector<576x2304xf32> to vector<144x64xf32>
    %dot_general3A_158 = arith.constant dense<0.000000e+00> : vector<144x144xf32>
    %dot_general3A_159 = tpu.matmul %slice3A_155, %slice3A_156, %dot_general3A_158 {dimension_numbers = #tpu.dot_dimension_numbers<[1], [1], [0], [0], [0, 0, 1, 0], [], []>, transpose_lhs_hint = false} : vector<144x64xf32>, vector<144x64xf32>, vector<144x144xf32> -> vector<144x144xf32>
    %add3A_160 = vector.broadcast %select_n3A_56 : vector<1x144xf32> to vector<144x144xf32>
    %add3A_161 = arith.addf %dot_general3A_159, %add3A_160 : vector<144x144xf32>
    %reduce_max3A_162 = arith.constant dense<0xFF800000> : vector<144xf32>
    %reduce_max3A_163 = vector.multi_reduction <maximumf>, %add3A_161, %reduce_max3A_162 [1] : vector<144x144xf32> to vector<144xf32>
    %broadcast_in_dim3A_164 = vector.shape_cast %reduce_max3A_163 : vector<144xf32> to vector<144x1xf32>
    %sub3A_165 = vector.broadcast %broadcast_in_dim3A_164 : vector<144x1xf32> to vector<144x144xf32>
    %sub3A_166 = arith.subf %add3A_161, %sub3A_165 : vector<144x144xf32>
    %exp3A_167 = math.exp %sub3A_166 : vector<144x144xf32>
    %reduce_sum3A_168 = arith.constant dense<0.000000e+00> : vector<144xf32>
    %reduce_sum3A_169 = vector.multi_reduction <add>, %exp3A_167, %reduce_sum3A_168 [1] : vector<144x144xf32> to vector<144xf32>
    %broadcast_in_dim3A_170 = vector.shape_cast %reduce_sum3A_169 : vector<144xf32> to vector<144x1xf32>
    %div3A_171 = vector.broadcast %broadcast_in_dim3A_170 : vector<144x1xf32> to vector<144x144xf32>
    %div3A_172 = arith.divf %exp3A_167, %div3A_171 : vector<144x144xf32>
    %dot_general3A_173 = arith.constant dense<0.000000e+00> : vector<144x64xf32>
    %dot_general3A_174 = tpu.matmul %div3A_172, %slice3A_157, %dot_general3A_173 {dimension_numbers = #tpu.dot_dimension_numbers<[1], [0], [0], [1], [0, 0, 1, 1], [], []>, transpose_lhs_hint = false} : vector<144x144xf32>, vector<144x64xf32>, vector<144x64xf32> -> vector<144x64xf32>
    %slice3A_175 = vector.extract_strided_slice %mul3A_49 {offsets = [0, 384], sizes = [144, 64], strides = [1, 1]} : vector<576x768xf32> to vector<144x64xf32>
    %slice3A_176 = vector.extract_strided_slice %add3A_46 {offsets = [0, 1152], sizes = [144, 64], strides = [1, 1]} : vector<576x2304xf32> to vector<144x64xf32>
    %slice3A_177 = vector.extract_strided_slice %add3A_46 {offsets = [0, 1920], sizes = [144, 64], strides = [1, 1]} : vector<576x2304xf32> to vector<144x64xf32>
    %dot_general3A_178 = arith.constant dense<0.000000e+00> : vector<144x144xf32>
    %dot_general3A_179 = tpu.matmul %slice3A_175, %slice3A_176, %dot_general3A_178 {dimension_numbers = #tpu.dot_dimension_numbers<[1], [1], [0], [0], [0, 0, 1, 0], [], []>, transpose_lhs_hint = false} : vector<144x64xf32>, vector<144x64xf32>, vector<144x144xf32> -> vector<144x144xf32>
    %add3A_180 = vector.broadcast %select_n3A_56 : vector<1x144xf32> to vector<144x144xf32>
    %add3A_181 = arith.addf %dot_general3A_179, %add3A_180 : vector<144x144xf32>
    %reduce_max3A_182 = arith.constant dense<0xFF800000> : vector<144xf32>
    %reduce_max3A_183 = vector.multi_reduction <maximumf>, %add3A_181, %reduce_max3A_182 [1] : vector<144x144xf32> to vector<144xf32>
    %broadcast_in_dim3A_184 = vector.shape_cast %reduce_max3A_183 : vector<144xf32> to vector<144x1xf32>
    %sub3A_185 = vector.broadcast %broadcast_in_dim3A_184 : vector<144x1xf32> to vector<144x144xf32>
    %sub3A_186 = arith.subf %add3A_181, %sub3A_185 : vector<144x144xf32>
    %exp3A_187 = math.exp %sub3A_186 : vector<144x144xf32>
    %reduce_sum3A_188 = arith.constant dense<0.000000e+00> : vector<144xf32>
    %reduce_sum3A_189 = vector.multi_reduction <add>, %exp3A_187, %reduce_sum3A_188 [1] : vector<144x144xf32> to vector<144xf32>
    %broadcast_in_dim3A_190 = vector.shape_cast %reduce_sum3A_189 : vector<144xf32> to vector<144x1xf32>
    %div3A_191 = vector.broadcast %broadcast_in_dim3A_190 : vector<144x1xf32> to vector<144x144xf32>
    %div3A_192 = arith.divf %exp3A_187, %div3A_191 : vector<144x144xf32>
    %dot_general3A_193 = arith.constant dense<0.000000e+00> : vector<144x64xf32>
    %dot_general3A_194 = tpu.matmul %div3A_192, %slice3A_177, %dot_general3A_193 {dimension_numbers = #tpu.dot_dimension_numbers<[1], [0], [0], [1], [0, 0, 1, 1], [], []>, transpose_lhs_hint = false} : vector<144x144xf32>, vector<144x64xf32>, vector<144x64xf32> -> vector<144x64xf32>
    %slice3A_195 = vector.extract_strided_slice %mul3A_49 {offsets = [0, 448], sizes = [144, 64], strides = [1, 1]} : vector<576x768xf32> to vector<144x64xf32>
    %slice3A_196 = vector.extract_strided_slice %add3A_46 {offsets = [0, 1216], sizes = [144, 64], strides = [1, 1]} : vector<576x2304xf32> to vector<144x64xf32>
    %slice3A_197 = vector.extract_strided_slice %add3A_46 {offsets = [0, 1984], sizes = [144, 64], strides = [1, 1]} : vector<576x2304xf32> to vector<144x64xf32>
    %dot_general3A_198 = arith.constant dense<0.000000e+00> : vector<144x144xf32>
    %dot_general3A_199 = tpu.matmul %slice3A_195, %slice3A_196, %dot_general3A_198 {dimension_numbers = #tpu.dot_dimension_numbers<[1], [1], [0], [0], [0, 0, 1, 0], [], []>, transpose_lhs_hint = false} : vector<144x64xf32>, vector<144x64xf32>, vector<144x144xf32> -> vector<144x144xf32>
    %add3A_200 = vector.broadcast %select_n3A_56 : vector<1x144xf32> to vector<144x144xf32>
    %add3A_201 = arith.addf %dot_general3A_199, %add3A_200 : vector<144x144xf32>
    %reduce_max3A_202 = arith.constant dense<0xFF800000> : vector<144xf32>
    %reduce_max3A_203 = vector.multi_reduction <maximumf>, %add3A_201, %reduce_max3A_202 [1] : vector<144x144xf32> to vector<144xf32>
    %broadcast_in_dim3A_204 = vector.shape_cast %reduce_max3A_203 : vector<144xf32> to vector<144x1xf32>
    %sub3A_205 = vector.broadcast %broadcast_in_dim3A_204 : vector<144x1xf32> to vector<144x144xf32>
    %sub3A_206 = arith.subf %add3A_201, %sub3A_205 : vector<144x144xf32>
    %exp3A_207 = math.exp %sub3A_206 : vector<144x144xf32>
    %reduce_sum3A_208 = arith.constant dense<0.000000e+00> : vector<144xf32>
    %reduce_sum3A_209 = vector.multi_reduction <add>, %exp3A_207, %reduce_sum3A_208 [1] : vector<144x144xf32> to vector<144xf32>
    %broadcast_in_dim3A_210 = vector.shape_cast %reduce_sum3A_209 : vector<144xf32> to vector<144x1xf32>
    %div3A_211 = vector.broadcast %broadcast_in_dim3A_210 : vector<144x1xf32> to vector<144x144xf32>
    %div3A_212 = arith.divf %exp3A_207, %div3A_211 : vector<144x144xf32>
    %dot_general3A_213 = arith.constant dense<0.000000e+00> : vector<144x64xf32>
    %dot_general3A_214 = tpu.matmul %div3A_212, %slice3A_197, %dot_general3A_213 {dimension_numbers = #tpu.dot_dimension_numbers<[1], [0], [0], [1], [0, 0, 1, 1], [], []>, transpose_lhs_hint = false} : vector<144x144xf32>, vector<144x64xf32>, vector<144x64xf32> -> vector<144x64xf32>
    %slice3A_215 = vector.extract_strided_slice %mul3A_49 {offsets = [0, 512], sizes = [144, 64], strides = [1, 1]} : vector<576x768xf32> to vector<144x64xf32>
    %slice3A_216 = vector.extract_strided_slice %add3A_46 {offsets = [0, 1280], sizes = [144, 64], strides = [1, 1]} : vector<576x2304xf32> to vector<144x64xf32>
    %slice3A_217 = vector.extract_strided_slice %add3A_46 {offsets = [0, 2048], sizes = [144, 64], strides = [1, 1]} : vector<576x2304xf32> to vector<144x64xf32>
    %dot_general3A_218 = arith.constant dense<0.000000e+00> : vector<144x144xf32>
    %dot_general3A_219 = tpu.matmul %slice3A_215, %slice3A_216, %dot_general3A_218 {dimension_numbers = #tpu.dot_dimension_numbers<[1], [1], [0], [0], [0, 0, 1, 0], [], []>, transpose_lhs_hint = false} : vector<144x64xf32>, vector<144x64xf32>, vector<144x144xf32> -> vector<144x144xf32>
    %add3A_220 = vector.broadcast %select_n3A_56 : vector<1x144xf32> to vector<144x144xf32>
    %add3A_221 = arith.addf %dot_general3A_219, %add3A_220 : vector<144x144xf32>
    %reduce_max3A_222 = arith.constant dense<0xFF800000> : vector<144xf32>
    %reduce_max3A_223 = vector.multi_reduction <maximumf>, %add3A_221, %reduce_max3A_222 [1] : vector<144x144xf32> to vector<144xf32>
    %broadcast_in_dim3A_224 = vector.shape_cast %reduce_max3A_223 : vector<144xf32> to vector<144x1xf32>
    %sub3A_225 = vector.broadcast %broadcast_in_dim3A_224 : vector<144x1xf32> to vector<144x144xf32>
    %sub3A_226 = arith.subf %add3A_221, %sub3A_225 : vector<144x144xf32>
    %exp3A_227 = math.exp %sub3A_226 : vector<144x144xf32>
    %reduce_sum3A_228 = arith.constant dense<0.000000e+00> : vector<144xf32>
    %reduce_sum3A_229 = vector.multi_reduction <add>, %exp3A_227, %reduce_sum3A_228 [1] : vector<144x144xf32> to vector<144xf32>
    %broadcast_in_dim3A_230 = vector.shape_cast %reduce_sum3A_229 : vector<144xf32> to vector<144x1xf32>
    %div3A_231 = vector.broadcast %broadcast_in_dim3A_230 : vector<144x1xf32> to vector<144x144xf32>
    %div3A_232 = arith.divf %exp3A_227, %div3A_231 : vector<144x144xf32>
    %dot_general3A_233 = arith.constant dense<0.000000e+00> : vector<144x64xf32>
    %dot_general3A_234 = tpu.matmul %div3A_232, %slice3A_217, %dot_general3A_233 {dimension_numbers = #tpu.dot_dimension_numbers<[1], [0], [0], [1], [0, 0, 1, 1], [], []>, transpose_lhs_hint = false} : vector<144x144xf32>, vector<144x64xf32>, vector<144x64xf32> -> vector<144x64xf32>
    %slice3A_235 = vector.extract_strided_slice %mul3A_49 {offsets = [0, 576], sizes = [144, 64], strides = [1, 1]} : vector<576x768xf32> to vector<144x64xf32>
    %slice3A_236 = vector.extract_strided_slice %add3A_46 {offsets = [0, 1344], sizes = [144, 64], strides = [1, 1]} : vector<576x2304xf32> to vector<144x64xf32>
    %slice3A_237 = vector.extract_strided_slice %add3A_46 {offsets = [0, 2112], sizes = [144, 64], strides = [1, 1]} : vector<576x2304xf32> to vector<144x64xf32>
    %dot_general3A_238 = arith.constant dense<0.000000e+00> : vector<144x144xf32>
    %dot_general3A_239 = tpu.matmul %slice3A_235, %slice3A_236, %dot_general3A_238 {dimension_numbers = #tpu.dot_dimension_numbers<[1], [1], [0], [0], [0, 0, 1, 0], [], []>, transpose_lhs_hint = false} : vector<144x64xf32>, vector<144x64xf32>, vector<144x144xf32> -> vector<144x144xf32>
    %add3A_240 = vector.broadcast %select_n3A_56 : vector<1x144xf32> to vector<144x144xf32>
    %add3A_241 = arith.addf %dot_general3A_239, %add3A_240 : vector<144x144xf32>
    %reduce_max3A_242 = arith.constant dense<0xFF800000> : vector<144xf32>
    %reduce_max3A_243 = vector.multi_reduction <maximumf>, %add3A_241, %reduce_max3A_242 [1] : vector<144x144xf32> to vector<144xf32>
    %broadcast_in_dim3A_244 = vector.shape_cast %reduce_max3A_243 : vector<144xf32> to vector<144x1xf32>
    %sub3A_245 = vector.broadcast %broadcast_in_dim3A_244 : vector<144x1xf32> to vector<144x144xf32>
    %sub3A_246 = arith.subf %add3A_241, %sub3A_245 : vector<144x144xf32>
    %exp3A_247 = math.exp %sub3A_246 : vector<144x144xf32>
    %reduce_sum3A_248 = arith.constant dense<0.000000e+00> : vector<144xf32>
    %reduce_sum3A_249 = vector.multi_reduction <add>, %exp3A_247, %reduce_sum3A_248 [1] : vector<144x144xf32> to vector<144xf32>
    %broadcast_in_dim3A_250 = vector.shape_cast %reduce_sum3A_249 : vector<144xf32> to vector<144x1xf32>
    %div3A_251 = vector.broadcast %broadcast_in_dim3A_250 : vector<144x1xf32> to vector<144x144xf32>
    %div3A_252 = arith.divf %exp3A_247, %div3A_251 : vector<144x144xf32>
    %dot_general3A_253 = arith.constant dense<0.000000e+00> : vector<144x64xf32>
    %dot_general3A_254 = tpu.matmul %div3A_252, %slice3A_237, %dot_general3A_253 {dimension_numbers = #tpu.dot_dimension_numbers<[1], [0], [0], [1], [0, 0, 1, 1], [], []>, transpose_lhs_hint = false} : vector<144x144xf32>, vector<144x64xf32>, vector<144x64xf32> -> vector<144x64xf32>
    %slice3A_255 = vector.extract_strided_slice %mul3A_49 {offsets = [0, 640], sizes = [144, 64], strides = [1, 1]} : vector<576x768xf32> to vector<144x64xf32>
    %slice3A_256 = vector.extract_strided_slice %add3A_46 {offsets = [0, 1408], sizes = [144, 64], strides = [1, 1]} : vector<576x2304xf32> to vector<144x64xf32>
    %slice3A_257 = vector.extract_strided_slice %add3A_46 {offsets = [0, 2176], sizes = [144, 64], strides = [1, 1]} : vector<576x2304xf32> to vector<144x64xf32>
    %dot_general3A_258 = arith.constant dense<0.000000e+00> : vector<144x144xf32>
    %dot_general3A_259 = tpu.matmul %slice3A_255, %slice3A_256, %dot_general3A_258 {dimension_numbers = #tpu.dot_dimension_numbers<[1], [1], [0], [0], [0, 0, 1, 0], [], []>, transpose_lhs_hint = false} : vector<144x64xf32>, vector<144x64xf32>, vector<144x144xf32> -> vector<144x144xf32>
    %add3A_260 = vector.broadcast %select_n3A_56 : vector<1x144xf32> to vector<144x144xf32>
    %add3A_261 = arith.addf %dot_general3A_259, %add3A_260 : vector<144x144xf32>
    %reduce_max3A_262 = arith.constant dense<0xFF800000> : vector<144xf32>
    %reduce_max3A_263 = vector.multi_reduction <maximumf>, %add3A_261, %reduce_max3A_262 [1] : vector<144x144xf32> to vector<144xf32>
    %broadcast_in_dim3A_264 = vector.shape_cast %reduce_max3A_263 : vector<144xf32> to vector<144x1xf32>
    %sub3A_265 = vector.broadcast %broadcast_in_dim3A_264 : vector<144x1xf32> to vector<144x144xf32>
    %sub3A_266 = arith.subf %add3A_261, %sub3A_265 : vector<144x144xf32>
    %exp3A_267 = math.exp %sub3A_266 : vector<144x144xf32>
    %reduce_sum3A_268 = arith.constant dense<0.000000e+00> : vector<144xf32>
    %reduce_sum3A_269 = vector.multi_reduction <add>, %exp3A_267, %reduce_sum3A_268 [1] : vector<144x144xf32> to vector<144xf32>
    %broadcast_in_dim3A_270 = vector.shape_cast %reduce_sum3A_269 : vector<144xf32> to vector<144x1xf32>
    %div3A_271 = vector.broadcast %broadcast_in_dim3A_270 : vector<144x1xf32> to vector<144x144xf32>
    %div3A_272 = arith.divf %exp3A_267, %div3A_271 : vector<144x144xf32>
    %dot_general3A_273 = arith.constant dense<0.000000e+00> : vector<144x64xf32>
    %dot_general3A_274 = tpu.matmul %div3A_272, %slice3A_257, %dot_general3A_273 {dimension_numbers = #tpu.dot_dimension_numbers<[1], [0], [0], [1], [0, 0, 1, 1], [], []>, transpose_lhs_hint = false} : vector<144x144xf32>, vector<144x64xf32>, vector<144x64xf32> -> vector<144x64xf32>
    %slice3A_275 = vector.extract_strided_slice %mul3A_49 {offsets = [0, 704], sizes = [144, 64], strides = [1, 1]} : vector<576x768xf32> to vector<144x64xf32>
    %slice3A_276 = vector.extract_strided_slice %add3A_46 {offsets = [0, 1472], sizes = [144, 64], strides = [1, 1]} : vector<576x2304xf32> to vector<144x64xf32>
    %slice3A_277 = vector.extract_strided_slice %add3A_46 {offsets = [0, 2240], sizes = [144, 64], strides = [1, 1]} : vector<576x2304xf32> to vector<144x64xf32>
    %dot_general3A_278 = arith.constant dense<0.000000e+00> : vector<144x144xf32>
    %dot_general3A_279 = tpu.matmul %slice3A_275, %slice3A_276, %dot_general3A_278 {dimension_numbers = #tpu.dot_dimension_numbers<[1], [1], [0], [0], [0, 0, 1, 0], [], []>, transpose_lhs_hint = false} : vector<144x64xf32>, vector<144x64xf32>, vector<144x144xf32> -> vector<144x144xf32>
    %add3A_280 = vector.broadcast %select_n3A_56 : vector<1x144xf32> to vector<144x144xf32>
    %add3A_281 = arith.addf %dot_general3A_279, %add3A_280 : vector<144x144xf32>
    %reduce_max3A_282 = arith.constant dense<0xFF800000> : vector<144xf32>
    %reduce_max3A_283 = vector.multi_reduction <maximumf>, %add3A_281, %reduce_max3A_282 [1] : vector<144x144xf32> to vector<144xf32>
    %broadcast_in_dim3A_284 = vector.shape_cast %reduce_max3A_283 : vector<144xf32> to vector<144x1xf32>
    %sub3A_285 = vector.broadcast %broadcast_in_dim3A_284 : vector<144x1xf32> to vector<144x144xf32>
    %sub3A_286 = arith.subf %add3A_281, %sub3A_285 : vector<144x144xf32>
    %exp3A_287 = math.exp %sub3A_286 : vector<144x144xf32>
    %reduce_sum3A_288 = arith.constant dense<0.000000e+00> : vector<144xf32>
    %reduce_sum3A_289 = vector.multi_reduction <add>, %exp3A_287, %reduce_sum3A_288 [1] : vector<144x144xf32> to vector<144xf32>
    %broadcast_in_dim3A_290 = vector.shape_cast %reduce_sum3A_289 : vector<144xf32> to vector<144x1xf32>
    %div3A_291 = vector.broadcast %broadcast_in_dim3A_290 : vector<144x1xf32> to vector<144x144xf32>
    %div3A_292 = arith.divf %exp3A_287, %div3A_291 : vector<144x144xf32>
    %dot_general3A_293 = arith.constant dense<0.000000e+00> : vector<144x64xf32>
    %dot_general3A_294 = tpu.matmul %div3A_292, %slice3A_277, %dot_general3A_293 {dimension_numbers = #tpu.dot_dimension_numbers<[1], [0], [0], [1], [0, 0, 1, 1], [], []>, transpose_lhs_hint = false} : vector<144x144xf32>, vector<144x64xf32>, vector<144x64xf32> -> vector<144x64xf32>
    %concatenate3A = tpu.concatenate %dot_general3A_74, %dot_general3A_94, %dot_general3A_114, %dot_general3A_134, %dot_general3A_154, %dot_general3A_174, %dot_general3A_194, %dot_general3A_214, %dot_general3A_234, %dot_general3A_254, %dot_general3A_274, %dot_general3A_294 in 1 : vector<144x64xf32>, vector<144x64xf32>, vector<144x64xf32>, vector<144x64xf32>, vector<144x64xf32>, vector<144x64xf32>, vector<144x64xf32>, vector<144x64xf32>, vector<144x64xf32>, vector<144x64xf32>, vector<144x64xf32>, vector<144x64xf32> -> vector<144x768xf32>
    %slice3A_295 = vector.extract_strided_slice %mul3A_49 {offsets = [144, 0], sizes = [144, 64], strides = [1, 1]} : vector<576x768xf32> to vector<144x64xf32>
    %slice3A_296 = vector.extract_strided_slice %add3A_46 {offsets = [144, 768], sizes = [144, 64], strides = [1, 1]} : vector<576x2304xf32> to vector<144x64xf32>
    %slice3A_297 = vector.extract_strided_slice %add3A_46 {offsets = [144, 1536], sizes = [144, 64], strides = [1, 1]} : vector<576x2304xf32> to vector<144x64xf32>
    %dot_general3A_298 = arith.constant dense<0.000000e+00> : vector<144x144xf32>
    %dot_general3A_299 = tpu.matmul %slice3A_295, %slice3A_296, %dot_general3A_298 {dimension_numbers = #tpu.dot_dimension_numbers<[1], [1], [0], [0], [0, 0, 1, 0], [], []>, transpose_lhs_hint = false} : vector<144x64xf32>, vector<144x64xf32>, vector<144x144xf32> -> vector<144x144xf32>
    %add3A_300 = vector.broadcast %select_n3A_56 : vector<1x144xf32> to vector<144x144xf32>
    %add3A_301 = arith.addf %dot_general3A_299, %add3A_300 : vector<144x144xf32>
    %reduce_max3A_302 = arith.constant dense<0xFF800000> : vector<144xf32>
    %reduce_max3A_303 = vector.multi_reduction <maximumf>, %add3A_301, %reduce_max3A_302 [1] : vector<144x144xf32> to vector<144xf32>
    %broadcast_in_dim3A_304 = vector.shape_cast %reduce_max3A_303 : vector<144xf32> to vector<144x1xf32>
    %sub3A_305 = vector.broadcast %broadcast_in_dim3A_304 : vector<144x1xf32> to vector<144x144xf32>
    %sub3A_306 = arith.subf %add3A_301, %sub3A_305 : vector<144x144xf32>
    %exp3A_307 = math.exp %sub3A_306 : vector<144x144xf32>
    %reduce_sum3A_308 = arith.constant dense<0.000000e+00> : vector<144xf32>
    %reduce_sum3A_309 = vector.multi_reduction <add>, %exp3A_307, %reduce_sum3A_308 [1] : vector<144x144xf32> to vector<144xf32>
    %broadcast_in_dim3A_310 = vector.shape_cast %reduce_sum3A_309 : vector<144xf32> to vector<144x1xf32>
    %div3A_311 = vector.broadcast %broadcast_in_dim3A_310 : vector<144x1xf32> to vector<144x144xf32>
    %div3A_312 = arith.divf %exp3A_307, %div3A_311 : vector<144x144xf32>
    %dot_general3A_313 = arith.constant dense<0.000000e+00> : vector<144x64xf32>
    %dot_general3A_314 = tpu.matmul %div3A_312, %slice3A_297, %dot_general3A_313 {dimension_numbers = #tpu.dot_dimension_numbers<[1], [0], [0], [1], [0, 0, 1, 1], [], []>, transpose_lhs_hint = false} : vector<144x144xf32>, vector<144x64xf32>, vector<144x64xf32> -> vector<144x64xf32>
    %slice3A_315 = vector.extract_strided_slice %mul3A_49 {offsets = [144, 64], sizes = [144, 64], strides = [1, 1]} : vector<576x768xf32> to vector<144x64xf32>
    %slice3A_316 = vector.extract_strided_slice %add3A_46 {offsets = [144, 832], sizes = [144, 64], strides = [1, 1]} : vector<576x2304xf32> to vector<144x64xf32>
    %slice3A_317 = vector.extract_strided_slice %add3A_46 {offsets = [144, 1600], sizes = [144, 64], strides = [1, 1]} : vector<576x2304xf32> to vector<144x64xf32>
    %dot_general3A_318 = arith.constant dense<0.000000e+00> : vector<144x144xf32>
    %dot_general3A_319 = tpu.matmul %slice3A_315, %slice3A_316, %dot_general3A_318 {dimension_numbers = #tpu.dot_dimension_numbers<[1], [1], [0], [0], [0, 0, 1, 0], [], []>, transpose_lhs_hint = false} : vector<144x64xf32>, vector<144x64xf32>, vector<144x144xf32> -> vector<144x144xf32>
    %add3A_320 = vector.broadcast %select_n3A_56 : vector<1x144xf32> to vector<144x144xf32>
    %add3A_321 = arith.addf %dot_general3A_319, %add3A_320 : vector<144x144xf32>
    %reduce_max3A_322 = arith.constant dense<0xFF800000> : vector<144xf32>
    %reduce_max3A_323 = vector.multi_reduction <maximumf>, %add3A_321, %reduce_max3A_322 [1] : vector<144x144xf32> to vector<144xf32>
    %broadcast_in_dim3A_324 = vector.shape_cast %reduce_max3A_323 : vector<144xf32> to vector<144x1xf32>
    %sub3A_325 = vector.broadcast %broadcast_in_dim3A_324 : vector<144x1xf32> to vector<144x144xf32>
    %sub3A_326 = arith.subf %add3A_321, %sub3A_325 : vector<144x144xf32>
    %exp3A_327 = math.exp %sub3A_326 : vector<144x144xf32>
    %reduce_sum3A_328 = arith.constant dense<0.000000e+00> : vector<144xf32>
    %reduce_sum3A_329 = vector.multi_reduction <add>, %exp3A_327, %reduce_sum3A_328 [1] : vector<144x144xf32> to vector<144xf32>
    %broadcast_in_dim3A_330 = vector.shape_cast %reduce_sum3A_329 : vector<144xf32> to vector<144x1xf32>
    %div3A_331 = vector.broadcast %broadcast_in_dim3A_330 : vector<144x1xf32> to vector<144x144xf32>
    %div3A_332 = arith.divf %exp3A_327, %div3A_331 : vector<144x144xf32>
    %dot_general3A_333 = arith.constant dense<0.000000e+00> : vector<144x64xf32>
    %dot_general3A_334 = tpu.matmul %div3A_332, %slice3A_317, %dot_general3A_333 {dimension_numbers = #tpu.dot_dimension_numbers<[1], [0], [0], [1], [0, 0, 1, 1], [], []>, transpose_lhs_hint = false} : vector<144x144xf32>, vector<144x64xf32>, vector<144x64xf32> -> vector<144x64xf32>
    %slice3A_335 = vector.extract_strided_slice %mul3A_49 {offsets = [144, 128], sizes = [144, 64], strides = [1, 1]} : vector<576x768xf32> to vector<144x64xf32>
    %slice3A_336 = vector.extract_strided_slice %add3A_46 {offsets = [144, 896], sizes = [144, 64], strides = [1, 1]} : vector<576x2304xf32> to vector<144x64xf32>
    %slice3A_337 = vector.extract_strided_slice %add3A_46 {offsets = [144, 1664], sizes = [144, 64], strides = [1, 1]} : vector<576x2304xf32> to vector<144x64xf32>
    %dot_general3A_338 = arith.constant dense<0.000000e+00> : vector<144x144xf32>
    %dot_general3A_339 = tpu.matmul %slice3A_335, %slice3A_336, %dot_general3A_338 {dimension_numbers = #tpu.dot_dimension_numbers<[1], [1], [0], [0], [0, 0, 1, 0], [], []>, transpose_lhs_hint = false} : vector<144x64xf32>, vector<144x64xf32>, vector<144x144xf32> -> vector<144x144xf32>
    %add3A_340 = vector.broadcast %select_n3A_56 : vector<1x144xf32> to vector<144x144xf32>
    %add3A_341 = arith.addf %dot_general3A_339, %add3A_340 : vector<144x144xf32>
    %reduce_max3A_342 = arith.constant dense<0xFF800000> : vector<144xf32>
    %reduce_max3A_343 = vector.multi_reduction <maximumf>, %add3A_341, %reduce_max3A_342 [1] : vector<144x144xf32> to vector<144xf32>
    %broadcast_in_dim3A_344 = vector.shape_cast %reduce_max3A_343 : vector<144xf32> to vector<144x1xf32>
    %sub3A_345 = vector.broadcast %broadcast_in_dim3A_344 : vector<144x1xf32> to vector<144x144xf32>
    %sub3A_346 = arith.subf %add3A_341, %sub3A_345 : vector<144x144xf32>
    %exp3A_347 = math.exp %sub3A_346 : vector<144x144xf32>
    %reduce_sum3A_348 = arith.constant dense<0.000000e+00> : vector<144xf32>
    %reduce_sum3A_349 = vector.multi_reduction <add>, %exp3A_347, %reduce_sum3A_348 [1] : vector<144x144xf32> to vector<144xf32>
    %broadcast_in_dim3A_350 = vector.shape_cast %reduce_sum3A_349 : vector<144xf32> to vector<144x1xf32>
    %div3A_351 = vector.broadcast %broadcast_in_dim3A_350 : vector<144x1xf32> to vector<144x144xf32>
    %div3A_352 = arith.divf %exp3A_347, %div3A_351 : vector<144x144xf32>
    %dot_general3A_353 = arith.constant dense<0.000000e+00> : vector<144x64xf32>
    %dot_general3A_354 = tpu.matmul %div3A_352, %slice3A_337, %dot_general3A_353 {dimension_numbers = #tpu.dot_dimension_numbers<[1], [0], [0], [1], [0, 0, 1, 1], [], []>, transpose_lhs_hint = false} : vector<144x144xf32>, vector<144x64xf32>, vector<144x64xf32> -> vector<144x64xf32>
    %slice3A_355 = vector.extract_strided_slice %mul3A_49 {offsets = [144, 192], sizes = [144, 64], strides = [1, 1]} : vector<576x768xf32> to vector<144x64xf32>
    %slice3A_356 = vector.extract_strided_slice %add3A_46 {offsets = [144, 960], sizes = [144, 64], strides = [1, 1]} : vector<576x2304xf32> to vector<144x64xf32>
    %slice3A_357 = vector.extract_strided_slice %add3A_46 {offsets = [144, 1728], sizes = [144, 64], strides = [1, 1]} : vector<576x2304xf32> to vector<144x64xf32>
    %dot_general3A_358 = arith.constant dense<0.000000e+00> : vector<144x144xf32>
    %dot_general3A_359 = tpu.matmul %slice3A_355, %slice3A_356, %dot_general3A_358 {dimension_numbers = #tpu.dot_dimension_numbers<[1], [1], [0], [0], [0, 0, 1, 0], [], []>, transpose_lhs_hint = false} : vector<144x64xf32>, vector<144x64xf32>, vector<144x144xf32> -> vector<144x144xf32>
    %add3A_360 = vector.broadcast %select_n3A_56 : vector<1x144xf32> to vector<144x144xf32>
    %add3A_361 = arith.addf %dot_general3A_359, %add3A_360 : vector<144x144xf32>
    %reduce_max3A_362 = arith.constant dense<0xFF800000> : vector<144xf32>
    %reduce_max3A_363 = vector.multi_reduction <maximumf>, %add3A_361, %reduce_max3A_362 [1] : vector<144x144xf32> to vector<144xf32>
    %broadcast_in_dim3A_364 = vector.shape_cast %reduce_max3A_363 : vector<144xf32> to vector<144x1xf32>
    %sub3A_365 = vector.broadcast %broadcast_in_dim3A_364 : vector<144x1xf32> to vector<144x144xf32>
    %sub3A_366 = arith.subf %add3A_361, %sub3A_365 : vector<144x144xf32>
    %exp3A_367 = math.exp %sub3A_366 : vector<144x144xf32>
    %reduce_sum3A_368 = arith.constant dense<0.000000e+00> : vector<144xf32>
    %reduce_sum3A_369 = vector.multi_reduction <add>, %exp3A_367, %reduce_sum3A_368 [1] : vector<144x144xf32> to vector<144xf32>
    %broadcast_in_dim3A_370 = vector.shape_cast %reduce_sum3A_369 : vector<144xf32> to vector<144x1xf32>
    %div3A_371 = vector.broadcast %broadcast_in_dim3A_370 : vector<144x1xf32> to vector<144x144xf32>
    %div3A_372 = arith.divf %exp3A_367, %div3A_371 : vector<144x144xf32>
    %dot_general3A_373 = arith.constant dense<0.000000e+00> : vector<144x64xf32>
    %dot_general3A_374 = tpu.matmul %div3A_372, %slice3A_357, %dot_general3A_373 {dimension_numbers = #tpu.dot_dimension_numbers<[1], [0], [0], [1], [0, 0, 1, 1], [], []>, transpose_lhs_hint = false} : vector<144x144xf32>, vector<144x64xf32>, vector<144x64xf32> -> vector<144x64xf32>
    %slice3A_375 = vector.extract_strided_slice %mul3A_49 {offsets = [144, 256], sizes = [144, 64], strides = [1, 1]} : vector<576x768xf32> to vector<144x64xf32>
    %slice3A_376 = vector.extract_strided_slice %add3A_46 {offsets = [144, 1024], sizes = [144, 64], strides = [1, 1]} : vector<576x2304xf32> to vector<144x64xf32>
    %slice3A_377 = vector.extract_strided_slice %add3A_46 {offsets = [144, 1792], sizes = [144, 64], strides = [1, 1]} : vector<576x2304xf32> to vector<144x64xf32>
    %dot_general3A_378 = arith.constant dense<0.000000e+00> : vector<144x144xf32>
    %dot_general3A_379 = tpu.matmul %slice3A_375, %slice3A_376, %dot_general3A_378 {dimension_numbers = #tpu.dot_dimension_numbers<[1], [1], [0], [0], [0, 0, 1, 0], [], []>, transpose_lhs_hint = false} : vector<144x64xf32>, vector<144x64xf32>, vector<144x144xf32> -> vector<144x144xf32>
    %add3A_380 = vector.broadcast %select_n3A_56 : vector<1x144xf32> to vector<144x144xf32>
    %add3A_381 = arith.addf %dot_general3A_379, %add3A_380 : vector<144x144xf32>
    %reduce_max3A_382 = arith.constant dense<0xFF800000> : vector<144xf32>
    %reduce_max3A_383 = vector.multi_reduction <maximumf>, %add3A_381, %reduce_max3A_382 [1] : vector<144x144xf32> to vector<144xf32>
    %broadcast_in_dim3A_384 = vector.shape_cast %reduce_max3A_383 : vector<144xf32> to vector<144x1xf32>
    %sub3A_385 = vector.broadcast %broadcast_in_dim3A_384 : vector<144x1xf32> to vector<144x144xf32>
    %sub3A_386 = arith.subf %add3A_381, %sub3A_385 : vector<144x144xf32>
    %exp3A_387 = math.exp %sub3A_386 : vector<144x144xf32>
    %reduce_sum3A_388 = arith.constant dense<0.000000e+00> : vector<144xf32>
    %reduce_sum3A_389 = vector.multi_reduction <add>, %exp3A_387, %reduce_sum3A_388 [1] : vector<144x144xf32> to vector<144xf32>
    %broadcast_in_dim3A_390 = vector.shape_cast %reduce_sum3A_389 : vector<144xf32> to vector<144x1xf32>
    %div3A_391 = vector.broadcast %broadcast_in_dim3A_390 : vector<144x1xf32> to vector<144x144xf32>
    %div3A_392 = arith.divf %exp3A_387, %div3A_391 : vector<144x144xf32>
    %dot_general3A_393 = arith.constant dense<0.000000e+00> : vector<144x64xf32>
    %dot_general3A_394 = tpu.matmul %div3A_392, %slice3A_377, %dot_general3A_393 {dimension_numbers = #tpu.dot_dimension_numbers<[1], [0], [0], [1], [0, 0, 1, 1], [], []>, transpose_lhs_hint = false} : vector<144x144xf32>, vector<144x64xf32>, vector<144x64xf32> -> vector<144x64xf32>
    %slice3A_395 = vector.extract_strided_slice %mul3A_49 {offsets = [144, 320], sizes = [144, 64], strides = [1, 1]} : vector<576x768xf32> to vector<144x64xf32>
    %slice3A_396 = vector.extract_strided_slice %add3A_46 {offsets = [144, 1088], sizes = [144, 64], strides = [1, 1]} : vector<576x2304xf32> to vector<144x64xf32>
    %slice3A_397 = vector.extract_strided_slice %add3A_46 {offsets = [144, 1856], sizes = [144, 64], strides = [1, 1]} : vector<576x2304xf32> to vector<144x64xf32>
    %dot_general3A_398 = arith.constant dense<0.000000e+00> : vector<144x144xf32>
    %dot_general3A_399 = tpu.matmul %slice3A_395, %slice3A_396, %dot_general3A_398 {dimension_numbers = #tpu.dot_dimension_numbers<[1], [1], [0], [0], [0, 0, 1, 0], [], []>, transpose_lhs_hint = false} : vector<144x64xf32>, vector<144x64xf32>, vector<144x144xf32> -> vector<144x144xf32>
    %add3A_400 = vector.broadcast %select_n3A_56 : vector<1x144xf32> to vector<144x144xf32>
    %add3A_401 = arith.addf %dot_general3A_399, %add3A_400 : vector<144x144xf32>
    %reduce_max3A_402 = arith.constant dense<0xFF800000> : vector<144xf32>
    %reduce_max3A_403 = vector.multi_reduction <maximumf>, %add3A_401, %reduce_max3A_402 [1] : vector<144x144xf32> to vector<144xf32>
    %broadcast_in_dim3A_404 = vector.shape_cast %reduce_max3A_403 : vector<144xf32> to vector<144x1xf32>
    %sub3A_405 = vector.broadcast %broadcast_in_dim3A_404 : vector<144x1xf32> to vector<144x144xf32>
    %sub3A_406 = arith.subf %add3A_401, %sub3A_405 : vector<144x144xf32>
    %exp3A_407 = math.exp %sub3A_406 : vector<144x144xf32>
    %reduce_sum3A_408 = arith.constant dense<0.000000e+00> : vector<144xf32>
    %reduce_sum3A_409 = vector.multi_reduction <add>, %exp3A_407, %reduce_sum3A_408 [1] : vector<144x144xf32> to vector<144xf32>
    %broadcast_in_dim3A_410 = vector.shape_cast %reduce_sum3A_409 : vector<144xf32> to vector<144x1xf32>
    %div3A_411 = vector.broadcast %broadcast_in_dim3A_410 : vector<144x1xf32> to vector<144x144xf32>
    %div3A_412 = arith.divf %exp3A_407, %div3A_411 : vector<144x144xf32>
    %dot_general3A_413 = arith.constant dense<0.000000e+00> : vector<144x64xf32>
    %dot_general3A_414 = tpu.matmul %div3A_412, %slice3A_397, %dot_general3A_413 {dimension_numbers = #tpu.dot_dimension_numbers<[1], [0], [0], [1], [0, 0, 1, 1], [], []>, transpose_lhs_hint = false} : vector<144x144xf32>, vector<144x64xf32>, vector<144x64xf32> -> vector<144x64xf32>
    %slice3A_415 = vector.extract_strided_slice %mul3A_49 {offsets = [144, 384], sizes = [144, 64], strides = [1, 1]} : vector<576x768xf32> to vector<144x64xf32>
    %slice3A_416 = vector.extract_strided_slice %add3A_46 {offsets = [144, 1152], sizes = [144, 64], strides = [1, 1]} : vector<576x2304xf32> to vector<144x64xf32>
    %slice3A_417 = vector.extract_strided_slice %add3A_46 {offsets = [144, 1920], sizes = [144, 64], strides = [1, 1]} : vector<576x2304xf32> to vector<144x64xf32>
    %dot_general3A_418 = arith.constant dense<0.000000e+00> : vector<144x144xf32>
    %dot_general3A_419 = tpu.matmul %slice3A_415, %slice3A_416, %dot_general3A_418 {dimension_numbers = #tpu.dot_dimension_numbers<[1], [1], [0], [0], [0, 0, 1, 0], [], []>, transpose_lhs_hint = false} : vector<144x64xf32>, vector<144x64xf32>, vector<144x144xf32> -> vector<144x144xf32>
    %add3A_420 = vector.broadcast %select_n3A_56 : vector<1x144xf32> to vector<144x144xf32>
    %add3A_421 = arith.addf %dot_general3A_419, %add3A_420 : vector<144x144xf32>
    %reduce_max3A_422 = arith.constant dense<0xFF800000> : vector<144xf32>
    %reduce_max3A_423 = vector.multi_reduction <maximumf>, %add3A_421, %reduce_max3A_422 [1] : vector<144x144xf32> to vector<144xf32>
    %broadcast_in_dim3A_424 = vector.shape_cast %reduce_max3A_423 : vector<144xf32> to vector<144x1xf32>
    %sub3A_425 = vector.broadcast %broadcast_in_dim3A_424 : vector<144x1xf32> to vector<144x144xf32>
    %sub3A_426 = arith.subf %add3A_421, %sub3A_425 : vector<144x144xf32>
    %exp3A_427 = math.exp %sub3A_426 : vector<144x144xf32>
    %reduce_sum3A_428 = arith.constant dense<0.000000e+00> : vector<144xf32>
    %reduce_sum3A_429 = vector.multi_reduction <add>, %exp3A_427, %reduce_sum3A_428 [1] : vector<144x144xf32> to vector<144xf32>
    %broadcast_in_dim3A_430 = vector.shape_cast %reduce_sum3A_429 : vector<144xf32> to vector<144x1xf32>
    %div3A_431 = vector.broadcast %broadcast_in_dim3A_430 : vector<144x1xf32> to vector<144x144xf32>
    %div3A_432 = arith.divf %exp3A_427, %div3A_431 : vector<144x144xf32>
    %dot_general3A_433 = arith.constant dense<0.000000e+00> : vector<144x64xf32>
    %dot_general3A_434 = tpu.matmul %div3A_432, %slice3A_417, %dot_general3A_433 {dimension_numbers = #tpu.dot_dimension_numbers<[1], [0], [0], [1], [0, 0, 1, 1], [], []>, transpose_lhs_hint = false} : vector<144x144xf32>, vector<144x64xf32>, vector<144x64xf32> -> vector<144x64xf32>
    %slice3A_435 = vector.extract_strided_slice %mul3A_49 {offsets = [144, 448], sizes = [144, 64], strides = [1, 1]} : vector<576x768xf32> to vector<144x64xf32>
    %slice3A_436 = vector.extract_strided_slice %add3A_46 {offsets = [144, 1216], sizes = [144, 64], strides = [1, 1]} : vector<576x2304xf32> to vector<144x64xf32>
    %slice3A_437 = vector.extract_strided_slice %add3A_46 {offsets = [144, 1984], sizes = [144, 64], strides = [1, 1]} : vector<576x2304xf32> to vector<144x64xf32>
    %dot_general3A_438 = arith.constant dense<0.000000e+00> : vector<144x144xf32>
    %dot_general3A_439 = tpu.matmul %slice3A_435, %slice3A_436, %dot_general3A_438 {dimension_numbers = #tpu.dot_dimension_numbers<[1], [1], [0], [0], [0, 0, 1, 0], [], []>, transpose_lhs_hint = false} : vector<144x64xf32>, vector<144x64xf32>, vector<144x144xf32> -> vector<144x144xf32>
    %add3A_440 = vector.broadcast %select_n3A_56 : vector<1x144xf32> to vector<144x144xf32>
    %add3A_441 = arith.addf %dot_general3A_439, %add3A_440 : vector<144x144xf32>
    %reduce_max3A_442 = arith.constant dense<0xFF800000> : vector<144xf32>
    %reduce_max3A_443 = vector.multi_reduction <maximumf>, %add3A_441, %reduce_max3A_442 [1] : vector<144x144xf32> to vector<144xf32>
    %broadcast_in_dim3A_444 = vector.shape_cast %reduce_max3A_443 : vector<144xf32> to vector<144x1xf32>
    %sub3A_445 = vector.broadcast %broadcast_in_dim3A_444 : vector<144x1xf32> to vector<144x144xf32>
    %sub3A_446 = arith.subf %add3A_441, %sub3A_445 : vector<144x144xf32>
    %exp3A_447 = math.exp %sub3A_446 : vector<144x144xf32>
    %reduce_sum3A_448 = arith.constant dense<0.000000e+00> : vector<144xf32>
    %reduce_sum3A_449 = vector.multi_reduction <add>, %exp3A_447, %reduce_sum3A_448 [1] : vector<144x144xf32> to vector<144xf32>
    %broadcast_in_dim3A_450 = vector.shape_cast %reduce_sum3A_449 : vector<144xf32> to vector<144x1xf32>
    %div3A_451 = vector.broadcast %broadcast_in_dim3A_450 : vector<144x1xf32> to vector<144x144xf32>
    %div3A_452 = arith.divf %exp3A_447, %div3A_451 : vector<144x144xf32>
    %dot_general3A_453 = arith.constant dense<0.000000e+00> : vector<144x64xf32>
    %dot_general3A_454 = tpu.matmul %div3A_452, %slice3A_437, %dot_general3A_453 {dimension_numbers = #tpu.dot_dimension_numbers<[1], [0], [0], [1], [0, 0, 1, 1], [], []>, transpose_lhs_hint = false} : vector<144x144xf32>, vector<144x64xf32>, vector<144x64xf32> -> vector<144x64xf32>
    %slice3A_455 = vector.extract_strided_slice %mul3A_49 {offsets = [144, 512], sizes = [144, 64], strides = [1, 1]} : vector<576x768xf32> to vector<144x64xf32>
    %slice3A_456 = vector.extract_strided_slice %add3A_46 {offsets = [144, 1280], sizes = [144, 64], strides = [1, 1]} : vector<576x2304xf32> to vector<144x64xf32>
    %slice3A_457 = vector.extract_strided_slice %add3A_46 {offsets = [144, 2048], sizes = [144, 64], strides = [1, 1]} : vector<576x2304xf32> to vector<144x64xf32>
    %dot_general3A_458 = arith.constant dense<0.000000e+00> : vector<144x144xf32>
    %dot_general3A_459 = tpu.matmul %slice3A_455, %slice3A_456, %dot_general3A_458 {dimension_numbers = #tpu.dot_dimension_numbers<[1], [1], [0], [0], [0, 0, 1, 0], [], []>, transpose_lhs_hint = false} : vector<144x64xf32>, vector<144x64xf32>, vector<144x144xf32> -> vector<144x144xf32>
    %add3A_460 = vector.broadcast %select_n3A_56 : vector<1x144xf32> to vector<144x144xf32>
    %add3A_461 = arith.addf %dot_general3A_459, %add3A_460 : vector<144x144xf32>
    %reduce_max3A_462 = arith.constant dense<0xFF800000> : vector<144xf32>
    %reduce_max3A_463 = vector.multi_reduction <maximumf>, %add3A_461, %reduce_max3A_462 [1] : vector<144x144xf32> to vector<144xf32>
    %broadcast_in_dim3A_464 = vector.shape_cast %reduce_max3A_463 : vector<144xf32> to vector<144x1xf32>
    %sub3A_465 = vector.broadcast %broadcast_in_dim3A_464 : vector<144x1xf32> to vector<144x144xf32>
    %sub3A_466 = arith.subf %add3A_461, %sub3A_465 : vector<144x144xf32>
    %exp3A_467 = math.exp %sub3A_466 : vector<144x144xf32>
    %reduce_sum3A_468 = arith.constant dense<0.000000e+00> : vector<144xf32>
    %reduce_sum3A_469 = vector.multi_reduction <add>, %exp3A_467, %reduce_sum3A_468 [1] : vector<144x144xf32> to vector<144xf32>
    %broadcast_in_dim3A_470 = vector.shape_cast %reduce_sum3A_469 : vector<144xf32> to vector<144x1xf32>
    %div3A_471 = vector.broadcast %broadcast_in_dim3A_470 : vector<144x1xf32> to vector<144x144xf32>
    %div3A_472 = arith.divf %exp3A_467, %div3A_471 : vector<144x144xf32>
    %dot_general3A_473 = arith.constant dense<0.000000e+00> : vector<144x64xf32>
    %dot_general3A_474 = tpu.matmul %div3A_472, %slice3A_457, %dot_general3A_473 {dimension_numbers = #tpu.dot_dimension_numbers<[1], [0], [0], [1], [0, 0, 1, 1], [], []>, transpose_lhs_hint = false} : vector<144x144xf32>, vector<144x64xf32>, vector<144x64xf32> -> vector<144x64xf32>
    %slice3A_475 = vector.extract_strided_slice %mul3A_49 {offsets = [144, 576], sizes = [144, 64], strides = [1, 1]} : vector<576x768xf32> to vector<144x64xf32>
    %slice3A_476 = vector.extract_strided_slice %add3A_46 {offsets = [144, 1344], sizes = [144, 64], strides = [1, 1]} : vector<576x2304xf32> to vector<144x64xf32>
    %slice3A_477 = vector.extract_strided_slice %add3A_46 {offsets = [144, 2112], sizes = [144, 64], strides = [1, 1]} : vector<576x2304xf32> to vector<144x64xf32>
    %dot_general3A_478 = arith.constant dense<0.000000e+00> : vector<144x144xf32>
    %dot_general3A_479 = tpu.matmul %slice3A_475, %slice3A_476, %dot_general3A_478 {dimension_numbers = #tpu.dot_dimension_numbers<[1], [1], [0], [0], [0, 0, 1, 0], [], []>, transpose_lhs_hint = false} : vector<144x64xf32>, vector<144x64xf32>, vector<144x144xf32> -> vector<144x144xf32>
    %add3A_480 = vector.broadcast %select_n3A_56 : vector<1x144xf32> to vector<144x144xf32>
    %add3A_481 = arith.addf %dot_general3A_479, %add3A_480 : vector<144x144xf32>
    %reduce_max3A_482 = arith.constant dense<0xFF800000> : vector<144xf32>
    %reduce_max3A_483 = vector.multi_reduction <maximumf>, %add3A_481, %reduce_max3A_482 [1] : vector<144x144xf32> to vector<144xf32>
    %broadcast_in_dim3A_484 = vector.shape_cast %reduce_max3A_483 : vector<144xf32> to vector<144x1xf32>
    %sub3A_485 = vector.broadcast %broadcast_in_dim3A_484 : vector<144x1xf32> to vector<144x144xf32>
    %sub3A_486 = arith.subf %add3A_481, %sub3A_485 : vector<144x144xf32>
    %exp3A_487 = math.exp %sub3A_486 : vector<144x144xf32>
    %reduce_sum3A_488 = arith.constant dense<0.000000e+00> : vector<144xf32>
    %reduce_sum3A_489 = vector.multi_reduction <add>, %exp3A_487, %reduce_sum3A_488 [1] : vector<144x144xf32> to vector<144xf32>
    %broadcast_in_dim3A_490 = vector.shape_cast %reduce_sum3A_489 : vector<144xf32> to vector<144x1xf32>
    %div3A_491 = vector.broadcast %broadcast_in_dim3A_490 : vector<144x1xf32> to vector<144x144xf32>
    %div3A_492 = arith.divf %exp3A_487, %div3A_491 : vector<144x144xf32>
    %dot_general3A_493 = arith.constant dense<0.000000e+00> : vector<144x64xf32>
    %dot_general3A_494 = tpu.matmul %div3A_492, %slice3A_477, %dot_general3A_493 {dimension_numbers = #tpu.dot_dimension_numbers<[1], [0], [0], [1], [0, 0, 1, 1], [], []>, transpose_lhs_hint = false} : vector<144x144xf32>, vector<144x64xf32>, vector<144x64xf32> -> vector<144x64xf32>
    %slice3A_495 = vector.extract_strided_slice %mul3A_49 {offsets = [144, 640], sizes = [144, 64], strides = [1, 1]} : vector<576x768xf32> to vector<144x64xf32>
    %slice3A_496 = vector.extract_strided_slice %add3A_46 {offsets = [144, 1408], sizes = [144, 64], strides = [1, 1]} : vector<576x2304xf32> to vector<144x64xf32>
    %slice3A_497 = vector.extract_strided_slice %add3A_46 {offsets = [144, 2176], sizes = [144, 64], strides = [1, 1]} : vector<576x2304xf32> to vector<144x64xf32>
    %dot_general3A_498 = arith.constant dense<0.000000e+00> : vector<144x144xf32>
    %dot_general3A_499 = tpu.matmul %slice3A_495, %slice3A_496, %dot_general3A_498 {dimension_numbers = #tpu.dot_dimension_numbers<[1], [1], [0], [0], [0, 0, 1, 0], [], []>, transpose_lhs_hint = false} : vector<144x64xf32>, vector<144x64xf32>, vector<144x144xf32> -> vector<144x144xf32>
    %add3A_500 = vector.broadcast %select_n3A_56 : vector<1x144xf32> to vector<144x144xf32>
    %add3A_501 = arith.addf %dot_general3A_499, %add3A_500 : vector<144x144xf32>
    %reduce_max3A_502 = arith.constant dense<0xFF800000> : vector<144xf32>
    %reduce_max3A_503 = vector.multi_reduction <maximumf>, %add3A_501, %reduce_max3A_502 [1] : vector<144x144xf32> to vector<144xf32>
    %broadcast_in_dim3A_504 = vector.shape_cast %reduce_max3A_503 : vector<144xf32> to vector<144x1xf32>
    %sub3A_505 = vector.broadcast %broadcast_in_dim3A_504 : vector<144x1xf32> to vector<144x144xf32>
    %sub3A_506 = arith.subf %add3A_501, %sub3A_505 : vector<144x144xf32>
    %exp3A_507 = math.exp %sub3A_506 : vector<144x144xf32>
    %reduce_sum3A_508 = arith.constant dense<0.000000e+00> : vector<144xf32>
    %reduce_sum3A_509 = vector.multi_reduction <add>, %exp3A_507, %reduce_sum3A_508 [1] : vector<144x144xf32> to vector<144xf32>
    %broadcast_in_dim3A_510 = vector.shape_cast %reduce_sum3A_509 : vector<144xf32> to vector<144x1xf32>
    %div3A_511 = vector.broadcast %broadcast_in_dim3A_510 : vector<144x1xf32> to vector<144x144xf32>
    %div3A_512 = arith.divf %exp3A_507, %div3A_511 : vector<144x144xf32>
    %dot_general3A_513 = arith.constant dense<0.000000e+00> : vector<144x64xf32>
    %dot_general3A_514 = tpu.matmul %div3A_512, %slice3A_497, %dot_general3A_513 {dimension_numbers = #tpu.dot_dimension_numbers<[1], [0], [0], [1], [0, 0, 1, 1], [], []>, transpose_lhs_hint = false} : vector<144x144xf32>, vector<144x64xf32>, vector<144x64xf32> -> vector<144x64xf32>
    %slice3A_515 = vector.extract_strided_slice %mul3A_49 {offsets = [144, 704], sizes = [144, 64], strides = [1, 1]} : vector<576x768xf32> to vector<144x64xf32>
    %slice3A_516 = vector.extract_strided_slice %add3A_46 {offsets = [144, 1472], sizes = [144, 64], strides = [1, 1]} : vector<576x2304xf32> to vector<144x64xf32>
    %slice3A_517 = vector.extract_strided_slice %add3A_46 {offsets = [144, 2240], sizes = [144, 64], strides = [1, 1]} : vector<576x2304xf32> to vector<144x64xf32>
    %dot_general3A_518 = arith.constant dense<0.000000e+00> : vector<144x144xf32>
    %dot_general3A_519 = tpu.matmul %slice3A_515, %slice3A_516, %dot_general3A_518 {dimension_numbers = #tpu.dot_dimension_numbers<[1], [1], [0], [0], [0, 0, 1, 0], [], []>, transpose_lhs_hint = false} : vector<144x64xf32>, vector<144x64xf32>, vector<144x144xf32> -> vector<144x144xf32>
    %add3A_520 = vector.broadcast %select_n3A_56 : vector<1x144xf32> to vector<144x144xf32>
    %add3A_521 = arith.addf %dot_general3A_519, %add3A_520 : vector<144x144xf32>
    %reduce_max3A_522 = arith.constant dense<0xFF800000> : vector<144xf32>
    %reduce_max3A_523 = vector.multi_reduction <maximumf>, %add3A_521, %reduce_max3A_522 [1] : vector<144x144xf32> to vector<144xf32>
    %broadcast_in_dim3A_524 = vector.shape_cast %reduce_max3A_523 : vector<144xf32> to vector<144x1xf32>
    %sub3A_525 = vector.broadcast %broadcast_in_dim3A_524 : vector<144x1xf32> to vector<144x144xf32>
    %sub3A_526 = arith.subf %add3A_521, %sub3A_525 : vector<144x144xf32>
    %exp3A_527 = math.exp %sub3A_526 : vector<144x144xf32>
    %reduce_sum3A_528 = arith.constant dense<0.000000e+00> : vector<144xf32>
    %reduce_sum3A_529 = vector.multi_reduction <add>, %exp3A_527, %reduce_sum3A_528 [1] : vector<144x144xf32> to vector<144xf32>
    %broadcast_in_dim3A_530 = vector.shape_cast %reduce_sum3A_529 : vector<144xf32> to vector<144x1xf32>
    %div3A_531 = vector.broadcast %broadcast_in_dim3A_530 : vector<144x1xf32> to vector<144x144xf32>
    %div3A_532 = arith.divf %exp3A_527, %div3A_531 : vector<144x144xf32>
    %dot_general3A_533 = arith.constant dense<0.000000e+00> : vector<144x64xf32>
    %dot_general3A_534 = tpu.matmul %div3A_532, %slice3A_517, %dot_general3A_533 {dimension_numbers = #tpu.dot_dimension_numbers<[1], [0], [0], [1], [0, 0, 1, 1], [], []>, transpose_lhs_hint = false} : vector<144x144xf32>, vector<144x64xf32>, vector<144x64xf32> -> vector<144x64xf32>
    %concatenate3A_535 = tpu.concatenate %dot_general3A_314, %dot_general3A_334, %dot_general3A_354, %dot_general3A_374, %dot_general3A_394, %dot_general3A_414, %dot_general3A_434, %dot_general3A_454, %dot_general3A_474, %dot_general3A_494, %dot_general3A_514, %dot_general3A_534 in 1 : vector<144x64xf32>, vector<144x64xf32>, vector<144x64xf32>, vector<144x64xf32>, vector<144x64xf32>, vector<144x64xf32>, vector<144x64xf32>, vector<144x64xf32>, vector<144x64xf32>, vector<144x64xf32>, vector<144x64xf32>, vector<144x64xf32> -> vector<144x768xf32>
    %slice3A_536 = vector.extract_strided_slice %mul3A_49 {offsets = [288, 0], sizes = [144, 64], strides = [1, 1]} : vector<576x768xf32> to vector<144x64xf32>
    %slice3A_537 = vector.extract_strided_slice %add3A_46 {offsets = [288, 768], sizes = [144, 64], strides = [1, 1]} : vector<576x2304xf32> to vector<144x64xf32>
    %slice3A_538 = vector.extract_strided_slice %add3A_46 {offsets = [288, 1536], sizes = [144, 64], strides = [1, 1]} : vector<576x2304xf32> to vector<144x64xf32>
    %dot_general3A_539 = arith.constant dense<0.000000e+00> : vector<144x144xf32>
    %dot_general3A_540 = tpu.matmul %slice3A_536, %slice3A_537, %dot_general3A_539 {dimension_numbers = #tpu.dot_dimension_numbers<[1], [1], [0], [0], [0, 0, 1, 0], [], []>, transpose_lhs_hint = false} : vector<144x64xf32>, vector<144x64xf32>, vector<144x144xf32> -> vector<144x144xf32>
    %add3A_541 = vector.broadcast %select_n3A_56 : vector<1x144xf32> to vector<144x144xf32>
    %add3A_542 = arith.addf %dot_general3A_540, %add3A_541 : vector<144x144xf32>
    %reduce_max3A_543 = arith.constant dense<0xFF800000> : vector<144xf32>
    %reduce_max3A_544 = vector.multi_reduction <maximumf>, %add3A_542, %reduce_max3A_543 [1] : vector<144x144xf32> to vector<144xf32>
    %broadcast_in_dim3A_545 = vector.shape_cast %reduce_max3A_544 : vector<144xf32> to vector<144x1xf32>
    %sub3A_546 = vector.broadcast %broadcast_in_dim3A_545 : vector<144x1xf32> to vector<144x144xf32>
    %sub3A_547 = arith.subf %add3A_542, %sub3A_546 : vector<144x144xf32>
    %exp3A_548 = math.exp %sub3A_547 : vector<144x144xf32>
    %reduce_sum3A_549 = arith.constant dense<0.000000e+00> : vector<144xf32>
    %reduce_sum3A_550 = vector.multi_reduction <add>, %exp3A_548, %reduce_sum3A_549 [1] : vector<144x144xf32> to vector<144xf32>
    %broadcast_in_dim3A_551 = vector.shape_cast %reduce_sum3A_550 : vector<144xf32> to vector<144x1xf32>
    %div3A_552 = vector.broadcast %broadcast_in_dim3A_551 : vector<144x1xf32> to vector<144x144xf32>
    %div3A_553 = arith.divf %exp3A_548, %div3A_552 : vector<144x144xf32>
    %dot_general3A_554 = arith.constant dense<0.000000e+00> : vector<144x64xf32>
    %dot_general3A_555 = tpu.matmul %div3A_553, %slice3A_538, %dot_general3A_554 {dimension_numbers = #tpu.dot_dimension_numbers<[1], [0], [0], [1], [0, 0, 1, 1], [], []>, transpose_lhs_hint = false} : vector<144x144xf32>, vector<144x64xf32>, vector<144x64xf32> -> vector<144x64xf32>
    %slice3A_556 = vector.extract_strided_slice %mul3A_49 {offsets = [288, 64], sizes = [144, 64], strides = [1, 1]} : vector<576x768xf32> to vector<144x64xf32>
    %slice3A_557 = vector.extract_strided_slice %add3A_46 {offsets = [288, 832], sizes = [144, 64], strides = [1, 1]} : vector<576x2304xf32> to vector<144x64xf32>
    %slice3A_558 = vector.extract_strided_slice %add3A_46 {offsets = [288, 1600], sizes = [144, 64], strides = [1, 1]} : vector<576x2304xf32> to vector<144x64xf32>
    %dot_general3A_559 = arith.constant dense<0.000000e+00> : vector<144x144xf32>
    %dot_general3A_560 = tpu.matmul %slice3A_556, %slice3A_557, %dot_general3A_559 {dimension_numbers = #tpu.dot_dimension_numbers<[1], [1], [0], [0], [0, 0, 1, 0], [], []>, transpose_lhs_hint = false} : vector<144x64xf32>, vector<144x64xf32>, vector<144x144xf32> -> vector<144x144xf32>
    %add3A_561 = vector.broadcast %select_n3A_56 : vector<1x144xf32> to vector<144x144xf32>
    %add3A_562 = arith.addf %dot_general3A_560, %add3A_561 : vector<144x144xf32>
    %reduce_max3A_563 = arith.constant dense<0xFF800000> : vector<144xf32>
    %reduce_max3A_564 = vector.multi_reduction <maximumf>, %add3A_562, %reduce_max3A_563 [1] : vector<144x144xf32> to vector<144xf32>
    %broadcast_in_dim3A_565 = vector.shape_cast %reduce_max3A_564 : vector<144xf32> to vector<144x1xf32>
    %sub3A_566 = vector.broadcast %broadcast_in_dim3A_565 : vector<144x1xf32> to vector<144x144xf32>
    %sub3A_567 = arith.subf %add3A_562, %sub3A_566 : vector<144x144xf32>
    %exp3A_568 = math.exp %sub3A_567 : vector<144x144xf32>
    %reduce_sum3A_569 = arith.constant dense<0.000000e+00> : vector<144xf32>
    %reduce_sum3A_570 = vector.multi_reduction <add>, %exp3A_568, %reduce_sum3A_569 [1] : vector<144x144xf32> to vector<144xf32>
    %broadcast_in_dim3A_571 = vector.shape_cast %reduce_sum3A_570 : vector<144xf32> to vector<144x1xf32>
    %div3A_572 = vector.broadcast %broadcast_in_dim3A_571 : vector<144x1xf32> to vector<144x144xf32>
    %div3A_573 = arith.divf %exp3A_568, %div3A_572 : vector<144x144xf32>
    %dot_general3A_574 = arith.constant dense<0.000000e+00> : vector<144x64xf32>
    %dot_general3A_575 = tpu.matmul %div3A_573, %slice3A_558, %dot_general3A_574 {dimension_numbers = #tpu.dot_dimension_numbers<[1], [0], [0], [1], [0, 0, 1, 1], [], []>, transpose_lhs_hint = false} : vector<144x144xf32>, vector<144x64xf32>, vector<144x64xf32> -> vector<144x64xf32>
    %slice3A_576 = vector.extract_strided_slice %mul3A_49 {offsets = [288, 128], sizes = [144, 64], strides = [1, 1]} : vector<576x768xf32> to vector<144x64xf32>
    %slice3A_577 = vector.extract_strided_slice %add3A_46 {offsets = [288, 896], sizes = [144, 64], strides = [1, 1]} : vector<576x2304xf32> to vector<144x64xf32>
    %slice3A_578 = vector.extract_strided_slice %add3A_46 {offsets = [288, 1664], sizes = [144, 64], strides = [1, 1]} : vector<576x2304xf32> to vector<144x64xf32>
    %dot_general3A_579 = arith.constant dense<0.000000e+00> : vector<144x144xf32>
    %dot_general3A_580 = tpu.matmul %slice3A_576, %slice3A_577, %dot_general3A_579 {dimension_numbers = #tpu.dot_dimension_numbers<[1], [1], [0], [0], [0, 0, 1, 0], [], []>, transpose_lhs_hint = false} : vector<144x64xf32>, vector<144x64xf32>, vector<144x144xf32> -> vector<144x144xf32>
    %add3A_581 = vector.broadcast %select_n3A_56 : vector<1x144xf32> to vector<144x144xf32>
    %add3A_582 = arith.addf %dot_general3A_580, %add3A_581 : vector<144x144xf32>
    %reduce_max3A_583 = arith.constant dense<0xFF800000> : vector<144xf32>
    %reduce_max3A_584 = vector.multi_reduction <maximumf>, %add3A_582, %reduce_max3A_583 [1] : vector<144x144xf32> to vector<144xf32>
    %broadcast_in_dim3A_585 = vector.shape_cast %reduce_max3A_584 : vector<144xf32> to vector<144x1xf32>
    %sub3A_586 = vector.broadcast %broadcast_in_dim3A_585 : vector<144x1xf32> to vector<144x144xf32>
    %sub3A_587 = arith.subf %add3A_582, %sub3A_586 : vector<144x144xf32>
    %exp3A_588 = math.exp %sub3A_587 : vector<144x144xf32>
    %reduce_sum3A_589 = arith.constant dense<0.000000e+00> : vector<144xf32>
    %reduce_sum3A_590 = vector.multi_reduction <add>, %exp3A_588, %reduce_sum3A_589 [1] : vector<144x144xf32> to vector<144xf32>
    %broadcast_in_dim3A_591 = vector.shape_cast %reduce_sum3A_590 : vector<144xf32> to vector<144x1xf32>
    %div3A_592 = vector.broadcast %broadcast_in_dim3A_591 : vector<144x1xf32> to vector<144x144xf32>
    %div3A_593 = arith.divf %exp3A_588, %div3A_592 : vector<144x144xf32>
    %dot_general3A_594 = arith.constant dense<0.000000e+00> : vector<144x64xf32>
    %dot_general3A_595 = tpu.matmul %div3A_593, %slice3A_578, %dot_general3A_594 {dimension_numbers = #tpu.dot_dimension_numbers<[1], [0], [0], [1], [0, 0, 1, 1], [], []>, transpose_lhs_hint = false} : vector<144x144xf32>, vector<144x64xf32>, vector<144x64xf32> -> vector<144x64xf32>
    %slice3A_596 = vector.extract_strided_slice %mul3A_49 {offsets = [288, 192], sizes = [144, 64], strides = [1, 1]} : vector<576x768xf32> to vector<144x64xf32>
    %slice3A_597 = vector.extract_strided_slice %add3A_46 {offsets = [288, 960], sizes = [144, 64], strides = [1, 1]} : vector<576x2304xf32> to vector<144x64xf32>
    %slice3A_598 = vector.extract_strided_slice %add3A_46 {offsets = [288, 1728], sizes = [144, 64], strides = [1, 1]} : vector<576x2304xf32> to vector<144x64xf32>
    %dot_general3A_599 = arith.constant dense<0.000000e+00> : vector<144x144xf32>
    %dot_general3A_600 = tpu.matmul %slice3A_596, %slice3A_597, %dot_general3A_599 {dimension_numbers = #tpu.dot_dimension_numbers<[1], [1], [0], [0], [0, 0, 1, 0], [], []>, transpose_lhs_hint = false} : vector<144x64xf32>, vector<144x64xf32>, vector<144x144xf32> -> vector<144x144xf32>
    %add3A_601 = vector.broadcast %select_n3A_56 : vector<1x144xf32> to vector<144x144xf32>
    %add3A_602 = arith.addf %dot_general3A_600, %add3A_601 : vector<144x144xf32>
    %reduce_max3A_603 = arith.constant dense<0xFF800000> : vector<144xf32>
    %reduce_max3A_604 = vector.multi_reduction <maximumf>, %add3A_602, %reduce_max3A_603 [1] : vector<144x144xf32> to vector<144xf32>
    %broadcast_in_dim3A_605 = vector.shape_cast %reduce_max3A_604 : vector<144xf32> to vector<144x1xf32>
    %sub3A_606 = vector.broadcast %broadcast_in_dim3A_605 : vector<144x1xf32> to vector<144x144xf32>
    %sub3A_607 = arith.subf %add3A_602, %sub3A_606 : vector<144x144xf32>
    %exp3A_608 = math.exp %sub3A_607 : vector<144x144xf32>
    %reduce_sum3A_609 = arith.constant dense<0.000000e+00> : vector<144xf32>
    %reduce_sum3A_610 = vector.multi_reduction <add>, %exp3A_608, %reduce_sum3A_609 [1] : vector<144x144xf32> to vector<144xf32>
    %broadcast_in_dim3A_611 = vector.shape_cast %reduce_sum3A_610 : vector<144xf32> to vector<144x1xf32>
    %div3A_612 = vector.broadcast %broadcast_in_dim3A_611 : vector<144x1xf32> to vector<144x144xf32>
    %div3A_613 = arith.divf %exp3A_608, %div3A_612 : vector<144x144xf32>
    %dot_general3A_614 = arith.constant dense<0.000000e+00> : vector<144x64xf32>
    %dot_general3A_615 = tpu.matmul %div3A_613, %slice3A_598, %dot_general3A_614 {dimension_numbers = #tpu.dot_dimension_numbers<[1], [0], [0], [1], [0, 0, 1, 1], [], []>, transpose_lhs_hint = false} : vector<144x144xf32>, vector<144x64xf32>, vector<144x64xf32> -> vector<144x64xf32>
    %slice3A_616 = vector.extract_strided_slice %mul3A_49 {offsets = [288, 256], sizes = [144, 64], strides = [1, 1]} : vector<576x768xf32> to vector<144x64xf32>
    %slice3A_617 = vector.extract_strided_slice %add3A_46 {offsets = [288, 1024], sizes = [144, 64], strides = [1, 1]} : vector<576x2304xf32> to vector<144x64xf32>
    %slice3A_618 = vector.extract_strided_slice %add3A_46 {offsets = [288, 1792], sizes = [144, 64], strides = [1, 1]} : vector<576x2304xf32> to vector<144x64xf32>
    %dot_general3A_619 = arith.constant dense<0.000000e+00> : vector<144x144xf32>
    %dot_general3A_620 = tpu.matmul %slice3A_616, %slice3A_617, %dot_general3A_619 {dimension_numbers = #tpu.dot_dimension_numbers<[1], [1], [0], [0], [0, 0, 1, 0], [], []>, transpose_lhs_hint = false} : vector<144x64xf32>, vector<144x64xf32>, vector<144x144xf32> -> vector<144x144xf32>
    %add3A_621 = vector.broadcast %select_n3A_56 : vector<1x144xf32> to vector<144x144xf32>
    %add3A_622 = arith.addf %dot_general3A_620, %add3A_621 : vector<144x144xf32>
    %reduce_max3A_623 = arith.constant dense<0xFF800000> : vector<144xf32>
    %reduce_max3A_624 = vector.multi_reduction <maximumf>, %add3A_622, %reduce_max3A_623 [1] : vector<144x144xf32> to vector<144xf32>
    %broadcast_in_dim3A_625 = vector.shape_cast %reduce_max3A_624 : vector<144xf32> to vector<144x1xf32>
    %sub3A_626 = vector.broadcast %broadcast_in_dim3A_625 : vector<144x1xf32> to vector<144x144xf32>
    %sub3A_627 = arith.subf %add3A_622, %sub3A_626 : vector<144x144xf32>
    %exp3A_628 = math.exp %sub3A_627 : vector<144x144xf32>
    %reduce_sum3A_629 = arith.constant dense<0.000000e+00> : vector<144xf32>
    %reduce_sum3A_630 = vector.multi_reduction <add>, %exp3A_628, %reduce_sum3A_629 [1] : vector<144x144xf32> to vector<144xf32>
    %broadcast_in_dim3A_631 = vector.shape_cast %reduce_sum3A_630 : vector<144xf32> to vector<144x1xf32>
    %div3A_632 = vector.broadcast %broadcast_in_dim3A_631 : vector<144x1xf32> to vector<144x144xf32>
    %div3A_633 = arith.divf %exp3A_628, %div3A_632 : vector<144x144xf32>
    %dot_general3A_634 = arith.constant dense<0.000000e+00> : vector<144x64xf32>
    %dot_general3A_635 = tpu.matmul %div3A_633, %slice3A_618, %dot_general3A_634 {dimension_numbers = #tpu.dot_dimension_numbers<[1], [0], [0], [1], [0, 0, 1, 1], [], []>, transpose_lhs_hint = false} : vector<144x144xf32>, vector<144x64xf32>, vector<144x64xf32> -> vector<144x64xf32>
    %slice3A_636 = vector.extract_strided_slice %mul3A_49 {offsets = [288, 320], sizes = [144, 64], strides = [1, 1]} : vector<576x768xf32> to vector<144x64xf32>
    %slice3A_637 = vector.extract_strided_slice %add3A_46 {offsets = [288, 1088], sizes = [144, 64], strides = [1, 1]} : vector<576x2304xf32> to vector<144x64xf32>
    %slice3A_638 = vector.extract_strided_slice %add3A_46 {offsets = [288, 1856], sizes = [144, 64], strides = [1, 1]} : vector<576x2304xf32> to vector<144x64xf32>
    %dot_general3A_639 = arith.constant dense<0.000000e+00> : vector<144x144xf32>
    %dot_general3A_640 = tpu.matmul %slice3A_636, %slice3A_637, %dot_general3A_639 {dimension_numbers = #tpu.dot_dimension_numbers<[1], [1], [0], [0], [0, 0, 1, 0], [], []>, transpose_lhs_hint = false} : vector<144x64xf32>, vector<144x64xf32>, vector<144x144xf32> -> vector<144x144xf32>
    %add3A_641 = vector.broadcast %select_n3A_56 : vector<1x144xf32> to vector<144x144xf32>
    %add3A_642 = arith.addf %dot_general3A_640, %add3A_641 : vector<144x144xf32>
    %reduce_max3A_643 = arith.constant dense<0xFF800000> : vector<144xf32>
    %reduce_max3A_644 = vector.multi_reduction <maximumf>, %add3A_642, %reduce_max3A_643 [1] : vector<144x144xf32> to vector<144xf32>
    %broadcast_in_dim3A_645 = vector.shape_cast %reduce_max3A_644 : vector<144xf32> to vector<144x1xf32>
    %sub3A_646 = vector.broadcast %broadcast_in_dim3A_645 : vector<144x1xf32> to vector<144x144xf32>
    %sub3A_647 = arith.subf %add3A_642, %sub3A_646 : vector<144x144xf32>
    %exp3A_648 = math.exp %sub3A_647 : vector<144x144xf32>
    %reduce_sum3A_649 = arith.constant dense<0.000000e+00> : vector<144xf32>
    %reduce_sum3A_650 = vector.multi_reduction <add>, %exp3A_648, %reduce_sum3A_649 [1] : vector<144x144xf32> to vector<144xf32>
    %broadcast_in_dim3A_651 = vector.shape_cast %reduce_sum3A_650 : vector<144xf32> to vector<144x1xf32>
    %div3A_652 = vector.broadcast %broadcast_in_dim3A_651 : vector<144x1xf32> to vector<144x144xf32>
    %div3A_653 = arith.divf %exp3A_648, %div3A_652 : vector<144x144xf32>
    %dot_general3A_654 = arith.constant dense<0.000000e+00> : vector<144x64xf32>
    %dot_general3A_655 = tpu.matmul %div3A_653, %slice3A_638, %dot_general3A_654 {dimension_numbers = #tpu.dot_dimension_numbers<[1], [0], [0], [1], [0, 0, 1, 1], [], []>, transpose_lhs_hint = false} : vector<144x144xf32>, vector<144x64xf32>, vector<144x64xf32> -> vector<144x64xf32>
    %slice3A_656 = vector.extract_strided_slice %mul3A_49 {offsets = [288, 384], sizes = [144, 64], strides = [1, 1]} : vector<576x768xf32> to vector<144x64xf32>
    %slice3A_657 = vector.extract_strided_slice %add3A_46 {offsets = [288, 1152], sizes = [144, 64], strides = [1, 1]} : vector<576x2304xf32> to vector<144x64xf32>
    %slice3A_658 = vector.extract_strided_slice %add3A_46 {offsets = [288, 1920], sizes = [144, 64], strides = [1, 1]} : vector<576x2304xf32> to vector<144x64xf32>
    %dot_general3A_659 = arith.constant dense<0.000000e+00> : vector<144x144xf32>
    %dot_general3A_660 = tpu.matmul %slice3A_656, %slice3A_657, %dot_general3A_659 {dimension_numbers = #tpu.dot_dimension_numbers<[1], [1], [0], [0], [0, 0, 1, 0], [], []>, transpose_lhs_hint = false} : vector<144x64xf32>, vector<144x64xf32>, vector<144x144xf32> -> vector<144x144xf32>
    %add3A_661 = vector.broadcast %select_n3A_56 : vector<1x144xf32> to vector<144x144xf32>
    %add3A_662 = arith.addf %dot_general3A_660, %add3A_661 : vector<144x144xf32>
    %reduce_max3A_663 = arith.constant dense<0xFF800000> : vector<144xf32>
    %reduce_max3A_664 = vector.multi_reduction <maximumf>, %add3A_662, %reduce_max3A_663 [1] : vector<144x144xf32> to vector<144xf32>
    %broadcast_in_dim3A_665 = vector.shape_cast %reduce_max3A_664 : vector<144xf32> to vector<144x1xf32>
    %sub3A_666 = vector.broadcast %broadcast_in_dim3A_665 : vector<144x1xf32> to vector<144x144xf32>
    %sub3A_667 = arith.subf %add3A_662, %sub3A_666 : vector<144x144xf32>
    %exp3A_668 = math.exp %sub3A_667 : vector<144x144xf32>
    %reduce_sum3A_669 = arith.constant dense<0.000000e+00> : vector<144xf32>
    %reduce_sum3A_670 = vector.multi_reduction <add>, %exp3A_668, %reduce_sum3A_669 [1] : vector<144x144xf32> to vector<144xf32>
    %broadcast_in_dim3A_671 = vector.shape_cast %reduce_sum3A_670 : vector<144xf32> to vector<144x1xf32>
    %div3A_672 = vector.broadcast %broadcast_in_dim3A_671 : vector<144x1xf32> to vector<144x144xf32>
    %div3A_673 = arith.divf %exp3A_668, %div3A_672 : vector<144x144xf32>
    %dot_general3A_674 = arith.constant dense<0.000000e+00> : vector<144x64xf32>
    %dot_general3A_675 = tpu.matmul %div3A_673, %slice3A_658, %dot_general3A_674 {dimension_numbers = #tpu.dot_dimension_numbers<[1], [0], [0], [1], [0, 0, 1, 1], [], []>, transpose_lhs_hint = false} : vector<144x144xf32>, vector<144x64xf32>, vector<144x64xf32> -> vector<144x64xf32>
    %slice3A_676 = vector.extract_strided_slice %mul3A_49 {offsets = [288, 448], sizes = [144, 64], strides = [1, 1]} : vector<576x768xf32> to vector<144x64xf32>
    %slice3A_677 = vector.extract_strided_slice %add3A_46 {offsets = [288, 1216], sizes = [144, 64], strides = [1, 1]} : vector<576x2304xf32> to vector<144x64xf32>
    %slice3A_678 = vector.extract_strided_slice %add3A_46 {offsets = [288, 1984], sizes = [144, 64], strides = [1, 1]} : vector<576x2304xf32> to vector<144x64xf32>
    %dot_general3A_679 = arith.constant dense<0.000000e+00> : vector<144x144xf32>
    %dot_general3A_680 = tpu.matmul %slice3A_676, %slice3A_677, %dot_general3A_679 {dimension_numbers = #tpu.dot_dimension_numbers<[1], [1], [0], [0], [0, 0, 1, 0], [], []>, transpose_lhs_hint = false} : vector<144x64xf32>, vector<144x64xf32>, vector<144x144xf32> -> vector<144x144xf32>
    %add3A_681 = vector.broadcast %select_n3A_56 : vector<1x144xf32> to vector<144x144xf32>
    %add3A_682 = arith.addf %dot_general3A_680, %add3A_681 : vector<144x144xf32>
    %reduce_max3A_683 = arith.constant dense<0xFF800000> : vector<144xf32>
    %reduce_max3A_684 = vector.multi_reduction <maximumf>, %add3A_682, %reduce_max3A_683 [1] : vector<144x144xf32> to vector<144xf32>
    %broadcast_in_dim3A_685 = vector.shape_cast %reduce_max3A_684 : vector<144xf32> to vector<144x1xf32>
    %sub3A_686 = vector.broadcast %broadcast_in_dim3A_685 : vector<144x1xf32> to vector<144x144xf32>
    %sub3A_687 = arith.subf %add3A_682, %sub3A_686 : vector<144x144xf32>
    %exp3A_688 = math.exp %sub3A_687 : vector<144x144xf32>
    %reduce_sum3A_689 = arith.constant dense<0.000000e+00> : vector<144xf32>
    %reduce_sum3A_690 = vector.multi_reduction <add>, %exp3A_688, %reduce_sum3A_689 [1] : vector<144x144xf32> to vector<144xf32>
    %broadcast_in_dim3A_691 = vector.shape_cast %reduce_sum3A_690 : vector<144xf32> to vector<144x1xf32>
    %div3A_692 = vector.broadcast %broadcast_in_dim3A_691 : vector<144x1xf32> to vector<144x144xf32>
    %div3A_693 = arith.divf %exp3A_688, %div3A_692 : vector<144x144xf32>
    %dot_general3A_694 = arith.constant dense<0.000000e+00> : vector<144x64xf32>
    %dot_general3A_695 = tpu.matmul %div3A_693, %slice3A_678, %dot_general3A_694 {dimension_numbers = #tpu.dot_dimension_numbers<[1], [0], [0], [1], [0, 0, 1, 1], [], []>, transpose_lhs_hint = false} : vector<144x144xf32>, vector<144x64xf32>, vector<144x64xf32> -> vector<144x64xf32>
    %slice3A_696 = vector.extract_strided_slice %mul3A_49 {offsets = [288, 512], sizes = [144, 64], strides = [1, 1]} : vector<576x768xf32> to vector<144x64xf32>
    %slice3A_697 = vector.extract_strided_slice %add3A_46 {offsets = [288, 1280], sizes = [144, 64], strides = [1, 1]} : vector<576x2304xf32> to vector<144x64xf32>
    %slice3A_698 = vector.extract_strided_slice %add3A_46 {offsets = [288, 2048], sizes = [144, 64], strides = [1, 1]} : vector<576x2304xf32> to vector<144x64xf32>
    %dot_general3A_699 = arith.constant dense<0.000000e+00> : vector<144x144xf32>
    %dot_general3A_700 = tpu.matmul %slice3A_696, %slice3A_697, %dot_general3A_699 {dimension_numbers = #tpu.dot_dimension_numbers<[1], [1], [0], [0], [0, 0, 1, 0], [], []>, transpose_lhs_hint = false} : vector<144x64xf32>, vector<144x64xf32>, vector<144x144xf32> -> vector<144x144xf32>
    %add3A_701 = vector.broadcast %select_n3A_56 : vector<1x144xf32> to vector<144x144xf32>
    %add3A_702 = arith.addf %dot_general3A_700, %add3A_701 : vector<144x144xf32>
    %reduce_max3A_703 = arith.constant dense<0xFF800000> : vector<144xf32>
    %reduce_max3A_704 = vector.multi_reduction <maximumf>, %add3A_702, %reduce_max3A_703 [1] : vector<144x144xf32> to vector<144xf32>
    %broadcast_in_dim3A_705 = vector.shape_cast %reduce_max3A_704 : vector<144xf32> to vector<144x1xf32>
    %sub3A_706 = vector.broadcast %broadcast_in_dim3A_705 : vector<144x1xf32> to vector<144x144xf32>
    %sub3A_707 = arith.subf %add3A_702, %sub3A_706 : vector<144x144xf32>
    %exp3A_708 = math.exp %sub3A_707 : vector<144x144xf32>
    %reduce_sum3A_709 = arith.constant dense<0.000000e+00> : vector<144xf32>
    %reduce_sum3A_710 = vector.multi_reduction <add>, %exp3A_708, %reduce_sum3A_709 [1] : vector<144x144xf32> to vector<144xf32>
    %broadcast_in_dim3A_711 = vector.shape_cast %reduce_sum3A_710 : vector<144xf32> to vector<144x1xf32>
    %div3A_712 = vector.broadcast %broadcast_in_dim3A_711 : vector<144x1xf32> to vector<144x144xf32>
    %div3A_713 = arith.divf %exp3A_708, %div3A_712 : vector<144x144xf32>
    %dot_general3A_714 = arith.constant dense<0.000000e+00> : vector<144x64xf32>
    %dot_general3A_715 = tpu.matmul %div3A_713, %slice3A_698, %dot_general3A_714 {dimension_numbers = #tpu.dot_dimension_numbers<[1], [0], [0], [1], [0, 0, 1, 1], [], []>, transpose_lhs_hint = false} : vector<144x144xf32>, vector<144x64xf32>, vector<144x64xf32> -> vector<144x64xf32>
    %slice3A_716 = vector.extract_strided_slice %mul3A_49 {offsets = [288, 576], sizes = [144, 64], strides = [1, 1]} : vector<576x768xf32> to vector<144x64xf32>
    %slice3A_717 = vector.extract_strided_slice %add3A_46 {offsets = [288, 1344], sizes = [144, 64], strides = [1, 1]} : vector<576x2304xf32> to vector<144x64xf32>
    %slice3A_718 = vector.extract_strided_slice %add3A_46 {offsets = [288, 2112], sizes = [144, 64], strides = [1, 1]} : vector<576x2304xf32> to vector<144x64xf32>
    %dot_general3A_719 = arith.constant dense<0.000000e+00> : vector<144x144xf32>
    %dot_general3A_720 = tpu.matmul %slice3A_716, %slice3A_717, %dot_general3A_719 {dimension_numbers = #tpu.dot_dimension_numbers<[1], [1], [0], [0], [0, 0, 1, 0], [], []>, transpose_lhs_hint = false} : vector<144x64xf32>, vector<144x64xf32>, vector<144x144xf32> -> vector<144x144xf32>
    %add3A_721 = vector.broadcast %select_n3A_56 : vector<1x144xf32> to vector<144x144xf32>
    %add3A_722 = arith.addf %dot_general3A_720, %add3A_721 : vector<144x144xf32>
    %reduce_max3A_723 = arith.constant dense<0xFF800000> : vector<144xf32>
    %reduce_max3A_724 = vector.multi_reduction <maximumf>, %add3A_722, %reduce_max3A_723 [1] : vector<144x144xf32> to vector<144xf32>
    %broadcast_in_dim3A_725 = vector.shape_cast %reduce_max3A_724 : vector<144xf32> to vector<144x1xf32>
    %sub3A_726 = vector.broadcast %broadcast_in_dim3A_725 : vector<144x1xf32> to vector<144x144xf32>
    %sub3A_727 = arith.subf %add3A_722, %sub3A_726 : vector<144x144xf32>
    %exp3A_728 = math.exp %sub3A_727 : vector<144x144xf32>
    %reduce_sum3A_729 = arith.constant dense<0.000000e+00> : vector<144xf32>
    %reduce_sum3A_730 = vector.multi_reduction <add>, %exp3A_728, %reduce_sum3A_729 [1] : vector<144x144xf32> to vector<144xf32>
    %broadcast_in_dim3A_731 = vector.shape_cast %reduce_sum3A_730 : vector<144xf32> to vector<144x1xf32>
    %div3A_732 = vector.broadcast %broadcast_in_dim3A_731 : vector<144x1xf32> to vector<144x144xf32>
    %div3A_733 = arith.divf %exp3A_728, %div3A_732 : vector<144x144xf32>
    %dot_general3A_734 = arith.constant dense<0.000000e+00> : vector<144x64xf32>
    %dot_general3A_735 = tpu.matmul %div3A_733, %slice3A_718, %dot_general3A_734 {dimension_numbers = #tpu.dot_dimension_numbers<[1], [0], [0], [1], [0, 0, 1, 1], [], []>, transpose_lhs_hint = false} : vector<144x144xf32>, vector<144x64xf32>, vector<144x64xf32> -> vector<144x64xf32>
    %slice3A_736 = vector.extract_strided_slice %mul3A_49 {offsets = [288, 640], sizes = [144, 64], strides = [1, 1]} : vector<576x768xf32> to vector<144x64xf32>
    %slice3A_737 = vector.extract_strided_slice %add3A_46 {offsets = [288, 1408], sizes = [144, 64], strides = [1, 1]} : vector<576x2304xf32> to vector<144x64xf32>
    %slice3A_738 = vector.extract_strided_slice %add3A_46 {offsets = [288, 2176], sizes = [144, 64], strides = [1, 1]} : vector<576x2304xf32> to vector<144x64xf32>
    %dot_general3A_739 = arith.constant dense<0.000000e+00> : vector<144x144xf32>
    %dot_general3A_740 = tpu.matmul %slice3A_736, %slice3A_737, %dot_general3A_739 {dimension_numbers = #tpu.dot_dimension_numbers<[1], [1], [0], [0], [0, 0, 1, 0], [], []>, transpose_lhs_hint = false} : vector<144x64xf32>, vector<144x64xf32>, vector<144x144xf32> -> vector<144x144xf32>
    %add3A_741 = vector.broadcast %select_n3A_56 : vector<1x144xf32> to vector<144x144xf32>
    %add3A_742 = arith.addf %dot_general3A_740, %add3A_741 : vector<144x144xf32>
    %reduce_max3A_743 = arith.constant dense<0xFF800000> : vector<144xf32>
    %reduce_max3A_744 = vector.multi_reduction <maximumf>, %add3A_742, %reduce_max3A_743 [1] : vector<144x144xf32> to vector<144xf32>
    %broadcast_in_dim3A_745 = vector.shape_cast %reduce_max3A_744 : vector<144xf32> to vector<144x1xf32>
    %sub3A_746 = vector.broadcast %broadcast_in_dim3A_745 : vector<144x1xf32> to vector<144x144xf32>
    %sub3A_747 = arith.subf %add3A_742, %sub3A_746 : vector<144x144xf32>
    %exp3A_748 = math.exp %sub3A_747 : vector<144x144xf32>
    %reduce_sum3A_749 = arith.constant dense<0.000000e+00> : vector<144xf32>
    %reduce_sum3A_750 = vector.multi_reduction <add>, %exp3A_748, %reduce_sum3A_749 [1] : vector<144x144xf32> to vector<144xf32>
    %broadcast_in_dim3A_751 = vector.shape_cast %reduce_sum3A_750 : vector<144xf32> to vector<144x1xf32>
    %div3A_752 = vector.broadcast %broadcast_in_dim3A_751 : vector<144x1xf32> to vector<144x144xf32>
    %div3A_753 = arith.divf %exp3A_748, %div3A_752 : vector<144x144xf32>
    %dot_general3A_754 = arith.constant dense<0.000000e+00> : vector<144x64xf32>
    %dot_general3A_755 = tpu.matmul %div3A_753, %slice3A_738, %dot_general3A_754 {dimension_numbers = #tpu.dot_dimension_numbers<[1], [0], [0], [1], [0, 0, 1, 1], [], []>, transpose_lhs_hint = false} : vector<144x144xf32>, vector<144x64xf32>, vector<144x64xf32> -> vector<144x64xf32>
    %slice3A_756 = vector.extract_strided_slice %mul3A_49 {offsets = [288, 704], sizes = [144, 64], strides = [1, 1]} : vector<576x768xf32> to vector<144x64xf32>
    %slice3A_757 = vector.extract_strided_slice %add3A_46 {offsets = [288, 1472], sizes = [144, 64], strides = [1, 1]} : vector<576x2304xf32> to vector<144x64xf32>
    %slice3A_758 = vector.extract_strided_slice %add3A_46 {offsets = [288, 2240], sizes = [144, 64], strides = [1, 1]} : vector<576x2304xf32> to vector<144x64xf32>
    %dot_general3A_759 = arith.constant dense<0.000000e+00> : vector<144x144xf32>
    %dot_general3A_760 = tpu.matmul %slice3A_756, %slice3A_757, %dot_general3A_759 {dimension_numbers = #tpu.dot_dimension_numbers<[1], [1], [0], [0], [0, 0, 1, 0], [], []>, transpose_lhs_hint = false} : vector<144x64xf32>, vector<144x64xf32>, vector<144x144xf32> -> vector<144x144xf32>
    %add3A_761 = vector.broadcast %select_n3A_56 : vector<1x144xf32> to vector<144x144xf32>
    %add3A_762 = arith.addf %dot_general3A_760, %add3A_761 : vector<144x144xf32>
    %reduce_max3A_763 = arith.constant dense<0xFF800000> : vector<144xf32>
    %reduce_max3A_764 = vector.multi_reduction <maximumf>, %add3A_762, %reduce_max3A_763 [1] : vector<144x144xf32> to vector<144xf32>
    %broadcast_in_dim3A_765 = vector.shape_cast %reduce_max3A_764 : vector<144xf32> to vector<144x1xf32>
    %sub3A_766 = vector.broadcast %broadcast_in_dim3A_765 : vector<144x1xf32> to vector<144x144xf32>
    %sub3A_767 = arith.subf %add3A_762, %sub3A_766 : vector<144x144xf32>
    %exp3A_768 = math.exp %sub3A_767 : vector<144x144xf32>
    %reduce_sum3A_769 = arith.constant dense<0.000000e+00> : vector<144xf32>
    %reduce_sum3A_770 = vector.multi_reduction <add>, %exp3A_768, %reduce_sum3A_769 [1] : vector<144x144xf32> to vector<144xf32>
    %broadcast_in_dim3A_771 = vector.shape_cast %reduce_sum3A_770 : vector<144xf32> to vector<144x1xf32>
    %div3A_772 = vector.broadcast %broadcast_in_dim3A_771 : vector<144x1xf32> to vector<144x144xf32>
    %div3A_773 = arith.divf %exp3A_768, %div3A_772 : vector<144x144xf32>
    %dot_general3A_774 = arith.constant dense<0.000000e+00> : vector<144x64xf32>
    %dot_general3A_775 = tpu.matmul %div3A_773, %slice3A_758, %dot_general3A_774 {dimension_numbers = #tpu.dot_dimension_numbers<[1], [0], [0], [1], [0, 0, 1, 1], [], []>, transpose_lhs_hint = false} : vector<144x144xf32>, vector<144x64xf32>, vector<144x64xf32> -> vector<144x64xf32>
    %concatenate3A_776 = tpu.concatenate %dot_general3A_555, %dot_general3A_575, %dot_general3A_595, %dot_general3A_615, %dot_general3A_635, %dot_general3A_655, %dot_general3A_675, %dot_general3A_695, %dot_general3A_715, %dot_general3A_735, %dot_general3A_755, %dot_general3A_775 in 1 : vector<144x64xf32>, vector<144x64xf32>, vector<144x64xf32>, vector<144x64xf32>, vector<144x64xf32>, vector<144x64xf32>, vector<144x64xf32>, vector<144x64xf32>, vector<144x64xf32>, vector<144x64xf32>, vector<144x64xf32>, vector<144x64xf32> -> vector<144x768xf32>
    %slice3A_777 = vector.extract_strided_slice %mul3A_49 {offsets = [432, 0], sizes = [144, 64], strides = [1, 1]} : vector<576x768xf32> to vector<144x64xf32>
    %slice3A_778 = vector.extract_strided_slice %add3A_46 {offsets = [432, 768], sizes = [144, 64], strides = [1, 1]} : vector<576x2304xf32> to vector<144x64xf32>
    %slice3A_779 = vector.extract_strided_slice %add3A_46 {offsets = [432, 1536], sizes = [144, 64], strides = [1, 1]} : vector<576x2304xf32> to vector<144x64xf32>
    %dot_general3A_780 = arith.constant dense<0.000000e+00> : vector<144x144xf32>
    %dot_general3A_781 = tpu.matmul %slice3A_777, %slice3A_778, %dot_general3A_780 {dimension_numbers = #tpu.dot_dimension_numbers<[1], [1], [0], [0], [0, 0, 1, 0], [], []>, transpose_lhs_hint = false} : vector<144x64xf32>, vector<144x64xf32>, vector<144x144xf32> -> vector<144x144xf32>
    %add3A_782 = vector.broadcast %select_n3A_56 : vector<1x144xf32> to vector<144x144xf32>
    %add3A_783 = arith.addf %dot_general3A_781, %add3A_782 : vector<144x144xf32>
    %reduce_max3A_784 = arith.constant dense<0xFF800000> : vector<144xf32>
    %reduce_max3A_785 = vector.multi_reduction <maximumf>, %add3A_783, %reduce_max3A_784 [1] : vector<144x144xf32> to vector<144xf32>
    %broadcast_in_dim3A_786 = vector.shape_cast %reduce_max3A_785 : vector<144xf32> to vector<144x1xf32>
    %sub3A_787 = vector.broadcast %broadcast_in_dim3A_786 : vector<144x1xf32> to vector<144x144xf32>
    %sub3A_788 = arith.subf %add3A_783, %sub3A_787 : vector<144x144xf32>
    %exp3A_789 = math.exp %sub3A_788 : vector<144x144xf32>
    %reduce_sum3A_790 = arith.constant dense<0.000000e+00> : vector<144xf32>
    %reduce_sum3A_791 = vector.multi_reduction <add>, %exp3A_789, %reduce_sum3A_790 [1] : vector<144x144xf32> to vector<144xf32>
    %broadcast_in_dim3A_792 = vector.shape_cast %reduce_sum3A_791 : vector<144xf32> to vector<144x1xf32>
    %div3A_793 = vector.broadcast %broadcast_in_dim3A_792 : vector<144x1xf32> to vector<144x144xf32>
    %div3A_794 = arith.divf %exp3A_789, %div3A_793 : vector<144x144xf32>
    %dot_general3A_795 = arith.constant dense<0.000000e+00> : vector<144x64xf32>
    %dot_general3A_796 = tpu.matmul %div3A_794, %slice3A_779, %dot_general3A_795 {dimension_numbers = #tpu.dot_dimension_numbers<[1], [0], [0], [1], [0, 0, 1, 1], [], []>, transpose_lhs_hint = false} : vector<144x144xf32>, vector<144x64xf32>, vector<144x64xf32> -> vector<144x64xf32>
    %slice3A_797 = vector.extract_strided_slice %mul3A_49 {offsets = [432, 64], sizes = [144, 64], strides = [1, 1]} : vector<576x768xf32> to vector<144x64xf32>
    %slice3A_798 = vector.extract_strided_slice %add3A_46 {offsets = [432, 832], sizes = [144, 64], strides = [1, 1]} : vector<576x2304xf32> to vector<144x64xf32>
    %slice3A_799 = vector.extract_strided_slice %add3A_46 {offsets = [432, 1600], sizes = [144, 64], strides = [1, 1]} : vector<576x2304xf32> to vector<144x64xf32>
    %dot_general3A_800 = arith.constant dense<0.000000e+00> : vector<144x144xf32>
    %dot_general3A_801 = tpu.matmul %slice3A_797, %slice3A_798, %dot_general3A_800 {dimension_numbers = #tpu.dot_dimension_numbers<[1], [1], [0], [0], [0, 0, 1, 0], [], []>, transpose_lhs_hint = false} : vector<144x64xf32>, vector<144x64xf32>, vector<144x144xf32> -> vector<144x144xf32>
    %add3A_802 = vector.broadcast %select_n3A_56 : vector<1x144xf32> to vector<144x144xf32>
    %add3A_803 = arith.addf %dot_general3A_801, %add3A_802 : vector<144x144xf32>
    %reduce_max3A_804 = arith.constant dense<0xFF800000> : vector<144xf32>
    %reduce_max3A_805 = vector.multi_reduction <maximumf>, %add3A_803, %reduce_max3A_804 [1] : vector<144x144xf32> to vector<144xf32>
    %broadcast_in_dim3A_806 = vector.shape_cast %reduce_max3A_805 : vector<144xf32> to vector<144x1xf32>
    %sub3A_807 = vector.broadcast %broadcast_in_dim3A_806 : vector<144x1xf32> to vector<144x144xf32>
    %sub3A_808 = arith.subf %add3A_803, %sub3A_807 : vector<144x144xf32>
    %exp3A_809 = math.exp %sub3A_808 : vector<144x144xf32>
    %reduce_sum3A_810 = arith.constant dense<0.000000e+00> : vector<144xf32>
    %reduce_sum3A_811 = vector.multi_reduction <add>, %exp3A_809, %reduce_sum3A_810 [1] : vector<144x144xf32> to vector<144xf32>
    %broadcast_in_dim3A_812 = vector.shape_cast %reduce_sum3A_811 : vector<144xf32> to vector<144x1xf32>
    %div3A_813 = vector.broadcast %broadcast_in_dim3A_812 : vector<144x1xf32> to vector<144x144xf32>
    %div3A_814 = arith.divf %exp3A_809, %div3A_813 : vector<144x144xf32>
    %dot_general3A_815 = arith.constant dense<0.000000e+00> : vector<144x64xf32>
    %dot_general3A_816 = tpu.matmul %div3A_814, %slice3A_799, %dot_general3A_815 {dimension_numbers = #tpu.dot_dimension_numbers<[1], [0], [0], [1], [0, 0, 1, 1], [], []>, transpose_lhs_hint = false} : vector<144x144xf32>, vector<144x64xf32>, vector<144x64xf32> -> vector<144x64xf32>
    %slice3A_817 = vector.extract_strided_slice %mul3A_49 {offsets = [432, 128], sizes = [144, 64], strides = [1, 1]} : vector<576x768xf32> to vector<144x64xf32>
    %slice3A_818 = vector.extract_strided_slice %add3A_46 {offsets = [432, 896], sizes = [144, 64], strides = [1, 1]} : vector<576x2304xf32> to vector<144x64xf32>
    %slice3A_819 = vector.extract_strided_slice %add3A_46 {offsets = [432, 1664], sizes = [144, 64], strides = [1, 1]} : vector<576x2304xf32> to vector<144x64xf32>
    %dot_general3A_820 = arith.constant dense<0.000000e+00> : vector<144x144xf32>
    %dot_general3A_821 = tpu.matmul %slice3A_817, %slice3A_818, %dot_general3A_820 {dimension_numbers = #tpu.dot_dimension_numbers<[1], [1], [0], [0], [0, 0, 1, 0], [], []>, transpose_lhs_hint = false} : vector<144x64xf32>, vector<144x64xf32>, vector<144x144xf32> -> vector<144x144xf32>
    %add3A_822 = vector.broadcast %select_n3A_56 : vector<1x144xf32> to vector<144x144xf32>
    %add3A_823 = arith.addf %dot_general3A_821, %add3A_822 : vector<144x144xf32>
    %reduce_max3A_824 = arith.constant dense<0xFF800000> : vector<144xf32>
    %reduce_max3A_825 = vector.multi_reduction <maximumf>, %add3A_823, %reduce_max3A_824 [1] : vector<144x144xf32> to vector<144xf32>
    %broadcast_in_dim3A_826 = vector.shape_cast %reduce_max3A_825 : vector<144xf32> to vector<144x1xf32>
    %sub3A_827 = vector.broadcast %broadcast_in_dim3A_826 : vector<144x1xf32> to vector<144x144xf32>
    %sub3A_828 = arith.subf %add3A_823, %sub3A_827 : vector<144x144xf32>
    %exp3A_829 = math.exp %sub3A_828 : vector<144x144xf32>
    %reduce_sum3A_830 = arith.constant dense<0.000000e+00> : vector<144xf32>
    %reduce_sum3A_831 = vector.multi_reduction <add>, %exp3A_829, %reduce_sum3A_830 [1] : vector<144x144xf32> to vector<144xf32>
    %broadcast_in_dim3A_832 = vector.shape_cast %reduce_sum3A_831 : vector<144xf32> to vector<144x1xf32>
    %div3A_833 = vector.broadcast %broadcast_in_dim3A_832 : vector<144x1xf32> to vector<144x144xf32>
    %div3A_834 = arith.divf %exp3A_829, %div3A_833 : vector<144x144xf32>
    %dot_general3A_835 = arith.constant dense<0.000000e+00> : vector<144x64xf32>
    %dot_general3A_836 = tpu.matmul %div3A_834, %slice3A_819, %dot_general3A_835 {dimension_numbers = #tpu.dot_dimension_numbers<[1], [0], [0], [1], [0, 0, 1, 1], [], []>, transpose_lhs_hint = false} : vector<144x144xf32>, vector<144x64xf32>, vector<144x64xf32> -> vector<144x64xf32>
    %slice3A_837 = vector.extract_strided_slice %mul3A_49 {offsets = [432, 192], sizes = [144, 64], strides = [1, 1]} : vector<576x768xf32> to vector<144x64xf32>
    %slice3A_838 = vector.extract_strided_slice %add3A_46 {offsets = [432, 960], sizes = [144, 64], strides = [1, 1]} : vector<576x2304xf32> to vector<144x64xf32>
    %slice3A_839 = vector.extract_strided_slice %add3A_46 {offsets = [432, 1728], sizes = [144, 64], strides = [1, 1]} : vector<576x2304xf32> to vector<144x64xf32>
    %dot_general3A_840 = arith.constant dense<0.000000e+00> : vector<144x144xf32>
    %dot_general3A_841 = tpu.matmul %slice3A_837, %slice3A_838, %dot_general3A_840 {dimension_numbers = #tpu.dot_dimension_numbers<[1], [1], [0], [0], [0, 0, 1, 0], [], []>, transpose_lhs_hint = false} : vector<144x64xf32>, vector<144x64xf32>, vector<144x144xf32> -> vector<144x144xf32>
    %add3A_842 = vector.broadcast %select_n3A_56 : vector<1x144xf32> to vector<144x144xf32>
    %add3A_843 = arith.addf %dot_general3A_841, %add3A_842 : vector<144x144xf32>
    %reduce_max3A_844 = arith.constant dense<0xFF800000> : vector<144xf32>
    %reduce_max3A_845 = vector.multi_reduction <maximumf>, %add3A_843, %reduce_max3A_844 [1] : vector<144x144xf32> to vector<144xf32>
    %broadcast_in_dim3A_846 = vector.shape_cast %reduce_max3A_845 : vector<144xf32> to vector<144x1xf32>
    %sub3A_847 = vector.broadcast %broadcast_in_dim3A_846 : vector<144x1xf32> to vector<144x144xf32>
    %sub3A_848 = arith.subf %add3A_843, %sub3A_847 : vector<144x144xf32>
    %exp3A_849 = math.exp %sub3A_848 : vector<144x144xf32>
    %reduce_sum3A_850 = arith.constant dense<0.000000e+00> : vector<144xf32>
    %reduce_sum3A_851 = vector.multi_reduction <add>, %exp3A_849, %reduce_sum3A_850 [1] : vector<144x144xf32> to vector<144xf32>
    %broadcast_in_dim3A_852 = vector.shape_cast %reduce_sum3A_851 : vector<144xf32> to vector<144x1xf32>
    %div3A_853 = vector.broadcast %broadcast_in_dim3A_852 : vector<144x1xf32> to vector<144x144xf32>
    %div3A_854 = arith.divf %exp3A_849, %div3A_853 : vector<144x144xf32>
    %dot_general3A_855 = arith.constant dense<0.000000e+00> : vector<144x64xf32>
    %dot_general3A_856 = tpu.matmul %div3A_854, %slice3A_839, %dot_general3A_855 {dimension_numbers = #tpu.dot_dimension_numbers<[1], [0], [0], [1], [0, 0, 1, 1], [], []>, transpose_lhs_hint = false} : vector<144x144xf32>, vector<144x64xf32>, vector<144x64xf32> -> vector<144x64xf32>
    %slice3A_857 = vector.extract_strided_slice %mul3A_49 {offsets = [432, 256], sizes = [144, 64], strides = [1, 1]} : vector<576x768xf32> to vector<144x64xf32>
    %slice3A_858 = vector.extract_strided_slice %add3A_46 {offsets = [432, 1024], sizes = [144, 64], strides = [1, 1]} : vector<576x2304xf32> to vector<144x64xf32>
    %slice3A_859 = vector.extract_strided_slice %add3A_46 {offsets = [432, 1792], sizes = [144, 64], strides = [1, 1]} : vector<576x2304xf32> to vector<144x64xf32>
    %dot_general3A_860 = arith.constant dense<0.000000e+00> : vector<144x144xf32>
    %dot_general3A_861 = tpu.matmul %slice3A_857, %slice3A_858, %dot_general3A_860 {dimension_numbers = #tpu.dot_dimension_numbers<[1], [1], [0], [0], [0, 0, 1, 0], [], []>, transpose_lhs_hint = false} : vector<144x64xf32>, vector<144x64xf32>, vector<144x144xf32> -> vector<144x144xf32>
    %add3A_862 = vector.broadcast %select_n3A_56 : vector<1x144xf32> to vector<144x144xf32>
    %add3A_863 = arith.addf %dot_general3A_861, %add3A_862 : vector<144x144xf32>
    %reduce_max3A_864 = arith.constant dense<0xFF800000> : vector<144xf32>
    %reduce_max3A_865 = vector.multi_reduction <maximumf>, %add3A_863, %reduce_max3A_864 [1] : vector<144x144xf32> to vector<144xf32>
    %broadcast_in_dim3A_866 = vector.shape_cast %reduce_max3A_865 : vector<144xf32> to vector<144x1xf32>
    %sub3A_867 = vector.broadcast %broadcast_in_dim3A_866 : vector<144x1xf32> to vector<144x144xf32>
    %sub3A_868 = arith.subf %add3A_863, %sub3A_867 : vector<144x144xf32>
    %exp3A_869 = math.exp %sub3A_868 : vector<144x144xf32>
    %reduce_sum3A_870 = arith.constant dense<0.000000e+00> : vector<144xf32>
    %reduce_sum3A_871 = vector.multi_reduction <add>, %exp3A_869, %reduce_sum3A_870 [1] : vector<144x144xf32> to vector<144xf32>
    %broadcast_in_dim3A_872 = vector.shape_cast %reduce_sum3A_871 : vector<144xf32> to vector<144x1xf32>
    %div3A_873 = vector.broadcast %broadcast_in_dim3A_872 : vector<144x1xf32> to vector<144x144xf32>
    %div3A_874 = arith.divf %exp3A_869, %div3A_873 : vector<144x144xf32>
    %dot_general3A_875 = arith.constant dense<0.000000e+00> : vector<144x64xf32>
    %dot_general3A_876 = tpu.matmul %div3A_874, %slice3A_859, %dot_general3A_875 {dimension_numbers = #tpu.dot_dimension_numbers<[1], [0], [0], [1], [0, 0, 1, 1], [], []>, transpose_lhs_hint = false} : vector<144x144xf32>, vector<144x64xf32>, vector<144x64xf32> -> vector<144x64xf32>
    %slice3A_877 = vector.extract_strided_slice %mul3A_49 {offsets = [432, 320], sizes = [144, 64], strides = [1, 1]} : vector<576x768xf32> to vector<144x64xf32>
    %slice3A_878 = vector.extract_strided_slice %add3A_46 {offsets = [432, 1088], sizes = [144, 64], strides = [1, 1]} : vector<576x2304xf32> to vector<144x64xf32>
    %slice3A_879 = vector.extract_strided_slice %add3A_46 {offsets = [432, 1856], sizes = [144, 64], strides = [1, 1]} : vector<576x2304xf32> to vector<144x64xf32>
    %dot_general3A_880 = arith.constant dense<0.000000e+00> : vector<144x144xf32>
    %dot_general3A_881 = tpu.matmul %slice3A_877, %slice3A_878, %dot_general3A_880 {dimension_numbers = #tpu.dot_dimension_numbers<[1], [1], [0], [0], [0, 0, 1, 0], [], []>, transpose_lhs_hint = false} : vector<144x64xf32>, vector<144x64xf32>, vector<144x144xf32> -> vector<144x144xf32>
    %add3A_882 = vector.broadcast %select_n3A_56 : vector<1x144xf32> to vector<144x144xf32>
    %add3A_883 = arith.addf %dot_general3A_881, %add3A_882 : vector<144x144xf32>
    %reduce_max3A_884 = arith.constant dense<0xFF800000> : vector<144xf32>
    %reduce_max3A_885 = vector.multi_reduction <maximumf>, %add3A_883, %reduce_max3A_884 [1] : vector<144x144xf32> to vector<144xf32>
    %broadcast_in_dim3A_886 = vector.shape_cast %reduce_max3A_885 : vector<144xf32> to vector<144x1xf32>
    %sub3A_887 = vector.broadcast %broadcast_in_dim3A_886 : vector<144x1xf32> to vector<144x144xf32>
    %sub3A_888 = arith.subf %add3A_883, %sub3A_887 : vector<144x144xf32>
    %exp3A_889 = math.exp %sub3A_888 : vector<144x144xf32>
    %reduce_sum3A_890 = arith.constant dense<0.000000e+00> : vector<144xf32>
    %reduce_sum3A_891 = vector.multi_reduction <add>, %exp3A_889, %reduce_sum3A_890 [1] : vector<144x144xf32> to vector<144xf32>
    %broadcast_in_dim3A_892 = vector.shape_cast %reduce_sum3A_891 : vector<144xf32> to vector<144x1xf32>
    %div3A_893 = vector.broadcast %broadcast_in_dim3A_892 : vector<144x1xf32> to vector<144x144xf32>
    %div3A_894 = arith.divf %exp3A_889, %div3A_893 : vector<144x144xf32>
    %dot_general3A_895 = arith.constant dense<0.000000e+00> : vector<144x64xf32>
    %dot_general3A_896 = tpu.matmul %div3A_894, %slice3A_879, %dot_general3A_895 {dimension_numbers = #tpu.dot_dimension_numbers<[1], [0], [0], [1], [0, 0, 1, 1], [], []>, transpose_lhs_hint = false} : vector<144x144xf32>, vector<144x64xf32>, vector<144x64xf32> -> vector<144x64xf32>
    %slice3A_897 = vector.extract_strided_slice %mul3A_49 {offsets = [432, 384], sizes = [144, 64], strides = [1, 1]} : vector<576x768xf32> to vector<144x64xf32>
    %slice3A_898 = vector.extract_strided_slice %add3A_46 {offsets = [432, 1152], sizes = [144, 64], strides = [1, 1]} : vector<576x2304xf32> to vector<144x64xf32>
    %slice3A_899 = vector.extract_strided_slice %add3A_46 {offsets = [432, 1920], sizes = [144, 64], strides = [1, 1]} : vector<576x2304xf32> to vector<144x64xf32>
    %dot_general3A_900 = arith.constant dense<0.000000e+00> : vector<144x144xf32>
    %dot_general3A_901 = tpu.matmul %slice3A_897, %slice3A_898, %dot_general3A_900 {dimension_numbers = #tpu.dot_dimension_numbers<[1], [1], [0], [0], [0, 0, 1, 0], [], []>, transpose_lhs_hint = false} : vector<144x64xf32>, vector<144x64xf32>, vector<144x144xf32> -> vector<144x144xf32>
    %add3A_902 = vector.broadcast %select_n3A_56 : vector<1x144xf32> to vector<144x144xf32>
    %add3A_903 = arith.addf %dot_general3A_901, %add3A_902 : vector<144x144xf32>
    %reduce_max3A_904 = arith.constant dense<0xFF800000> : vector<144xf32>
    %reduce_max3A_905 = vector.multi_reduction <maximumf>, %add3A_903, %reduce_max3A_904 [1] : vector<144x144xf32> to vector<144xf32>
    %broadcast_in_dim3A_906 = vector.shape_cast %reduce_max3A_905 : vector<144xf32> to vector<144x1xf32>
    %sub3A_907 = vector.broadcast %broadcast_in_dim3A_906 : vector<144x1xf32> to vector<144x144xf32>
    %sub3A_908 = arith.subf %add3A_903, %sub3A_907 : vector<144x144xf32>
    %exp3A_909 = math.exp %sub3A_908 : vector<144x144xf32>
    %reduce_sum3A_910 = arith.constant dense<0.000000e+00> : vector<144xf32>
    %reduce_sum3A_911 = vector.multi_reduction <add>, %exp3A_909, %reduce_sum3A_910 [1] : vector<144x144xf32> to vector<144xf32>
    %broadcast_in_dim3A_912 = vector.shape_cast %reduce_sum3A_911 : vector<144xf32> to vector<144x1xf32>
    %div3A_913 = vector.broadcast %broadcast_in_dim3A_912 : vector<144x1xf32> to vector<144x144xf32>
    %div3A_914 = arith.divf %exp3A_909, %div3A_913 : vector<144x144xf32>
    %dot_general3A_915 = arith.constant dense<0.000000e+00> : vector<144x64xf32>
    %dot_general3A_916 = tpu.matmul %div3A_914, %slice3A_899, %dot_general3A_915 {dimension_numbers = #tpu.dot_dimension_numbers<[1], [0], [0], [1], [0, 0, 1, 1], [], []>, transpose_lhs_hint = false} : vector<144x144xf32>, vector<144x64xf32>, vector<144x64xf32> -> vector<144x64xf32>
    %slice3A_917 = vector.extract_strided_slice %mul3A_49 {offsets = [432, 448], sizes = [144, 64], strides = [1, 1]} : vector<576x768xf32> to vector<144x64xf32>
    %slice3A_918 = vector.extract_strided_slice %add3A_46 {offsets = [432, 1216], sizes = [144, 64], strides = [1, 1]} : vector<576x2304xf32> to vector<144x64xf32>
    %slice3A_919 = vector.extract_strided_slice %add3A_46 {offsets = [432, 1984], sizes = [144, 64], strides = [1, 1]} : vector<576x2304xf32> to vector<144x64xf32>
    %dot_general3A_920 = arith.constant dense<0.000000e+00> : vector<144x144xf32>
    %dot_general3A_921 = tpu.matmul %slice3A_917, %slice3A_918, %dot_general3A_920 {dimension_numbers = #tpu.dot_dimension_numbers<[1], [1], [0], [0], [0, 0, 1, 0], [], []>, transpose_lhs_hint = false} : vector<144x64xf32>, vector<144x64xf32>, vector<144x144xf32> -> vector<144x144xf32>
    %add3A_922 = vector.broadcast %select_n3A_56 : vector<1x144xf32> to vector<144x144xf32>
    %add3A_923 = arith.addf %dot_general3A_921, %add3A_922 : vector<144x144xf32>
    %reduce_max3A_924 = arith.constant dense<0xFF800000> : vector<144xf32>
    %reduce_max3A_925 = vector.multi_reduction <maximumf>, %add3A_923, %reduce_max3A_924 [1] : vector<144x144xf32> to vector<144xf32>
    %broadcast_in_dim3A_926 = vector.shape_cast %reduce_max3A_925 : vector<144xf32> to vector<144x1xf32>
    %sub3A_927 = vector.broadcast %broadcast_in_dim3A_926 : vector<144x1xf32> to vector<144x144xf32>
    %sub3A_928 = arith.subf %add3A_923, %sub3A_927 : vector<144x144xf32>
    %exp3A_929 = math.exp %sub3A_928 : vector<144x144xf32>
    %reduce_sum3A_930 = arith.constant dense<0.000000e+00> : vector<144xf32>
    %reduce_sum3A_931 = vector.multi_reduction <add>, %exp3A_929, %reduce_sum3A_930 [1] : vector<144x144xf32> to vector<144xf32>
    %broadcast_in_dim3A_932 = vector.shape_cast %reduce_sum3A_931 : vector<144xf32> to vector<144x1xf32>
    %div3A_933 = vector.broadcast %broadcast_in_dim3A_932 : vector<144x1xf32> to vector<144x144xf32>
    %div3A_934 = arith.divf %exp3A_929, %div3A_933 : vector<144x144xf32>
    %dot_general3A_935 = arith.constant dense<0.000000e+00> : vector<144x64xf32>
    %dot_general3A_936 = tpu.matmul %div3A_934, %slice3A_919, %dot_general3A_935 {dimension_numbers = #tpu.dot_dimension_numbers<[1], [0], [0], [1], [0, 0, 1, 1], [], []>, transpose_lhs_hint = false} : vector<144x144xf32>, vector<144x64xf32>, vector<144x64xf32> -> vector<144x64xf32>
    %slice3A_937 = vector.extract_strided_slice %mul3A_49 {offsets = [432, 512], sizes = [144, 64], strides = [1, 1]} : vector<576x768xf32> to vector<144x64xf32>
    %slice3A_938 = vector.extract_strided_slice %add3A_46 {offsets = [432, 1280], sizes = [144, 64], strides = [1, 1]} : vector<576x2304xf32> to vector<144x64xf32>
    %slice3A_939 = vector.extract_strided_slice %add3A_46 {offsets = [432, 2048], sizes = [144, 64], strides = [1, 1]} : vector<576x2304xf32> to vector<144x64xf32>
    %dot_general3A_940 = arith.constant dense<0.000000e+00> : vector<144x144xf32>
    %dot_general3A_941 = tpu.matmul %slice3A_937, %slice3A_938, %dot_general3A_940 {dimension_numbers = #tpu.dot_dimension_numbers<[1], [1], [0], [0], [0, 0, 1, 0], [], []>, transpose_lhs_hint = false} : vector<144x64xf32>, vector<144x64xf32>, vector<144x144xf32> -> vector<144x144xf32>
    %add3A_942 = vector.broadcast %select_n3A_56 : vector<1x144xf32> to vector<144x144xf32>
    %add3A_943 = arith.addf %dot_general3A_941, %add3A_942 : vector<144x144xf32>
    %reduce_max3A_944 = arith.constant dense<0xFF800000> : vector<144xf32>
    %reduce_max3A_945 = vector.multi_reduction <maximumf>, %add3A_943, %reduce_max3A_944 [1] : vector<144x144xf32> to vector<144xf32>
    %broadcast_in_dim3A_946 = vector.shape_cast %reduce_max3A_945 : vector<144xf32> to vector<144x1xf32>
    %sub3A_947 = vector.broadcast %broadcast_in_dim3A_946 : vector<144x1xf32> to vector<144x144xf32>
    %sub3A_948 = arith.subf %add3A_943, %sub3A_947 : vector<144x144xf32>
    %exp3A_949 = math.exp %sub3A_948 : vector<144x144xf32>
    %reduce_sum3A_950 = arith.constant dense<0.000000e+00> : vector<144xf32>
    %reduce_sum3A_951 = vector.multi_reduction <add>, %exp3A_949, %reduce_sum3A_950 [1] : vector<144x144xf32> to vector<144xf32>
    %broadcast_in_dim3A_952 = vector.shape_cast %reduce_sum3A_951 : vector<144xf32> to vector<144x1xf32>
    %div3A_953 = vector.broadcast %broadcast_in_dim3A_952 : vector<144x1xf32> to vector<144x144xf32>
    %div3A_954 = arith.divf %exp3A_949, %div3A_953 : vector<144x144xf32>
    %dot_general3A_955 = arith.constant dense<0.000000e+00> : vector<144x64xf32>
    %dot_general3A_956 = tpu.matmul %div3A_954, %slice3A_939, %dot_general3A_955 {dimension_numbers = #tpu.dot_dimension_numbers<[1], [0], [0], [1], [0, 0, 1, 1], [], []>, transpose_lhs_hint = false} : vector<144x144xf32>, vector<144x64xf32>, vector<144x64xf32> -> vector<144x64xf32>
    %slice3A_957 = vector.extract_strided_slice %mul3A_49 {offsets = [432, 576], sizes = [144, 64], strides = [1, 1]} : vector<576x768xf32> to vector<144x64xf32>
    %slice3A_958 = vector.extract_strided_slice %add3A_46 {offsets = [432, 1344], sizes = [144, 64], strides = [1, 1]} : vector<576x2304xf32> to vector<144x64xf32>
    %slice3A_959 = vector.extract_strided_slice %add3A_46 {offsets = [432, 2112], sizes = [144, 64], strides = [1, 1]} : vector<576x2304xf32> to vector<144x64xf32>
    %dot_general3A_960 = arith.constant dense<0.000000e+00> : vector<144x144xf32>
    %dot_general3A_961 = tpu.matmul %slice3A_957, %slice3A_958, %dot_general3A_960 {dimension_numbers = #tpu.dot_dimension_numbers<[1], [1], [0], [0], [0, 0, 1, 0], [], []>, transpose_lhs_hint = false} : vector<144x64xf32>, vector<144x64xf32>, vector<144x144xf32> -> vector<144x144xf32>
    %add3A_962 = vector.broadcast %select_n3A_56 : vector<1x144xf32> to vector<144x144xf32>
    %add3A_963 = arith.addf %dot_general3A_961, %add3A_962 : vector<144x144xf32>
    %reduce_max3A_964 = arith.constant dense<0xFF800000> : vector<144xf32>
    %reduce_max3A_965 = vector.multi_reduction <maximumf>, %add3A_963, %reduce_max3A_964 [1] : vector<144x144xf32> to vector<144xf32>
    %broadcast_in_dim3A_966 = vector.shape_cast %reduce_max3A_965 : vector<144xf32> to vector<144x1xf32>
    %sub3A_967 = vector.broadcast %broadcast_in_dim3A_966 : vector<144x1xf32> to vector<144x144xf32>
    %sub3A_968 = arith.subf %add3A_963, %sub3A_967 : vector<144x144xf32>
    %exp3A_969 = math.exp %sub3A_968 : vector<144x144xf32>
    %reduce_sum3A_970 = arith.constant dense<0.000000e+00> : vector<144xf32>
    %reduce_sum3A_971 = vector.multi_reduction <add>, %exp3A_969, %reduce_sum3A_970 [1] : vector<144x144xf32> to vector<144xf32>
    %broadcast_in_dim3A_972 = vector.shape_cast %reduce_sum3A_971 : vector<144xf32> to vector<144x1xf32>
    %div3A_973 = vector.broadcast %broadcast_in_dim3A_972 : vector<144x1xf32> to vector<144x144xf32>
    %div3A_974 = arith.divf %exp3A_969, %div3A_973 : vector<144x144xf32>
    %dot_general3A_975 = arith.constant dense<0.000000e+00> : vector<144x64xf32>
    %dot_general3A_976 = tpu.matmul %div3A_974, %slice3A_959, %dot_general3A_975 {dimension_numbers = #tpu.dot_dimension_numbers<[1], [0], [0], [1], [0, 0, 1, 1], [], []>, transpose_lhs_hint = false} : vector<144x144xf32>, vector<144x64xf32>, vector<144x64xf32> -> vector<144x64xf32>
    %slice3A_977 = vector.extract_strided_slice %mul3A_49 {offsets = [432, 640], sizes = [144, 64], strides = [1, 1]} : vector<576x768xf32> to vector<144x64xf32>
    %slice3A_978 = vector.extract_strided_slice %add3A_46 {offsets = [432, 1408], sizes = [144, 64], strides = [1, 1]} : vector<576x2304xf32> to vector<144x64xf32>
    %slice3A_979 = vector.extract_strided_slice %add3A_46 {offsets = [432, 2176], sizes = [144, 64], strides = [1, 1]} : vector<576x2304xf32> to vector<144x64xf32>
    %dot_general3A_980 = arith.constant dense<0.000000e+00> : vector<144x144xf32>
    %dot_general3A_981 = tpu.matmul %slice3A_977, %slice3A_978, %dot_general3A_980 {dimension_numbers = #tpu.dot_dimension_numbers<[1], [1], [0], [0], [0, 0, 1, 0], [], []>, transpose_lhs_hint = false} : vector<144x64xf32>, vector<144x64xf32>, vector<144x144xf32> -> vector<144x144xf32>
    %add3A_982 = vector.broadcast %select_n3A_56 : vector<1x144xf32> to vector<144x144xf32>
    %add3A_983 = arith.addf %dot_general3A_981, %add3A_982 : vector<144x144xf32>
    %reduce_max3A_984 = arith.constant dense<0xFF800000> : vector<144xf32>
    %reduce_max3A_985 = vector.multi_reduction <maximumf>, %add3A_983, %reduce_max3A_984 [1] : vector<144x144xf32> to vector<144xf32>
    %broadcast_in_dim3A_986 = vector.shape_cast %reduce_max3A_985 : vector<144xf32> to vector<144x1xf32>
    %sub3A_987 = vector.broadcast %broadcast_in_dim3A_986 : vector<144x1xf32> to vector<144x144xf32>
    %sub3A_988 = arith.subf %add3A_983, %sub3A_987 : vector<144x144xf32>
    %exp3A_989 = math.exp %sub3A_988 : vector<144x144xf32>
    %reduce_sum3A_990 = arith.constant dense<0.000000e+00> : vector<144xf32>
    %reduce_sum3A_991 = vector.multi_reduction <add>, %exp3A_989, %reduce_sum3A_990 [1] : vector<144x144xf32> to vector<144xf32>
    %broadcast_in_dim3A_992 = vector.shape_cast %reduce_sum3A_991 : vector<144xf32> to vector<144x1xf32>
    %div3A_993 = vector.broadcast %broadcast_in_dim3A_992 : vector<144x1xf32> to vector<144x144xf32>
    %div3A_994 = arith.divf %exp3A_989, %div3A_993 : vector<144x144xf32>
    %dot_general3A_995 = arith.constant dense<0.000000e+00> : vector<144x64xf32>
    %dot_general3A_996 = tpu.matmul %div3A_994, %slice3A_979, %dot_general3A_995 {dimension_numbers = #tpu.dot_dimension_numbers<[1], [0], [0], [1], [0, 0, 1, 1], [], []>, transpose_lhs_hint = false} : vector<144x144xf32>, vector<144x64xf32>, vector<144x64xf32> -> vector<144x64xf32>
    %slice3A_997 = vector.extract_strided_slice %mul3A_49 {offsets = [432, 704], sizes = [144, 64], strides = [1, 1]} : vector<576x768xf32> to vector<144x64xf32>
    %slice3A_998 = vector.extract_strided_slice %add3A_46 {offsets = [432, 1472], sizes = [144, 64], strides = [1, 1]} : vector<576x2304xf32> to vector<144x64xf32>
    %slice3A_999 = vector.extract_strided_slice %add3A_46 {offsets = [432, 2240], sizes = [144, 64], strides = [1, 1]} : vector<576x2304xf32> to vector<144x64xf32>
    %dot_general3A_1000 = arith.constant dense<0.000000e+00> : vector<144x144xf32>
    %dot_general3A_1001 = tpu.matmul %slice3A_997, %slice3A_998, %dot_general3A_1000 {dimension_numbers = #tpu.dot_dimension_numbers<[1], [1], [0], [0], [0, 0, 1, 0], [], []>, transpose_lhs_hint = false} : vector<144x64xf32>, vector<144x64xf32>, vector<144x144xf32> -> vector<144x144xf32>
    %add3A_1002 = vector.broadcast %select_n3A_56 : vector<1x144xf32> to vector<144x144xf32>
    %add3A_1003 = arith.addf %dot_general3A_1001, %add3A_1002 : vector<144x144xf32>
    %reduce_max3A_1004 = arith.constant dense<0xFF800000> : vector<144xf32>
    %reduce_max3A_1005 = vector.multi_reduction <maximumf>, %add3A_1003, %reduce_max3A_1004 [1] : vector<144x144xf32> to vector<144xf32>
    %broadcast_in_dim3A_1006 = vector.shape_cast %reduce_max3A_1005 : vector<144xf32> to vector<144x1xf32>
    %sub3A_1007 = vector.broadcast %broadcast_in_dim3A_1006 : vector<144x1xf32> to vector<144x144xf32>
    %sub3A_1008 = arith.subf %add3A_1003, %sub3A_1007 : vector<144x144xf32>
    %exp3A_1009 = math.exp %sub3A_1008 : vector<144x144xf32>
    %reduce_sum3A_1010 = arith.constant dense<0.000000e+00> : vector<144xf32>
    %reduce_sum3A_1011 = vector.multi_reduction <add>, %exp3A_1009, %reduce_sum3A_1010 [1] : vector<144x144xf32> to vector<144xf32>
    %broadcast_in_dim3A_1012 = vector.shape_cast %reduce_sum3A_1011 : vector<144xf32> to vector<144x1xf32>
    %div3A_1013 = vector.broadcast %broadcast_in_dim3A_1012 : vector<144x1xf32> to vector<144x144xf32>
    %div3A_1014 = arith.divf %exp3A_1009, %div3A_1013 : vector<144x144xf32>
    %dot_general3A_1015 = arith.constant dense<0.000000e+00> : vector<144x64xf32>
    %dot_general3A_1016 = tpu.matmul %div3A_1014, %slice3A_999, %dot_general3A_1015 {dimension_numbers = #tpu.dot_dimension_numbers<[1], [0], [0], [1], [0, 0, 1, 1], [], []>, transpose_lhs_hint = false} : vector<144x144xf32>, vector<144x64xf32>, vector<144x64xf32> -> vector<144x64xf32>
    %concatenate3A_1017 = tpu.concatenate %dot_general3A_796, %dot_general3A_816, %dot_general3A_836, %dot_general3A_856, %dot_general3A_876, %dot_general3A_896, %dot_general3A_916, %dot_general3A_936, %dot_general3A_956, %dot_general3A_976, %dot_general3A_996, %dot_general3A_1016 in 1 : vector<144x64xf32>, vector<144x64xf32>, vector<144x64xf32>, vector<144x64xf32>, vector<144x64xf32>, vector<144x64xf32>, vector<144x64xf32>, vector<144x64xf32>, vector<144x64xf32>, vector<144x64xf32>, vector<144x64xf32>, vector<144x64xf32> -> vector<144x768xf32>
    %concatenate3A_1018 = tpu.concatenate %concatenate3A, %concatenate3A_535, %concatenate3A_776, %concatenate3A_1017 in 0 : vector<144x768xf32>, vector<144x768xf32>, vector<144x768xf32>, vector<144x768xf32> -> vector<576x768xf32>
    %get3A_1019 = arith.constant 0 : index
    %get3A_1020 = arith.constant 0 : index
    %get3A_1021 = vector.load %arg6[%get3A_1019, %get3A_1020] : memref<768x768xf32, #tpu.memory_space<vmem>>, vector<768x768xf32>
    %dot_general3A_1022 = arith.constant dense<0.000000e+00> : vector<576x768xf32>
    %dot_general3A_1023 = tpu.matmul %concatenate3A_1018, %get3A_1021, %dot_general3A_1022 {dimension_numbers = #tpu.dot_dimension_numbers<[1], [1], [0], [0], [0, 0, 1, 0], [], []>, transpose_lhs_hint = false} : vector<576x768xf32>, vector<768x768xf32>, vector<576x768xf32> -> vector<576x768xf32>
    %add3A_1024 = arith.addf %reshape3A, %dot_general3A_1023 : vector<576x768xf32>
    %get3A_1025 = arith.constant 0 : index
    %get3A_1026 = arith.constant 0 : index
    %get3A_1027 = vector.load %arg7[%get3A_1025, %get3A_1026] : memref<1x768xf32, #tpu.memory_space<vmem>>, vector<1x768xf32>
    %add3A_1028 = vector.broadcast %get3A_1027 : vector<1x768xf32> to vector<576x768xf32>
    %add3A_1029 = arith.addf %add3A_1024, %add3A_1028 : vector<576x768xf32>
    %get3A_1030 = arith.constant 0 : index
    %get3A_1031 = arith.constant 0 : index
    %get3A_1032 = vector.load %arg8[%get3A_1030, %get3A_1031] : memref<1x768xf32, #tpu.memory_space<vmem>>, vector<1x768xf32>
    %get3A_1033 = arith.constant 0 : index
    %get3A_1034 = arith.constant 0 : index
    %get3A_1035 = vector.load %arg9[%get3A_1033, %get3A_1034] : memref<1x768xf32, #tpu.memory_space<vmem>>, vector<1x768xf32>
    %reduce_sum3A_1036 = arith.constant dense<0.000000e+00> : vector<576xf32>
    %reduce_sum3A_1037 = vector.multi_reduction <add>, %add3A_1029, %reduce_sum3A_1036 [1] : vector<576x768xf32> to vector<576xf32>
    %broadcast_in_dim3A_1038 = vector.shape_cast %reduce_sum3A_1037 : vector<576xf32> to vector<576x1xf32>
    %div3A_1039 = arith.constant 7.680000e+02 : f32
    %div3A_1040 = vector.broadcast %div3A_1039 : f32 to vector<576x1xf32>
    %div3A_1041 = arith.divf %broadcast_in_dim3A_1038, %div3A_1040 : vector<576x1xf32>
    %jit3A_1042 = arith.constant 0 : i32
    %reduce_sum3A_1043 = arith.constant dense<0.000000e+00> : vector<576xf32>
    %reduce_sum3A_1044 = vector.multi_reduction <add>, %add3A_1029, %reduce_sum3A_1043 [1] : vector<576x768xf32> to vector<576xf32>
    %broadcast_in_dim3A_1045 = vector.shape_cast %reduce_sum3A_1044 : vector<576xf32> to vector<576x1xf32>
    %div3A_1046 = arith.constant 7.680000e+02 : f32
    %div3A_1047 = vector.broadcast %div3A_1046 : f32 to vector<576x1xf32>
    %div3A_1048 = arith.divf %broadcast_in_dim3A_1045, %div3A_1047 : vector<576x1xf32>
    %sub3A_1049 = vector.broadcast %div3A_1048 : vector<576x1xf32> to vector<576x768xf32>
    %sub3A_1050 = arith.subf %add3A_1029, %sub3A_1049 : vector<576x768xf32>
    %square3A_1051 = arith.mulf %sub3A_1050, %sub3A_1050 : vector<576x768xf32>
    %convert_element_type3A_1052 = arith.sitofp %jit3A_1042 : i32 to f32
    %sub3A_1053 = arith.constant 7.680000e+02 : f32
    %sub3A_1054 = arith.subf %sub3A_1053, %convert_element_type3A_1052 : f32
    %reduce_sum3A_1055 = arith.constant dense<0.000000e+00> : vector<576xf32>
    %reduce_sum3A_1056 = vector.multi_reduction <add>, %square3A_1051, %reduce_sum3A_1055 [1] : vector<576x768xf32> to vector<576xf32>
    %broadcast_in_dim3A_1057 = vector.shape_cast %reduce_sum3A_1056 : vector<576xf32> to vector<576x1xf32>
    %div3A_1058 = vector.broadcast %sub3A_1054 : f32 to vector<576x1xf32>
    %div3A_1059 = arith.divf %broadcast_in_dim3A_1057, %div3A_1058 : vector<576x1xf32>
    %gt3A_1060 = arith.constant 0.000000e+00 : f32
    %gt3A_1061 = arith.cmpf ogt, %sub3A_1054, %gt3A_1060 : f32
    %jit3A_1062 = arith.constant 0x7FC00000 : f32
    %broadcast_in_dim3A_1063 = vector.broadcast %jit3A_1062 : f32 to vector<576x1xf32>
    %select_n3A_1064 = arith.select %gt3A_1061, %div3A_1059, %broadcast_in_dim3A_1063 : vector<576x1xf32>
    %sub3A_1065 = vector.broadcast %div3A_1041 : vector<576x1xf32> to vector<576x768xf32>
    %sub3A_1066 = arith.subf %add3A_1029, %sub3A_1065 : vector<576x768xf32>
    %add3A_1067 = arith.constant 9.99999974E-6 : f32
    %add3A_1068 = vector.broadcast %add3A_1067 : f32 to vector<576x1xf32>
    %add3A_1069 = arith.addf %select_n3A_1064, %add3A_1068 : vector<576x1xf32>
    %sqrt3A_1070 = math.sqrt %add3A_1069 : vector<576x1xf32>
    %div3A_1071 = vector.broadcast %sqrt3A_1070 : vector<576x1xf32> to vector<576x768xf32>
    %div3A_1072 = arith.divf %sub3A_1066, %div3A_1071 : vector<576x768xf32>
    %mul3A_1073 = vector.broadcast %get3A_1032 : vector<1x768xf32> to vector<576x768xf32>
    %mul3A_1074 = arith.mulf %div3A_1072, %mul3A_1073 : vector<576x768xf32>
    %add3A_1075 = vector.broadcast %get3A_1035 : vector<1x768xf32> to vector<576x768xf32>
    %add3A_1076 = arith.addf %mul3A_1074, %add3A_1075 : vector<576x768xf32>
    %get3A_1077 = arith.constant 0 : index
    %get3A_1078 = arith.constant 0 : index
    %get3A_1079 = vector.load %arg10[%get3A_1077, %get3A_1078] : memref<3072x768xf32, #tpu.memory_space<vmem>>, vector<3072x768xf32>
    %dot_general3A_1080 = arith.constant dense<0.000000e+00> : vector<576x3072xf32>
    %dot_general3A_1081 = tpu.matmul %add3A_1076, %get3A_1079, %dot_general3A_1080 {dimension_numbers = #tpu.dot_dimension_numbers<[1], [1], [0], [0], [0, 0, 1, 0], [], []>, transpose_lhs_hint = false} : vector<576x768xf32>, vector<3072x768xf32>, vector<576x3072xf32> -> vector<576x3072xf32>
    %get3A_1082 = arith.constant 0 : index
    %get3A_1083 = arith.constant 0 : index
    %get3A_1084 = vector.load %arg11[%get3A_1082, %get3A_1083] : memref<1x3072xf32, #tpu.memory_space<vmem>>, vector<1x3072xf32>
    %add3A_1085 = vector.broadcast %get3A_1084 : vector<1x3072xf32> to vector<576x3072xf32>
    %add3A_1086 = arith.addf %dot_general3A_1081, %add3A_1085 : vector<576x3072xf32>
    %integer_pow3A = arith.mulf %add3A_1086, %add3A_1086 : vector<576x3072xf32>
    %integer_pow3A_1087 = arith.mulf %add3A_1086, %integer_pow3A : vector<576x3072xf32>
    %mul3A_1088 = arith.constant 4.471500e-02 : f32
    %mul3A_1089 = vector.broadcast %mul3A_1088 : f32 to vector<576x3072xf32>
    %mul3A_1090 = arith.mulf %mul3A_1089, %integer_pow3A_1087 : vector<576x3072xf32>
    %add3A_1091 = arith.addf %add3A_1086, %mul3A_1090 : vector<576x3072xf32>
    %mul3A_1092 = arith.constant 0.797884583 : f32
    %mul3A_1093 = vector.broadcast %mul3A_1092 : f32 to vector<576x3072xf32>
    %mul3A_1094 = arith.mulf %mul3A_1093, %add3A_1091 : vector<576x3072xf32>
    %tanh3A = math.tanh %mul3A_1094 : vector<576x3072xf32>
    %add3A_1095 = arith.constant 1.000000e+00 : f32
    %add3A_1096 = vector.broadcast %add3A_1095 : f32 to vector<576x3072xf32>
    %add3A_1097 = arith.addf %add3A_1096, %tanh3A : vector<576x3072xf32>
    %mul3A_1098 = arith.constant 5.000000e-01 : f32
    %mul3A_1099 = vector.broadcast %mul3A_1098 : f32 to vector<576x3072xf32>
    %mul3A_1100 = arith.mulf %mul3A_1099, %add3A_1097 : vector<576x3072xf32>
    %mul3A_1101 = arith.mulf %add3A_1086, %mul3A_1100 : vector<576x3072xf32>
    %get3A_1102 = arith.constant 0 : index
    %get3A_1103 = arith.constant 0 : index
    %get3A_1104 = vector.load %arg12[%get3A_1102, %get3A_1103] : memref<768x3072xf32, #tpu.memory_space<vmem>>, vector<768x3072xf32>
    %dot_general3A_1105 = arith.constant dense<0.000000e+00> : vector<576x768xf32>
    %dot_general3A_1106 = tpu.matmul %mul3A_1101, %get3A_1104, %dot_general3A_1105 {dimension_numbers = #tpu.dot_dimension_numbers<[1], [1], [0], [0], [0, 0, 1, 0], [], []>, transpose_lhs_hint = false} : vector<576x3072xf32>, vector<768x3072xf32>, vector<576x768xf32> -> vector<576x768xf32>
    %add3A_1107 = arith.addf %add3A_1029, %dot_general3A_1106 : vector<576x768xf32>
    %get3A_1108 = arith.constant 0 : index
    %get3A_1109 = arith.constant 0 : index
    %get3A_1110 = vector.load %arg13[%get3A_1108, %get3A_1109] : memref<1x768xf32, #tpu.memory_space<vmem>>, vector<1x768xf32>
    %add3A_1111 = vector.broadcast %get3A_1110 : vector<1x768xf32> to vector<576x768xf32>
    %add3A_1112 = arith.addf %add3A_1107, %add3A_1111 : vector<576x768xf32>
    %get3A_1113 = arith.constant 0 : index
    %get3A_1114 = arith.constant 0 : index
    %get3A_1115 = vector.load %arg14[%get3A_1113, %get3A_1114] : memref<1024x768xf32, #tpu.memory_space<vmem>>, vector<1024x768xf32>
    %dot_general3A_1116 = arith.constant dense<0.000000e+00> : vector<576x1024xf32>
    %dot_general3A_1117 = tpu.matmul %add3A_1112, %get3A_1115, %dot_general3A_1116 {dimension_numbers = #tpu.dot_dimension_numbers<[1], [1], [0], [0], [0, 0, 1, 0], [], []>, transpose_lhs_hint = false} : vector<576x768xf32>, vector<1024x768xf32>, vector<576x1024xf32> -> vector<576x1024xf32>
    %reshape3A_1118 = vector.shape_cast %dot_general3A_1117 : vector<576x1024xf32> to vector<4x144x1024xf32>
    %swap3A = arith.constant 0 : index
    %swap3A_1119 = arith.constant 0 : index
    %swap3A_1120 = arith.constant 0 : index
    %swap3A_1121 = vector.load %arg15[%swap3A, %swap3A_1119, %swap3A_1120] : memref<4x144x1024xf32, #tpu.memory_space<vmem>>, vector<4x144x1024xf32>
    tpu.vector_store %arg15[%swap3A, %swap3A_1119, %swap3A_1120], %reshape3A_1118 {strides = array<i32>} : memref<4x144x1024xf32, #tpu.memory_space<vmem>>, vector<4x144x1024xf32>,
    return
  }
  func.func @transform_0(%arg0: i32) -> (i32, i32, i32) {
    %c0_i32 = arith.constant 0 : i32
    %c0_i32_0 = arith.constant 0 : i32
    %c0_i32_1 = arith.constant 0 : i32
    return %arg0, %c0_i32, %c0_i32_0 : i32, i32, i32
  }
  func.func @transform_1(%arg0: i32) -> (i32, i32) {
    %c0_i32 = arith.constant 0 : i32
    %c0_i32_0 = arith.constant 0 : i32
    %c0_i32_1 = arith.constant 0 : i32
    return %c0_i32, %c0_i32_0 : i32, i32
  }
  func.func @transform_2(%arg0: i32) -> (i32, i32) {
    %c0_i32 = arith.constant 0 : i32
    %c0_i32_0 = arith.constant 0 : i32
    %c0_i32_1 = arith.constant 0 : i32
    return %c0_i32, %c0_i32_0 : i32, i32
  }
  func.func @transform_3(%arg0: i32) -> (i32, i32) {
    %c0_i32 = arith.constant 0 : i32
    %c0_i32_0 = arith.constant 0 : i32
    %c0_i32_1 = arith.constant 0 : i32
    return %c0_i32, %c0_i32_0 : i32, i32
  }
  func.func @transform_4(%arg0: i32) -> (i32, i32) {
    %c0_i32 = arith.constant 0 : i32
    %c0_i32_0 = arith.constant 0 : i32
    %c0_i32_1 = arith.constant 0 : i32
    return %c0_i32, %c0_i32_0 : i32, i32
  }
  func.func @transform_5(%arg0: i32) -> (i32, i32) {
    %c0_i32 = arith.constant 0 : i32
    %c0_i32_0 = arith.constant 0 : i32
    %c0_i32_1 = arith.constant 0 : i32
    return %c0_i32, %c0_i32_0 : i32, i32
  }
  func.func @transform_6(%arg0: i32) -> (i32, i32) {
    %c0_i32 = arith.constant 0 : i32
    %c0_i32_0 = arith.constant 0 : i32
    %c0_i32_1 = arith.constant 0 : i32
    return %c0_i32, %c0_i32_0 : i32, i32
  }
  func.func @transform_7(%arg0: i32) -> (i32, i32) {
    %c0_i32 = arith.constant 0 : i32
    %c0_i32_0 = arith.constant 0 : i32
    %c0_i32_1 = arith.constant 0 : i32
    return %c0_i32, %c0_i32_0 : i32, i32
  }
  func.func @transform_8(%arg0: i32) -> (i32, i32) {
    %c0_i32 = arith.constant 0 : i32
    %c0_i32_0 = arith.constant 0 : i32
    %c0_i32_1 = arith.constant 0 : i32
    return %c0_i32, %c0_i32_0 : i32, i32
  }
  func.func @transform_9(%arg0: i32) -> (i32, i32) {
    %c0_i32 = arith.constant 0 : i32
    %c0_i32_0 = arith.constant 0 : i32
    %c0_i32_1 = arith.constant 0 : i32
    return %c0_i32, %c0_i32_0 : i32, i32
  }
  func.func @transform_10(%arg0: i32) -> (i32, i32) {
    %c0_i32 = arith.constant 0 : i32
    %c0_i32_0 = arith.constant 0 : i32
    %c0_i32_1 = arith.constant 0 : i32
    return %c0_i32, %c0_i32_0 : i32, i32
  }
  func.func @transform_11(%arg0: i32) -> (i32, i32) {
    %c0_i32 = arith.constant 0 : i32
    %c0_i32_0 = arith.constant 0 : i32
    %c0_i32_1 = arith.constant 0 : i32
    return %c0_i32, %c0_i32_0 : i32, i32
  }
  func.func @transform_12(%arg0: i32) -> (i32, i32) {
    %c0_i32 = arith.constant 0 : i32
    %c0_i32_0 = arith.constant 0 : i32
    %c0_i32_1 = arith.constant 0 : i32
    return %c0_i32, %c0_i32_0 : i32, i32
  }
  func.func @transform_13(%arg0: i32) -> (i32, i32) {
    %c0_i32 = arith.constant 0 : i32
    %c0_i32_0 = arith.constant 0 : i32
    %c0_i32_1 = arith.constant 0 : i32
    return %c0_i32, %c0_i32_0 : i32, i32
  }
  func.func @transform_14(%arg0: i32) -> (i32, i32, i32) {
    %c0_i32 = arith.constant 0 : i32
    %c0_i32_0 = arith.constant 0 : i32
    %c0_i32_1 = arith.constant 0 : i32
    return %arg0, %c0_i32, %c0_i32_0 : i32, i32, i32
  }
}

</mosaic_0001>

<sc_bundles>
// kernel: kernel.8.cloned.1.call-start
scs
__scs_entry_jumppad:
0x0: {  	(pc) =	sbr.rel $0x88, $3  }
0x1: {  	(tag) =	ssettag $0x0;
	lr =	simm.s32 $0x1  }
0x2: {  	[smem:$0x3F36] =	sst lr;
	_ =	strace $0xD0000000  }
0x3: {  	_ = 	snop  }
0x4: {  	_ = 	snop  }
0x5: {  	_ = 	snop  }
0x6: {  	_ = 	snop  }
0x7: {  	_ = 	snop  }
__scs_overlays_trampoline_lowered:
0x8: {  	[smem:$0x3F45] =	sst s0  }
0x9: {  	[smem:$0x3F46] =	sst s1  }
0xa: {  	[smem:$0x3F47] =	sst s2  }
0xb: {  	[smem:$0x3F48] =	sst s3  }
0xc: {  	[smem:$0x3F49] =	sst s4  }
0xd: {  	[smem:$0x3F4A] =	sst s5  }
0xe: {  	[smem:$0x3F4B] =	sst s6  }
0xf: {  	[smem:$0x3F4C] =	sst s7  }
0x10: {  	[smem:$0x3F4D] =	sst s8  }
0x11: {  	[smem:$0x3F4E] =	sst s9;
	s0 =	simm.s32 @!p0 $0x0  }
0x12: {  	s1 =	sld [smem:$0x3F34];
	s0 =	simm.s32 @p0 $0x1  }
0x13: {  	[smem:$0x3F4F] =	sst s0;
	s0 =	simm.s32 @!p1 $0x0  }
0x14: {  	s2 =	sld [smem:$0x3F33];
	s0 =	simm.s32 @p1 $0x1  }
0x15: {  	[smem:$0x3F50] =	sst s0;
	s0 =	simm.s32 @!p2 $0x0  }
0x16: {  	s3 =	sld [smem:$0x3FDB];
	s0 =	simm.s32 @p2 $0x1  }
0x17: {  	s4 =	simm.s32 $0x1BF5;
	[smem:$0x3F52] =	sst s0  }
0x18: {  	s0 =	sld [smem:$0x3F35];
	_ =	swait.ge [sflag:s4], $0x0  }
0x19: {  	s7 =	sld [smem:$0x3F36]  }
0x1a: {  	s8 =	sadd.s32 $0xFFFFE003, lr  }
0x1b: {  	s9 =	sadd.s32 $0xFFFFFEF7, lr;
	s5 =	simm.s32 $0xFFFFFFFF;
	p2 =	slt.u32 s8, $0xFFFFF086  }
0x1c: {  	p1 =	slt.u32 s9, $0xF7A;
	s5 =	simm.s32 @!p2 $0x0  }
0x1d: {  	s5 =	simm.s32 @p1 $0x1;
	p0 =	seq.s32 s7, s2  }
0x1e: {  	s7 =	smul.u32 @!p0 $0xF7A, s2;
	p2 =	seq.s32 @!p0 s5, $0x0  }
0x1f: {  	s9 =	smul.u32 $0xF7A, s1;
	s8 =	simm.s32 @!p0 $0x1BF5;
	p2 =	por !p2, p0  }
0x20: {  	[sflag:s8] =	ssyncset.s32 @!p0 $0xFFFFF086;
	s6 =	sadd.s32 @!p0 s3, s7;
	s7 =	simm.s32 @!p0 $0x108  }
0x21: {  	s3 =	sadd.s32 s3, s9;
	s6 =	sadd.s32 @!p0 $0x88, s6;
	s7 =	simm.s32 @p2 $0x1082  }
0x22: {  	[simem:s7], [sflag:s8] =	dma.local @!p0 [hbm:s6], $0xF7A  }
0x23: {  	s9 =	sor.u32 $0xD0000000, s2;
	s6 =	simm.s32 $0x108;
	_ =	swait.ge @!p0 [sflag:s8], $0x0  }
0x24: {  	s3 =	sadd.s32 $0x88, s3;
	s6 =	simm.s32 @!p1 $0x1082;
	[sflag:s4] =	ssyncset.s32 $0xFFFFF086  }
0x25: {  	[simem:s6], [sflag:s4] =	dma.local [hbm:s3], $0xF7A  }
0x26: {  	[smem:$0x3F36] =	sst s1;
	(tag) =	ssettag s2;
	_ =	strace s9  }
0x27: {  	s1 =	sld [smem:$0x3F46]  }
0x28: {  	s2 =	sld [smem:$0x3F47]  }
0x29: {  	s4 =	sld [smem:$0x3F49]  }
0x2a: {  	p0 =	seq.s32 s5, $0x0;
	s5 =	sld [smem:$0x3F4A]  }
0x2b: {  	s6 =	sld [smem:$0x3F4B]  }
0x2c: {  	s7 =	sld [smem:$0x3F4C]  }
0x2d: {  	s3 =	simm.s32 $0x108;
	s8 =	sld [smem:$0x3F4D]  }
0x2e: {  	s3 =	simm.s32 @!p0 $0x1082;
	s9 =	sld [smem:$0x3F4E]  }
0x2f: {  	lr =	sadd.s32 s0, s3;
	s0 =	sld [smem:$0x3F45]  }
0x30: {  	s3 =	sld [smem:$0x3F48]  }
0x31: {  	[smem:$0x3F51] =	sst s10  }
0x32: {  	s10 =	sld [smem:$0x3F4F];
	_ =	sdelay $0x3  }
0x33: {  	p0 =	seq.s32 s10, $0x1;
	s10 =	sld [smem:$0x3F51];
	_ =	sdelay $0x3  }
0x34: {  	[smem:$0x3F51] =	sst s10  }
0x35: {  	s10 =	sld [smem:$0x3F50];
	_ =	sdelay $0x3  }
0x36: {  	p1 =	seq.s32 s10, $0x1;
	s10 =	sld [smem:$0x3F51];
	_ =	sdelay $0x3  }
0x37: {  	[smem:$0x3F51] =	sst s10  }
0x38: {  	s10 =	sld [smem:$0x3F52]  }
0x39: {  	_ = 	snop;
	(pc) =	sbr.ind lr, $3  }
0x3a: {  	_ = 	snop  }
0x3b: {  	_ = 	snop  }
0x3c: {  	p2 =	seq.s32 s10, $0x1;
	s10 =	sld [smem:$0x3F51]  }
0x3d: {  	_ =	shalt  }
0x3e: {  	_ =	shalt  }
0x3f: {  	_ =	shalt  }
0x40: {  	_ =	shalt  }
0x41: {  	_ =	shalt  }
0x42: {  	_ =	shalt  }
0x43: {  	_ =	shalt  }
0x44: {  	_ =	shalt  }
0x45: {  	_ =	shalt  }
0x46: {  	_ =	shalt  }
0x47: {  	_ =	shalt  }
0x48: {  	_ =	shalt  }
0x49: {  	_ =	shalt  }
0x4a: {  	_ =	shalt  }
0x4b: {  	_ =	shalt  }
0x4c: {  	_ =	shalt  }
0x4d: {  	_ =	shalt  }
0x4e: {  	_ =	shalt  }
0x4f: {  	_ =	shalt  }
0x50: {  	_ =	shalt  }
0x51: {  	_ =	shalt  }
0x52: {  	_ =	shalt  }
0x53: {  	_ =	shalt  }
0x54: {  	_ =	shalt  }
0x55: {  	_ =	shalt  }
0x56: {  	_ =	shalt  }
0x57: {  	_ =	shalt  }
0x58: {  	_ =	shalt  }
0x59: {  	_ =	shalt  }
0x5a: {  	_ =	shalt  }
0x5b: {  	_ =	shalt  }
0x5c: {  	_ =	shalt  }
0x5d: {  	_ =	shalt  }
0x5e: {  	_ =	shalt  }
0x5f: {  	_ =	shalt  }
0x60: {  	_ =	shalt  }
0x61: {  	_ =	shalt  }
0x62: {  	_ =	shalt  }
0x63: {  	_ =	shalt  }
0x64: {  	_ =	shalt  }
0x65: {  	_ =	shalt  }
0x66: {  	_ =	shalt  }
0x67: {  	_ =	shalt  }
0x68: {  	_ =	shalt  }
0x69: {  	_ =	shalt  }
0x6a: {  	_ =	shalt  }
0x6b: {  	_ =	shalt  }
0x6c: {  	_ =	shalt  }
0x6d: {  	_ =	shalt  }
0x6e: {  	_ =	shalt  }
0x6f: {  	_ =	shalt  }
0x70: {  	_ =	shalt  }
0x71: {  	_ =	shalt  }
0x72: {  	_ =	shalt  }
0x73: {  	_ =	shalt  }
0x74: {  	_ =	shalt  }
0x75: {  	_ =	shalt  }
0x76: {  	_ =	shalt  }
0x77: {  	_ =	shalt  }
0x78: {  	_ =	shalt  }
0x79: {  	_ =	shalt  }
0x7a: {  	_ =	shalt  }
0x7b: {  	_ =	shalt  }
0x7c: {  	_ =	shalt  }
0x7d: {  	_ =	shalt  }
0x7e: {  	_ =	shalt  }
0x7f: {  	_ =	shalt  }
0x80: {  	_ =	shalt  }
0x81: {  	_ =	shalt  }
0x82: {  	_ =	shalt  }
0x83: {  	_ =	shalt  }
0x84: {  	_ =	shalt  }
0x85: {  	_ =	shalt  }
0x86: {  	_ =	shalt  }
0x87: {  	_ =	shalt  }
.Lfunc_end0:
.L_simem_size_0:
called_computation_lowered:
.L_overlay_start_0:
0x88: {  	s2 =	sld [smem:$0x3FD9]  }
0x89: {  	s3 =	sld [smem:$0x3FFE];
	_ =	sdelay $0x1  }
0x8a: {  	s1 =	srdreg.scid  }
0x8b: {  	s0 =	sand.u32 $0x1, s1  }
0x8c: {  	s15 =	sshll.u32 s0, $0xA;
	s2 =	sadd.s32 s3, s2  }
0x8d: {  	s2 =	sadd.s32 s2, s15  }
0x8e: {  	[smem:$0x3F5D] =	sst s2  }
0x8f: {  	_ = 	snop  }
0x90: {  	s2 =	sld [smem:$0x3FD0];
	_ =	sdelay $0x1  }
0x91: {  	s16 =	sld [smem:$0x3FC9]  }
0x92: {  	s5 =	simm.s32 $0xA;
	s6 =	simm.s32 $0x10;
	s4 =	sld [smem:$0x3F5F]  }
0x93: {  	[smem:s6], [sflag:s5] =	dma.local [hbm:s2], $0x1  }
0x94: {  	_ =	swait.eq [sflag:s5], $0x1  }
0x95: {  	[sflag:s5] =	ssyncset.done $0x0  }
0x96: {  	[sflag:s5] =	ssyncadd.s32 $0xFFFFFFFF  }
0x97: {  	s17 =	sld [smem:$0x10];
	(tm) =	ssettm $0x1  }
0x98: {  	s18 =	sld [smem:$0x3FFB];
	_ =	sdelay $0x3  }
0x99: {  	_ =	strace s18  }
0x9a: {  	s5 =	sld [smem:$0x3FFC];
	_ =	sdelay $0x3  }
0x9b: {  	_ =	strace s5  }
0x9c: {  	s5 =	sld [smem:$0x3FFD];
	_ =	sdelay $0x3  }
0x9d: {  	_ =	strace s5  }
0x9e: {  	_ =	strace $0x8FFFFFFF  }
0x9f: {  	s19 =	sld [smem:$0x3FDB];
	_ =	sdelay $0x1  }
0xa0: {  	s20 =	simm.s32 $_scs_section_size  }
0xa1: {  	s7 =	simm.s32 $_size__tile_overlayer_lowered;
	s8 =	simm.s32 $_tile_overlayer_lowered  }
0xa2: {  	s23 =	simm.s32 $0x1BFF;
	s22 =	sshll.u32 s8, $0x1;
	s5 =	sadd.s32 s20, s19  }
0xa3: {  	s9 =	simm.s32 $0x0;
	s21 =	sshll.u32 s7, $0x1;
	s7 =	sadd.s32 s22, s5  }
0xa4: {  	[timem:s9], [sflag:s23] =	dma.local [hbm:s7], s21  }
0xa5: {  	_ =	swait.ge [sflag:s23], s21  }
0xa6: {  	s6 =	ssub.s32 $0x0, s21;
	[sflag:s23] =	ssyncset.done $0x0  }
0xa7: {  	[sflag:s23] =	ssyncadd.s32 s6;
	_ =	sdelay $0x1  }
0xa8: {  	s24 =	simm.s32 $0x1B8B  }
0xa9: {  	_ =	swait.ge [sflag:s24], $0x1  }
0xaa: {  	[sflag:s24] =	ssyncset.done $0x0  }
0xab: {  	s25 =	simm.s32 $0x1B8E;
	[sflag:s24] =	ssyncadd.s32 $0xFFFFFFFF  }
0xac: {  	s26 =	simm.s32 $execute0_lowered;
	[smem:$0x3FD2] =	sst s25  }
0xad: {  	s6 =	sshll.u32 s26, $0x1;
	_ =	strace $0x80000046;
	[dreg:$0x1] =	wrdreg $0xFFFFFFFF  }
0xae: {  	s28 =	simm.s32 $_size_execute0_lowered;
	s5 =	sadd.s32 s5, s6;
	[dreg:$0x0] =	wrdreg $0x0  }
0xaf: {  	s6 =	sshll.u32 s28, $0x1;
	[dreg:$0x2] =	wrdreg s5  }
0xb0: {  	[dreg:$0x3] =	wrdreg s6  }
0xb1: {  	[dreg:$0x4] =	wrdreg $0xC0  }
0xb2: {  	_ =	task [dreg:s9], $0x5FFFF  }
0xb3: {  	[dreg:$0x1] =	wrdreg $0xFFFFFFFF  }
0xb4: {  	[dreg:$0x0] =	wrdreg $0x60  }
0xb5: {  	[dreg:$0x2] =	wrdreg s4  }
0xb6: {  	[dreg:$0x3] =	wrdreg s16  }
0xb7: {  	[dreg:$0x4] =	wrdreg s17  }
0xb8: {  	[dreg:$0x5] =	wrdreg $0x9  }
0xb9: {  	_ =	task.clear_ibuf [dreg:s9], $0x6FFFF;
	_ =	strace $0x90000046  }
0xba: {  	s29 =	simm.s32 $0x9;
	_ =	strace $0x80000048  }
0xbb: {  	_ =	swait.ge [sflag:s29], $0x1  }
0xbc: {  	[sflag:s29] =	ssyncadd.s32 $0xFFFFFFFF  }
0xbd: {  	_ =	strace $0x90000048  }
0xbe: {  	_ =	sfence  }
0xbf: {  	s30 =	sld [smem:$0x0];
	_ =	sdelay $0x2  }
0xc0: {  	s31 =	sshll.u32 s1, $0xD;
	s1 =	sshrl.u32 s1, $0x2  }
0xc1: {  	s3 =	sand.u32 $0x4000, s31;
	s1 =	sadd.s32 s1, s30  }
0xc2: {  	s0 =	sor.u32 s3, s0;
	s1 =	sshll.u32 s1, $0x11  }
0xc3: {  	s0 =	sor.u32 s1, s0  }
0xc4: {  	s0 =	sadd.s32 $0x8F2B, s0  }
0xc5: {  	[sflag:s0] =	ssyncadd.remote.s32 $0x1  }
0xc6: {  	_ =	sfence.sel $0xFFFF  }
0xc7: {  	[dreg:$0x0] =	wrdreg $0xFFFFFFFF;
	(pc) =	sbr.abs _section_cstart, $3  }
0xc8: {  	[dreg:$0x1] =	wrdreg $0xFFFFFFFF  }
0xc9: {  	_ =	task.clear_ibuf [dreg:s9], $0x2FFFF;
	_ =	strace $0x9FFFFFFF  }
0xca: {  	(tm) =	ssettm $0x7FFFFFFF  }
0xcb: {  	_ =	shalt  }
tec
execute0_lowered:
.L_overlay_start_1:
0x0: {  	(tag) =	ssettag $0x1  }
0x1: {  	s1 =	rddreg [dreg:$0x0]  }
0x2: {  	s2 =	srdreg.scid;
	s4 =	rddreg [dreg:$0x1]  }
0x3: {  	s0 =	stileid.u32;
	s5 =	rddreg [dreg:$0x2]  }
0x4: {  	s3 =	simm.s32 $0x0;
	s19 =	simm.s32 $0x900;
	s20 =	simm.s32 $0x1100  }
0x5: {  	s21 =	simm.s32 $0x1900;
	s23 =	simm.s32 $0x2100;
	s24 =	simm.s32 $0x2900  }
0x6: {  	s25 =	simm.s32 $0x3100;
	s26 =	simm.s32 $0x3900;
	s8 =	simm.s32 $0x4900  }
0x7: {  	s9 =	simm.s32 $0x5100;
	s10 =	simm.s32 $0x5900;
	s11 =	simm.s32 $0x6100  }
0x8: {  	s12 =	simm.s32 $0x6900;
	s13 =	simm.s32 $0x7100;
	[smem:$0x7FF] =	sst s3  }
0x9: {  	s14 =	simm.s32 $0x7900;
	_ =	strace $0x80000047;
	[dreg:$0x6] =	wrdreg s19  }
0xa: {  	s15 =	simm.s32 $0x8100;
	s16 =	simm.s32 $0x8900;
	[dreg:$0x7] =	wrdreg s20  }
0xb: {  	s17 =	simm.s32 $0x9100;
	s28 =	simm.s32 $0xE100;
	[dreg:$0x8] =	wrdreg s21  }
0xc: {  	s29 =	simm.s32 $0xE900;
	s30 =	simm.s32 $0xF100;
	[dreg:$0x9] =	wrdreg s23  }
0xd: {  	s31 =	simm.s32 $0xF900;
	s2 =	sand.u32 $0x1, s2;
	[dreg:$0xa] =	wrdreg s24  }
0xe: {  	s6 =	sshll.u32 s0, $0x9;
	s7 =	sshll.u32 s2, $0x8;
	[dreg:$0xb] =	wrdreg s25  }
0xf: {  	s2 =	ssub.s32 $0x2, s2;
	[dreg:$0xc] =	wrdreg s26;
	s19 =	simm.s32 $0xA100  }
0x10: {  	s20 =	simm.s32 $0xA900;
	s21 =	simm.s32 $0xB100;
	s23 =	simm.s32 $0xC100  }
0x11: {  	s24 =	simm.s32 $0xC900;
	s25 =	simm.s32 $0xD100;
	s6 =	sor.u32 s7, s6  }
0x12: {  	s26 =	simm.s32 $0xD900;
	s22 =	sshrl.u32 s2, $0x1;
	s7 =	sshrl.u32 s6, $0x3  }
0x13: {  	s6 =	sshll.u32 s6, $0x5;
	s2 =	ssub.s32 s2, s22;
	s4 =	sadd.s32 s4, s7  }
0x14: {  	v2 =	vlaneseq.u32;
	s22 =	simm.s32 $0xB900;
	s18 =	sadd.s32 s5, s6;
	[dreg:$0x4] =	wrdreg s4  }
0x15: {  	vm0 =	vmmov $0xffff;
	v1 =	vshrl.u32 v2, $0x3;
	s5 =	simm.s32 $0x2;
	s6 =	simm.s32 $0x100;
	[dreg:$0x5] =	wrdreg s18  }
0x16: {  	v0 =	vand.u32 $0x7, v2;
	v2 =	vor.u32 $0x8, v2;
	v1 =	vmul.u32 $0x8, v1;
	s4 =	smax.u32 s2, $0x1;
	s18 =	simm.s32 $0x9900;
	s2 =	simm.s32 $0x1  }
.LBB2_1:
0x17: {  	s0 =	rddreg [dreg:$0x4]  }
0x18: {  	[tilespmem:s3], [sflag:$0x2] =	stream.linear.gather [hbm4b:s0+s3], $0x100, $0x38;
	[tilespmem:$0x10100] =	vst v63  }
0x19: {  	_ =	swait.ge [sflag:s5], $0x100  }
0x1a: {  	[sflag:s5] =	ssyncset.done $0x0  }
0x1b: {  	[sflag:s5] =	ssyncadd.s32 $0xFFFFFF00  }
0x1c: {  	v3 =	vld [tilespmem:$0x0];
	_ =	sdelay $0x4  }
0x1d: {  	v4 =	vshll.u32 v3, $0x1  }
0x1e: {  	v3 =	vand.u32 $0x7, v3;
	v4 =	vand.u32 $0xFFFFFFF0, v4  }
0x1f: {  	v3 =	vor.u32 v3, v4  }
0x20: {  	v4 =	vperm.xlane v3, v0;
	_ =	sdelay $0x1  }
0x21: {  	v3 =	vperm.xlane v3, v2;
	v4 =	vadd.s32 v1, v4;
	_ =	sdelay $0x1  }
0x22: {  	v3 =	vadd.s32 v1, v3;
	_ =	sdelay $0x2  }
0x23: {  	[tilespmem:s6], [sflag:$0x1] =	stream.indirect_vreg.gather [hbm4b:s1+s3], $0x80, v4, vm0, $0xb8;
	[tilespmem:$0x10100] =	vst v63  }
0x24: {  	s7 =	rddreg [dreg:$0x6]  }
0x25: {  	[tilespmem:s7], [sflag:$0x1] =	stream.indirect_vreg.gather [hbm4b:s1+s3], $0x80, v3, vm0, $0xb8;
	[tilespmem:$0x10100] =	vst v63  }
0x26: {  	v3 =	vld [tilespmem:$0x10];
	_ =	sdelay $0x4  }
0x27: {  	v49 =	vshll.u32 v3, $0x1  }
0x28: {  	v3 =	vand.u32 $0x7, v3;
	v4 =	vand.u32 $0xFFFFFFF0, v49  }
0x29: {  	v3 =	vor.u32 v3, v4  }
0x2a: {  	v4 =	vperm.xlane v3, v0;
	_ =	sdelay $0x1  }
0x2b: {  	v3 =	vperm.xlane v3, v2;
	v4 =	vadd.s32 v1, v4;
	_ =	sdelay $0x1  }
0x2c: {  	v3 =	vadd.s32 v1, v3;
	_ =	sdelay $0x1  }
0x2d: {  	s0 =	rddreg [dreg:$0x7]  }
0x2e: {  	[tilespmem:s0], [sflag:$0x1] =	stream.indirect_vreg.gather [hbm4b:s1+s3], $0x80, v4, vm0, $0xb8;
	[tilespmem:$0x10100] =	vst v63  }
0x2f: {  	s7 =	rddreg [dreg:$0x8]  }
0x30: {  	[tilespmem:s7], [sflag:$0x1] =	stream.indirect_vreg.gather [hbm4b:s1+s3], $0x80, v3, vm0, $0xb8;
	[tilespmem:$0x10100] =	vst v63  }
0x31: {  	v3 =	vld [tilespmem:$0x20];
	_ =	sdelay $0x4  }
0x32: {  	v50 =	vshll.u32 v3, $0x1  }
0x33: {  	v3 =	vand.u32 $0x7, v3;
	v4 =	vand.u32 $0xFFFFFFF0, v50  }
0x34: {  	v3 =	vor.u32 v3, v4  }
0x35: {  	v4 =	vperm.xlane v3, v0;
	_ =	sdelay $0x1  }
0x36: {  	v3 =	vperm.xlane v3, v2;
	v4 =	vadd.s32 v1, v4;
	_ =	sdelay $0x1  }
0x37: {  	v3 =	vadd.s32 v1, v3;
	_ =	sdelay $0x1  }
0x38: {  	s0 =	rddreg [dreg:$0x9]  }
0x39: {  	[tilespmem:s0], [sflag:$0x1] =	stream.indirect_vreg.gather [hbm4b:s1+s3], $0x80, v4, vm0, $0xb8;
	[tilespmem:$0x10100] =	vst v63  }
0x3a: {  	s7 =	rddreg [dreg:$0xa]  }
0x3b: {  	[tilespmem:s7], [sflag:$0x1] =	stream.indirect_vreg.gather [hbm4b:s1+s3], $0x80, v3, vm0, $0xb8;
	[tilespmem:$0x10100] =	vst v63  }
0x3c: {  	v3 =	vld [tilespmem:$0x30];
	_ =	sdelay $0x4  }
0x3d: {  	v51 =	vshll.u32 v3, $0x1  }
0x3e: {  	v3 =	vand.u32 $0x7, v3;
	v4 =	vand.u32 $0xFFFFFFF0, v51  }
0x3f: {  	v3 =	vor.u32 v3, v4  }
0x40: {  	v4 =	vperm.xlane v3, v0;
	_ =	sdelay $0x1  }
0x41: {  	v3 =	vperm.xlane v3, v2;
	v4 =	vadd.s32 v1, v4;
	_ =	sdelay $0x1  }
0x42: {  	v3 =	vadd.s32 v1, v3;
	_ =	sdelay $0x1  }
0x43: {  	s0 =	rddreg [dreg:$0xb]  }
0x44: {  	[tilespmem:s0], [sflag:$0x1] =	stream.indirect_vreg.gather [hbm4b:s1+s3], $0x80, v4, vm0, $0xb8;
	[tilespmem:$0x10100] =	vst v63  }
0x45: {  	s7 =	rddreg [dreg:$0xc]  }
0x46: {  	[tilespmem:s7], [sflag:$0x1] =	stream.indirect_vreg.gather [hbm4b:s1+s3], $0x80, v3, vm0, $0xb8;
	[tilespmem:$0x10100] =	vst v63  }
0x47: {  	v3 =	vld [tilespmem:$0x40];
	_ =	sdelay $0x4  }
0x48: {  	v52 =	vshll.u32 v3, $0x1  }
0x49: {  	v3 =	vand.u32 $0x7, v3;
	v4 =	vand.u32 $0xFFFFFFF0, v52  }
0x4a: {  	v3 =	vor.u32 v3, v4  }
0x4b: {  	v4 =	vperm.xlane v3, v0;
	_ =	sdelay $0x1  }
0x4c: {  	v3 =	vperm.xlane v3, v2;
	v4 =	vadd.s32 v1, v4;
	_ =	sdelay $0x1  }
0x4d: {  	v3 =	vadd.s32 v1, v3;
	_ =	sdelay $0x1  }
0x4e: {  	s7 =	simm.s32 $0x4100  }
0x4f: {  	[tilespmem:s7], [sflag:$0x1] =	stream.indirect_vreg.gather [hbm4b:s1+s3], $0x80, v4, vm0, $0xb8;
	[tilespmem:$0x10100] =	vst v63  }
0x50: {  	_ = 	snop  }
0x51: {  	[tilespmem:s8], [sflag:$0x1] =	stream.indirect_vreg.gather [hbm4b:s1+s3], $0x80, v3, vm0, $0xb8;
	[tilespmem:$0x10100] =	vst v63  }
0x52: {  	v3 =	vld [tilespmem:$0x50];
	_ =	sdelay $0x4  }
0x53: {  	v53 =	vshll.u32 v3, $0x1  }
0x54: {  	v3 =	vand.u32 $0x7, v3;
	v4 =	vand.u32 $0xFFFFFFF0, v53  }
0x55: {  	v3 =	vor.u32 v3, v4  }
0x56: {  	v4 =	vperm.xlane v3, v0;
	_ =	sdelay $0x1  }
0x57: {  	v3 =	vperm.xlane v3, v2;
	v4 =	vadd.s32 v1, v4;
	_ =	sdelay $0x1  }
0x58: {  	v3 =	vadd.s32 v1, v3;
	_ =	sdelay $0x2  }
0x59: {  	[tilespmem:s9], [sflag:$0x1] =	stream.indirect_vreg.gather [hbm4b:s1+s3], $0x80, v4, vm0, $0xb8;
	[tilespmem:$0x10100] =	vst v63  }
0x5a: {  	_ = 	snop  }
0x5b: {  	[tilespmem:s10], [sflag:$0x1] =	stream.indirect_vreg.gather [hbm4b:s1+s3], $0x80, v3, vm0, $0xb8;
	[tilespmem:$0x10100] =	vst v63  }
0x5c: {  	v3 =	vld [tilespmem:$0x60];
	_ =	sdelay $0x4  }
0x5d: {  	v54 =	vshll.u32 v3, $0x1  }
0x5e: {  	v3 =	vand.u32 $0x7, v3;
	v4 =	vand.u32 $0xFFFFFFF0, v54  }
0x5f: {  	v3 =	vor.u32 v3, v4  }
0x60: {  	v4 =	vperm.xlane v3, v0;
	_ =	sdelay $0x1  }
0x61: {  	v3 =	vperm.xlane v3, v2;
	v4 =	vadd.s32 v1, v4;
	_ =	sdelay $0x1  }
0x62: {  	v3 =	vadd.s32 v1, v3;
	_ =	sdelay $0x2  }
0x63: {  	[tilespmem:s11], [sflag:$0x1] =	stream.indirect_vreg.gather [hbm4b:s1+s3], $0x80, v4, vm0, $0xb8;
	[tilespmem:$0x10100] =	vst v63  }
0x64: {  	_ = 	snop  }
0x65: {  	[tilespmem:s12], [sflag:$0x1] =	stream.indirect_vreg.gather [hbm4b:s1+s3], $0x80, v3, vm0, $0xb8;
	[tilespmem:$0x10100] =	vst v63  }
0x66: {  	v3 =	vld [tilespmem:$0x70];
	_ =	sdelay $0x4  }
0x67: {  	v55 =	vshll.u32 v3, $0x1  }
0x68: {  	v3 =	vand.u32 $0x7, v3;
	v4 =	vand.u32 $0xFFFFFFF0, v55  }
0x69: {  	v3 =	vor.u32 v3, v4  }
0x6a: {  	v4 =	vperm.xlane v3, v0;
	_ =	sdelay $0x1  }
0x6b: {  	v3 =	vperm.xlane v3, v2;
	v4 =	vadd.s32 v1, v4;
	_ =	sdelay $0x1  }
0x6c: {  	v3 =	vadd.s32 v1, v3;
	_ =	sdelay $0x2  }
0x6d: {  	[tilespmem:s13], [sflag:$0x1] =	stream.indirect_vreg.gather [hbm4b:s1+s3], $0x80, v4, vm0, $0xb8;
	[tilespmem:$0x10100] =	vst v63  }
0x6e: {  	_ = 	snop  }
0x6f: {  	[tilespmem:s14], [sflag:$0x1] =	stream.indirect_vreg.gather [hbm4b:s1+s3], $0x80, v3, vm0, $0xb8;
	[tilespmem:$0x10100] =	vst v63  }
0x70: {  	v3 =	vld [tilespmem:$0x80];
	_ =	sdelay $0x4  }
0x71: {  	v56 =	vshll.u32 v3, $0x1  }
0x72: {  	v3 =	vand.u32 $0x7, v3;
	v4 =	vand.u32 $0xFFFFFFF0, v56  }
0x73: {  	v3 =	vor.u32 v3, v4  }
0x74: {  	v4 =	vperm.xlane v3, v0;
	_ =	sdelay $0x1  }
0x75: {  	v3 =	vperm.xlane v3, v2;
	v4 =	vadd.s32 v1, v4;
	_ =	sdelay $0x1  }
0x76: {  	v3 =	vadd.s32 v1, v3;
	_ =	sdelay $0x2  }
0x77: {  	[tilespmem:s15], [sflag:$0x1] =	stream.indirect_vreg.gather [hbm4b:s1+s3], $0x80, v4, vm0, $0xb8;
	[tilespmem:$0x10100] =	vst v63  }
0x78: {  	_ = 	snop  }
0x79: {  	[tilespmem:s16], [sflag:$0x1] =	stream.indirect_vreg.gather [hbm4b:s1+s3], $0x80, v3, vm0, $0xb8;
	[tilespmem:$0x10100] =	vst v63  }
0x7a: {  	v3 =	vld [tilespmem:$0x90];
	_ =	sdelay $0x4  }
0x7b: {  	v57 =	vshll.u32 v3, $0x1  }
0x7c: {  	v3 =	vand.u32 $0x7, v3;
	v4 =	vand.u32 $0xFFFFFFF0, v57  }
0x7d: {  	v3 =	vor.u32 v3, v4  }
0x7e: {  	v4 =	vperm.xlane v3, v0;
	_ =	sdelay $0x1  }
0x7f: {  	v3 =	vperm.xlane v3, v2;
	v4 =	vadd.s32 v1, v4;
	_ =	sdelay $0x1  }
0x80: {  	v3 =	vadd.s32 v1, v3;
	_ =	sdelay $0x2  }
0x81: {  	[tilespmem:s17], [sflag:$0x1] =	stream.indirect_vreg.gather [hbm4b:s1+s3], $0x80, v4, vm0, $0xb8;
	[tilespmem:$0x10100] =	vst v63  }
0x82: {  	_ = 	snop  }
0x83: {  	[tilespmem:s18], [sflag:$0x1] =	stream.indirect_vreg.gather [hbm4b:s1+s3], $0x80, v3, vm0, $0xb8;
	[tilespmem:$0x10100] =	vst v63  }
0x84: {  	v3 =	vld [tilespmem:$0xA0];
	_ =	sdelay $0x4  }
0x85: {  	v58 =	vshll.u32 v3, $0x1  }
0x86: {  	v3 =	vand.u32 $0x7, v3;
	v4 =	vand.u32 $0xFFFFFFF0, v58  }
0x87: {  	v3 =	vor.u32 v3, v4  }
0x88: {  	v4 =	vperm.xlane v3, v0;
	_ =	sdelay $0x1  }
0x89: {  	v3 =	vperm.xlane v3, v2;
	v4 =	vadd.s32 v1, v4;
	_ =	sdelay $0x1  }
0x8a: {  	v3 =	vadd.s32 v1, v3;
	_ =	sdelay $0x2  }
0x8b: {  	[tilespmem:s19], [sflag:$0x1] =	stream.indirect_vreg.gather [hbm4b:s1+s3], $0x80, v4, vm0, $0xb8;
	[tilespmem:$0x10100] =	vst v63  }
0x8c: {  	_ = 	snop  }
0x8d: {  	[tilespmem:s20], [sflag:$0x1] =	stream.indirect_vreg.gather [hbm4b:s1+s3], $0x80, v3, vm0, $0xb8;
	[tilespmem:$0x10100] =	vst v63  }
0x8e: {  	v3 =	vld [tilespmem:$0xB0];
	_ =	sdelay $0x4  }
0x8f: {  	v59 =	vshll.u32 v3, $0x1  }
0x90: {  	v3 =	vand.u32 $0x7, v3;
	v4 =	vand.u32 $0xFFFFFFF0, v59  }
0x91: {  	v3 =	vor.u32 v3, v4  }
0x92: {  	v4 =	vperm.xlane v3, v0;
	_ =	sdelay $0x1  }
0x93: {  	v3 =	vperm.xlane v3, v2;
	v4 =	vadd.s32 v1, v4;
	_ =	sdelay $0x1  }
0x94: {  	v3 =	vadd.s32 v1, v3;
	_ =	sdelay $0x2  }
0x95: {  	[tilespmem:s21], [sflag:$0x1] =	stream.indirect_vreg.gather [hbm4b:s1+s3], $0x80, v4, vm0, $0xb8;
	[tilespmem:$0x10100] =	vst v63  }
0x96: {  	_ = 	snop  }
0x97: {  	[tilespmem:s22], [sflag:$0x1] =	stream.indirect_vreg.gather [hbm4b:s1+s3], $0x80, v3, vm0, $0xb8;
	[tilespmem:$0x10100] =	vst v63  }
0x98: {  	v3 =	vld [tilespmem:$0xC0];
	_ =	sdelay $0x4  }
0x99: {  	v60 =	vshll.u32 v3, $0x1  }
0x9a: {  	v3 =	vand.u32 $0x7, v3;
	v4 =	vand.u32 $0xFFFFFFF0, v60  }
0x9b: {  	v3 =	vor.u32 v3, v4  }
0x9c: {  	v4 =	vperm.xlane v3, v0;
	_ =	sdelay $0x1  }
0x9d: {  	v3 =	vperm.xlane v3, v2;
	v4 =	vadd.s32 v1, v4;
	_ =	sdelay $0x1  }
0x9e: {  	v3 =	vadd.s32 v1, v3;
	_ =	sdelay $0x2  }
0x9f: {  	[tilespmem:s23], [sflag:$0x1] =	stream.indirect_vreg.gather [hbm4b:s1+s3], $0x80, v4, vm0, $0xb8;
	[tilespmem:$0x10100] =	vst v63  }
0xa0: {  	_ = 	snop  }
0xa1: {  	[tilespmem:s24], [sflag:$0x1] =	stream.indirect_vreg.gather [hbm4b:s1+s3], $0x80, v3, vm0, $0xb8;
	[tilespmem:$0x10100] =	vst v63  }
0xa2: {  	v3 =	vld [tilespmem:$0xD0];
	_ =	sdelay $0x4  }
0xa3: {  	v61 =	vshll.u32 v3, $0x1  }
0xa4: {  	v3 =	vand.u32 $0x7, v3;
	v4 =	vand.u32 $0xFFFFFFF0, v61  }
0xa5: {  	v3 =	vor.u32 v3, v4  }
0xa6: {  	v4 =	vperm.xlane v3, v0;
	_ =	sdelay $0x1  }
0xa7: {  	v3 =	vperm.xlane v3, v2;
	v4 =	vadd.s32 v1, v4;
	_ =	sdelay $0x1  }
0xa8: {  	v3 =	vadd.s32 v1, v3;
	_ =	sdelay $0x2  }
0xa9: {  	[tilespmem:s25], [sflag:$0x1] =	stream.indirect_vreg.gather [hbm4b:s1+s3], $0x80, v4, vm0, $0xb8;
	[tilespmem:$0x10100] =	vst v63  }
0xaa: {  	_ = 	snop  }
0xab: {  	[tilespmem:s26], [sflag:$0x1] =	stream.indirect_vreg.gather [hbm4b:s1+s3], $0x80, v3, vm0, $0xb8;
	[tilespmem:$0x10100] =	vst v63  }
0xac: {  	v3 =	vld [tilespmem:$0xE0];
	_ =	sdelay $0x4  }
0xad: {  	v62 =	vshll.u32 v3, $0x1  }
0xae: {  	v3 =	vand.u32 $0x7, v3;
	v4 =	vand.u32 $0xFFFFFFF0, v62  }
0xaf: {  	v3 =	vor.u32 v3, v4  }
0xb0: {  	v4 =	vperm.xlane v3, v0;
	_ =	sdelay $0x1  }
0xb1: {  	v3 =	vperm.xlane v3, v2;
	v4 =	vadd.s32 v1, v4;
	_ =	sdelay $0x1  }
0xb2: {  	v3 =	vadd.s32 v1, v3;
	_ =	sdelay $0x2  }
0xb3: {  	[tilespmem:s28], [sflag:$0x1] =	stream.indirect_vreg.gather [hbm4b:s1+s3], $0x80, v4, vm0, $0xb8;
	[tilespmem:$0x10100] =	vst v63  }
0xb4: {  	_ = 	snop  }
0xb5: {  	[tilespmem:s29], [sflag:$0x1] =	stream.indirect_vreg.gather [hbm4b:s1+s3], $0x80, v3, vm0, $0xb8;
	[tilespmem:$0x10100] =	vst v63  }
0xb6: {  	v3 =	vld [tilespmem:$0xF0];
	_ =	sdelay $0x4  }
0xb7: {  	v63 =	vshll.u32 v3, $0x1  }
0xb8: {  	v3 =	vand.u32 $0x7, v3;
	v4 =	vand.u32 $0xFFFFFFF0, v63  }
0xb9: {  	v3 =	vor.u32 v3, v4  }
0xba: {  	v4 =	vperm.xlane v3, v0;
	_ =	sdelay $0x1  }
0xbb: {  	v3 =	vperm.xlane v3, v2;
	v4 =	vadd.s32 v1, v4;
	_ =	sdelay $0x1  }
0xbc: {  	v3 =	vadd.s32 v1, v3;
	_ =	sdelay $0x2  }
0xbd: {  	[tilespmem:s30], [sflag:$0x1] =	stream.indirect_vreg.gather [hbm4b:s1+s3], $0x80, v4, vm0, $0xb8;
	[tilespmem:$0x10100] =	vst v63  }
0xbe: {  	_ = 	snop  }
0xbf: {  	[tilespmem:s31], [sflag:$0x1] =	stream.indirect_vreg.gather [hbm4b:s1+s3], $0x80, v3, vm0, $0xb8;
	[tilespmem:$0x10100] =	vst v63  }
0xc0: {  	_ =	swait.ge [sflag:s2], $0x10000  }
0xc1: {  	p0 =	sne.s32 s4, $0x1;
	[sflag:s2] =	ssyncset.done $0x0  }
.Ltmp0:
0xc2: {  	s7 =	rddreg [dreg:$0x5];
	[sflag:s2] =	ssyncadd.s32 $0xFFFF0000;
	(pc) =	sbr.rel @p0 .LBB2_1-.Ltmp0, $4  }
0xc3: {  	[hbm4b:s7+s3] =	stream.linear.scatter [tilespmem:s6], [sflag:$0x2], $0x10000, $0x38;
	[tilespmem:$0x10100] =	vst v63  }
0xc4: {  	_ =	swait.ge [sflag:s5], $0x10000  }
0xc5: {  	[sflag:s5] =	ssyncset.done $0x0  }
0xc6: {  	s4 =	sadd.s32 $0xFFFFFFFF, s4;
	[sflag:s5] =	ssyncadd.s32 $0xFFFF0000  }
0xc7: {  	_ =	sfence.sel $0x180000  }
0xc8: {  	[bflag:$0x0] =	sbarrier.arrive $0xFFFF  }
0xc9: {  	_ =	strace $0x90000047  }
0xca: {  	s0 =	stileid.u32;
	[bflag:$0x2] =	sbarrier.arrive $0xFFFF  }
0xcb: {  	p0 =	sne.s32 s0, $0x0;
	s0 =	rddreg [dreg:$0x3]  }
0xcc: {  	s0 =	sadd.s32 @!p0 $0x100000, s0  }
0xcd: {  	[sflag:s0] =	ssyncadd.tile.s32 @!p0 $0x1;
	_ =	shalt  }
.Lfunc_end2:
_tile_overlayer_lowered:
.L_overlay_start_2:
0xce: {  	(tag) =	ssettag $0x2  }
0xcf: {  	s0 =	rddreg [dreg:$0x0];
	s2 =	stileid.u32  }
0xd0: {  	s1 =	rddreg [dreg:$0x1];
	p0 =	sne.s32 s2, $0x0  }
0xd1: {  	s3 =	rddreg [dreg:$0x2];
	[bflag:$0x3] =	sbarrier.arrive $0xFFFF;
	s2 =	simm.s32 @!p0 $0x1C02  }
0xd2: {  	[timem:s3], [sflag:s2] =	dma.local @!p0 [hbm:s0], s1  }
0xd3: {  	s0 =	simm.s32 @!p0 $0x2  }
0xd4: {  	_ =	swait.ge @!p0 [sflag:s0], s1  }
0xd5: {  	s1 =	ssub.s32 @!p0 $0x0, s1;
	[sflag:s0] =	ssyncset.done @!p0 $0x0  }
0xd6: {  	[sflag:s0] =	ssyncadd.s32 @!p0 s1  }
0xd7: {  	[bflag:$0x3] =	sbarrier.arrive $0xFFFF  }
0xd8: {  	_ =	shalt  }

</sc_bundles>
